<compile_context>
chip_gen: v7x
topology: tpu7x:2x2x1
jax: 0.10.2.dev20260603
libtpu: 0.0.44.dev20260713+nightly
codegen_flags: <defaults>
</compile_context>

<pallas_src>
import jax
import jax.numpy as jnp
from jax import lax
from jax.experimental import pallas as pl
from jax.experimental.pallas import tpu as pltpu
from jax.experimental.pallas import tpu_sc as plsc

N = 10000
E = 320000
NCAT = 4
VOCAB = 1000
HID = 128
OUT = 16

NW = 32
PADN = 10240

EB = 80
NBLK = 4000
BPW = NBLK // NW
CHUNK = 25
NCHUNK = BPW // CHUNK

EB2 = 512
NBLK2 = 640
BPW2 = NBLK2 // NW
CHUNK2 = 20
NCHUNK2 = BPW2 // CHUNK2

_mesh = plsc.VectorSubcoreMesh(core_axis_name="c", subcore_axis_name="s")
_f32 = jnp.float32
_i32 = jnp.int32


def _zero2d(ref, nrows, width):
    @pl.loop(0, nrows)
    def _(r):
        for c in range(width // 16):
            ref[r, pl.ds(c * 16, 16)] = jnp.zeros((16,), _f32)


def _dump_core_slice(sh, hbm_core, sid):
    d0 = sid * 624
    pltpu.sync_copy(sh.at[pl.ds(d0, 624)], hbm_core.at[pl.ds(d0, 624)])

    @pl.when(sid == 15)
    def _():
        pltpu.sync_copy(sh.at[pl.ds(9984, 16)], hbm_core.at[pl.ds(9984, 16)])


def _agg_loop(tbl_hbm, src_hbm, dst_hbm, acc_sh, srcc, dstc, rows, gsems,
              ssems, start, chunk, nchunk):
    @pl.loop(0, nchunk)
    def _(ci):
        c0 = start + ci * chunk
        pltpu.sync_copy(src_hbm.at[pl.ds(c0, chunk)], srcc)
        pltpu.sync_copy(dst_hbm.at[pl.ds(c0, chunk)], dstc)
        pltpu.async_copy(tbl_hbm.at[srcc.at[0]], rows[0], gsems[0])

        @pl.loop(0, chunk // 2)
        def _(pi):
            for half in range(2):
                b = pi * 2 + half
                o = 1 - half

                @pl.when(b >= 1)
                def _():
                    pltpu.make_async_copy(
                        rows[o], acc_sh.at[dstc.at[0]], ssems[o]
                    ).wait()

                @pl.when(b + 1 < chunk)
                def _():
                    pltpu.async_copy(tbl_hbm.at[srcc.at[b + 1]], rows[o], gsems[o])

                pltpu.make_async_copy(
                    tbl_hbm.at[srcc.at[b]], rows[half], gsems[half]
                ).wait()
                pltpu.async_copy(
                    rows[half], acc_sh.at[dstc.at[b]], ssems[half], add=True
                )

        if chunk % 2:
            bl = chunk - 1
            pltpu.make_async_copy(rows[1], acc_sh.at[dstc.at[0]], ssems[1]).wait()
            pltpu.make_async_copy(tbl_hbm.at[srcc.at[bl]], rows[0], gsems[0]).wait()
            pltpu.async_copy(rows[0], acc_sh.at[dstc.at[bl]], ssems[0], add=True)
            pltpu.make_async_copy(rows[0], acc_sh.at[dstc.at[0]], ssems[0]).wait()
        else:
            pltpu.make_async_copy(rows[1], acc_sh.at[dstc.at[0]], ssems[1]).wait()


def _k1_fold(emb_ref, w_ref, f_ref):
    f_ref[0] = jnp.dot(emb_ref[0], w_ref[0], preferred_element_type=_f32)


def _k1_dense(x_ref, w_ref, b_ref, r_ref):
    r_ref[...] = (
        jnp.dot(x_ref[...], w_ref[...], preferred_element_type=_f32) + b_ref[...]
    )


RB = 80
NRB = N // RB


def _k2_body(r_hbm, f_hbm, cat_hbm, dst_hbm, h1p_hbm, deg_hbm,
             idx0, idx1, acc0, acc1, dstc, ones_v, z16, f_sh, deg_sh,
             gsem0, gsem1, wsem0, wsem1, ssem0, ssem1):
    cid = lax.axis_index("c")
    sid = lax.axis_index("s")
    wid = sid * 2 + cid
    idxs = (idx0, idx1)
    accs = (acc0, acc1)
    gsems = (gsem0, gsem1)
    wsems = (wsem0, wsem1)
    ssems = (ssem0, ssem1)

    @pl.loop(0, EB2)
    def _(r):
        ones_v[r, :] = jnp.ones((16,), _f32)

    _zero2d(z16, 128, 16)
    z0 = sid * 640
    for k in range(5):
        pltpu.sync_copy(z16, deg_sh.at[pl.ds(z0 + k * 128, 128)])
    pltpu.sync_copy(f_hbm.at[pl.ds(sid * 250, 250)], f_sh.at[pl.ds(sid * 250, 250)])
    plsc.subcore_barrier()

    nblk = jnp.where(wid < 29, 4, 3)
    start = jnp.where(wid < 29, 4 * wid, 3 * wid + 29)

    for bi in range(5):
        k = bi % 2
        o = (bi - 1) % 2

        if bi < 4:
            @pl.when(bi < nblk)
            def _():
                b = start + bi
                if bi >= 2:
                    pltpu.make_async_copy(
                        accs[k], h1p_hbm.at[pl.ds(0, RB)], wsems[k]
                    ).wait()
                pltpu.sync_copy(
                    cat_hbm.at[pl.ds(b * (NCAT * RB), NCAT * RB)], idxs[k]
                )
                pltpu.sync_copy(r_hbm.at[pl.ds(b * RB, RB)], accs[k])
                for j in range(NCAT):
                    pltpu.async_copy(
                        f_sh.at[idxs[k].at[pl.ds(j * RB, RB)]],
                        accs[k], gsems[k], add=True,
                    )

        if bi >= 1:
            @pl.when(bi - 1 < nblk)
            def _():
                bp = start + (bi - 1)
                for j in range(NCAT):
                    pltpu.make_async_copy(
                        f_sh.at[idxs[o].at[pl.ds(j * RB, RB)]],
                        accs[o], gsems[o],
                    ).wait()
                pltpu.async_copy(
                    accs[o], h1p_hbm.at[pl.ds(bp * RB, RB)], wsems[o]
                )

    estart = wid * BPW2

    @pl.loop(0, NCHUNK2)
    def _(ci):
        pltpu.sync_copy(dst_hbm.at[pl.ds(estart + ci * CHUNK2, CHUNK2)], dstc)

        @pl.loop(0, CHUNK2 // 2)
        def _(pi):
            for half in range(2):
                b = pi * 2 + half

                @pl.when(b >= 2)
                def _():
                    pltpu.make_async_copy(
                        ones_v, deg_sh.at[dstc.at[0]], ssems[half]
                    ).wait()

                pltpu.async_copy(
                    ones_v, deg_sh.at[dstc.at[b]], ssems[half], add=True
                )

        pltpu.make_async_copy(ones_v, deg_sh.at[dstc.at[0]], ssems[0]).wait()
        pltpu.make_async_copy(ones_v, deg_sh.at[dstc.at[0]], ssems[1]).wait()

    pltpu.make_async_copy(acc0, h1p_hbm.at[pl.ds(0, RB)], wsem0).wait()
    pltpu.make_async_copy(acc1, h1p_hbm.at[pl.ds(0, RB)], wsem1).wait()

    plsc.subcore_barrier()
    _dump_core_slice(deg_sh, deg_hbm.at[cid], sid)


def _k3_body(h1p_hbm, src_hbm, dst_hbm, agg_hbm,
             srcc, dstc, rows0, rows1, acc_sh, gsem0, gsem1, ssem0, ssem1):
    cid = lax.axis_index("c")
    sid = lax.axis_index("s")
    wid = sid * 2 + cid

    _zero2d(rows0, EB, HID)
    z0 = sid * 640
    for k in range(640 // EB):
        pltpu.sync_copy(rows0, acc_sh.at[pl.ds(z0 + k * EB, EB)])
    plsc.subcore_barrier()

    _agg_loop(h1p_hbm, src_hbm, dst_hbm, acc_sh, srcc, dstc, (rows0, rows1),
              (gsem0, gsem1), (ssem0, ssem1), wid * BPW, CHUNK, NCHUNK)

    plsc.subcore_barrier()
    _dump_core_slice(acc_sh, agg_hbm.at[cid], sid)


def _k5_body(h2_hbm, src_hbm, dst_hbm, agg_hbm,
             srcc, dstc, rows0, rows1, z16, h2_sh, acc_sh,
             gsem0, gsem1, ssem0, ssem1):
    cid = lax.axis_index("c")
    sid = lax.axis_index("s")
    wid = sid * 2 + cid

    _zero2d(z16, 128, 16)
    z0 = sid * 640
    for k in range(5):
        pltpu.sync_copy(z16, acc_sh.at[pl.ds(z0 + k * 128, 128)])
    pltpu.sync_copy(h2_hbm.at[pl.ds(sid * 625, 625)], h2_sh.at[pl.ds(sid * 625, 625)])
    plsc.subcore_barrier()

    _agg_loop(h2_sh, src_hbm, dst_hbm, acc_sh, srcc, dstc, (rows0, rows1),
              (gsem0, gsem1), (ssem0, ssem1), wid * BPW2, CHUNK2, NCHUNK2)

    plsc.subcore_barrier()
    _dump_core_slice(acc_sh, agg_hbm.at[cid], sid)


def _k4_body(h1p_ref, agg_ref, deg_ref, w2_ref, b2_ref, h2_ref):
    norm = deg_ref[0, :, 0:1] + deg_ref[1, :, 0:1] + 1.0
    h1 = jnp.maximum((h1p_ref[...] + agg_ref[0] + agg_ref[1]) / norm, 0.0)
    h2_ref[...] = (
        jnp.dot(h1, w2_ref[...], preferred_element_type=_f32) + b2_ref[...]
    )


def _k6_body(h2_ref, agg_ref, deg_ref, m_ref,
             w1_ref, b1_ref, w2_ref, b2_ref, w3_ref, b3_ref, out_ref):
    norm = deg_ref[0, :, 0:1] + deg_ref[1, :, 0:1] + 1.0
    ge = (h2_ref[...] + agg_ref[0] + agg_ref[1]) / norm
    x = jnp.maximum(jnp.dot(ge, w1_ref[...], preferred_element_type=_f32) + b1_ref[...], 0.0)
    x = jnp.maximum(jnp.dot(x, w2_ref[...], preferred_element_type=_f32) + b2_ref[...], 0.0)
    logits = jnp.dot(x, w3_ref[...], preferred_element_type=_f32) + b3_ref[...]
    sel = jnp.where(m_ref[...] > 0.5, logits, -jnp.inf)
    mx = jnp.max(sel)
    e = jnp.exp(sel - mx)
    out_ref[...] = e / jnp.sum(e)


def kernel(real_features, cat_features, edge_index, mask,
           emb0, emb1, emb2, emb3, W1, b1, W2, b2,
           fc1_w, fc1_b, fc2_w, fc2_b, fc3_w, fc3_b):
    cat = cat_features.astype(_i32)
    src = edge_index[0].astype(_i32)
    dst = edge_index[1].astype(_i32)

    src2d = src.reshape(NBLK, EB)
    dst2d = dst.reshape(NBLK, EB)
    npad = NBLK2 * EB2 - E
    pad_src = (jnp.arange(npad, dtype=_i32) * 131) % N
    pad_dst = N + (jnp.arange(npad, dtype=_i32) % 240)
    src2d_w = jnp.concatenate([src, pad_src]).reshape(NBLK2, EB2)
    dst2d_w = jnp.concatenate([dst, pad_dst]).reshape(NBLK2, EB2)

    cat_off = cat + (jnp.arange(NCAT, dtype=_i32) * VOCAB)[None, :]
    cat_flat = cat_off.reshape(NRB, RB, NCAT).transpose(0, 2, 1).reshape(-1)

    W1r = W1[:HID]
    W1e = W1[HID:].reshape(NCAT, 64, HID)
    embs = jnp.stack([emb0, emb1, emb2, emb3])
    b1r = b1.reshape(1, HID)
    b2r = b2.reshape(1, OUT)
    maskf = mask.astype(_f32).reshape(N, 1)

    F = pl.pallas_call(
        _k1_fold,
        grid=(NCAT,),
        in_specs=[
            pl.BlockSpec((1, VOCAB, 64), lambda j: (j, 0, 0)),
            pl.BlockSpec((1, 64, HID), lambda j: (j, 0, 0)),
        ],
        out_specs=pl.BlockSpec((1, VOCAB, HID), lambda j: (j, 0, 0)),
        out_shape=jax.ShapeDtypeStruct((NCAT, VOCAB, HID), _f32),
    )(embs, W1e)

    RBLK = 1000
    R = pl.pallas_call(
        _k1_dense,
        grid=(N // RBLK,),
        in_specs=[
            pl.BlockSpec((RBLK, HID), lambda i: (i, 0)),
            pl.BlockSpec((HID, HID), lambda i: (0, 0)),
            pl.BlockSpec((1, HID), lambda i: (0, 0)),
        ],
        out_specs=pl.BlockSpec((RBLK, HID), lambda i: (i, 0)),
        out_shape=jax.ShapeDtypeStruct((N, HID), _f32),
    )(real_features, W1r, b1r)

    h1p, deg = pl.kernel(
        _k2_body,
        out_type=(
            jax.ShapeDtypeStruct((N, HID), _f32),
            jax.ShapeDtypeStruct((2, N, 16), _f32),
        ),
        mesh=_mesh,
        compiler_params=pltpu.CompilerParams(use_tc_tiling_on_sc=False),
        scratch_types=[
            pltpu.VMEM((NCAT * RB,), _i32),
            pltpu.VMEM((NCAT * RB,), _i32),
            pltpu.VMEM((RB, HID), _f32),
            pltpu.VMEM((RB, HID), _f32),
            pltpu.VMEM((CHUNK2, EB2), _i32),
            pltpu.VMEM((EB2, 16), _f32),
            pltpu.VMEM((128, 16), _f32),
            pltpu.VMEM_SHARED((NCAT * VOCAB, HID), _f32),
            pltpu.VMEM_SHARED((PADN, 16), _f32),
            pltpu.SemaphoreType.DMA,
            pltpu.SemaphoreType.DMA,
            pltpu.SemaphoreType.DMA,
            pltpu.SemaphoreType.DMA,
            pltpu.SemaphoreType.DMA,
            pltpu.SemaphoreType.DMA,
        ],
    )(R, F.reshape(NCAT * VOCAB, HID), cat_flat, dst2d_w)

    agg1 = pl.kernel(
        _k3_body,
        out_type=jax.ShapeDtypeStruct((2, N, HID), _f32),
        mesh=_mesh,
        compiler_params=pltpu.CompilerParams(use_tc_tiling_on_sc=False),
        scratch_types=[
            pltpu.VMEM((CHUNK, EB), _i32),
            pltpu.VMEM((CHUNK, EB), _i32),
            pltpu.VMEM((EB, HID), _f32),
            pltpu.VMEM((EB, HID), _f32),
            pltpu.VMEM_SHARED((PADN, HID), _f32),
            pltpu.SemaphoreType.DMA,
            pltpu.SemaphoreType.DMA,
            pltpu.SemaphoreType.DMA,
            pltpu.SemaphoreType.DMA,
        ],
    )(h1p, src2d, dst2d)

    h2 = pl.pallas_call(
        _k4_body,
        grid=(N // RBLK,),
        in_specs=[
            pl.BlockSpec((RBLK, HID), lambda i: (i, 0)),
            pl.BlockSpec((2, RBLK, HID), lambda i: (0, i, 0)),
            pl.BlockSpec((2, RBLK, 16), lambda i: (0, i, 0)),
            pl.BlockSpec((HID, OUT), lambda i: (0, 0)),
            pl.BlockSpec((1, OUT), lambda i: (0, 0)),
        ],
        out_specs=pl.BlockSpec((RBLK, OUT), lambda i: (i, 0)),
        out_shape=jax.ShapeDtypeStruct((N, OUT), _f32),
    )(h1p, agg1, deg, W2, b2r)

    agg2 = pl.kernel(
        _k5_body,
        out_type=jax.ShapeDtypeStruct((2, N, OUT), _f32),
        mesh=_mesh,
        compiler_params=pltpu.CompilerParams(use_tc_tiling_on_sc=False),
        scratch_types=[
            pltpu.VMEM((CHUNK2, EB2), _i32),
            pltpu.VMEM((CHUNK2, EB2), _i32),
            pltpu.VMEM((EB2, OUT), _f32),
            pltpu.VMEM((EB2, OUT), _f32),
            pltpu.VMEM((128, 16), _f32),
            pltpu.VMEM_SHARED((N, OUT), _f32),
            pltpu.VMEM_SHARED((PADN, OUT), _f32),
            pltpu.SemaphoreType.DMA,
            pltpu.SemaphoreType.DMA,
            pltpu.SemaphoreType.DMA,
            pltpu.SemaphoreType.DMA,
        ],
    )(h2, src2d_w, dst2d_w)

    probs = pl.pallas_call(
        _k6_body,
        out_shape=jax.ShapeDtypeStruct((N, 1), _f32),
    )(h2, agg2, deg, maskf,
      fc1_w, fc1_b.reshape(1, 24), fc2_w, fc2_b.reshape(1, 24),
      fc3_w, fc3_b.reshape(1, 1))

    return probs.reshape(-1)

# --- scband reference (transcript-rebuilt; emitter-appended) ---
"""Pipeline reference for scband-policy-net-89507118449413 (READ-ONLY COPY).

The authoritative reference and input builder live on the scoring server;
editing this copy changes nothing except your own understanding.
"""

import jax, jax.numpy as jnp
import numpy as np

N = 10000
E = 320000
REAL_DIM = 128
N_CAT = 4
CAT_VOCAB = 1000
EMB_DIM = 64
OUT_DIM = 16
IN_DIM = REAL_DIM + EMB_DIM * N_CAT
HID = 128


def _w(k, shape, fan_in):
    return jax.random.normal(k, shape, dtype=jnp.float32) * (1.0 / np.sqrt(fan_in))


def setup_inputs(seed: int = 0) -> dict:
    key = jax.random.key(seed)
    ks = jax.random.split(key, 16)
    inp = {}
    inp["real_features"] = jax.random.normal(ks[0], (N, REAL_DIM), dtype=jnp.float32)
    inp["cat_features"] = jax.random.randint(ks[1], (N, N_CAT), 0, CAT_VOCAB).astype(jnp.int64)
    inp["edge_index"] = jax.random.randint(ks[2], (2, E), 0, N).astype(jnp.int64)
    inp["mask"] = jnp.ones((N,), dtype=bool)
    inp["emb0"] = _w(ks[3], (CAT_VOCAB, EMB_DIM), EMB_DIM)
    inp["emb1"] = _w(ks[4], (CAT_VOCAB, EMB_DIM), EMB_DIM)
    inp["emb2"] = _w(ks[5], (CAT_VOCAB, EMB_DIM), EMB_DIM)
    inp["emb3"] = _w(ks[6], (CAT_VOCAB, EMB_DIM), EMB_DIM)
    inp["W1"] = _w(ks[7], (IN_DIM, HID), IN_DIM)
    inp["b1"] = jnp.zeros((HID,), dtype=jnp.float32)
    inp["W2"] = _w(ks[8], (HID, OUT_DIM), HID)
    inp["b2"] = jnp.zeros((OUT_DIM,), dtype=jnp.float32)
    inp["fc1_w"] = _w(ks[9], (16, 24), 16)
    inp["fc1_b"] = jnp.zeros((24,), dtype=jnp.float32)
    inp["fc2_w"] = _w(ks[10], (24, 24), 24)
    inp["fc2_b"] = jnp.zeros((24,), dtype=jnp.float32)
    inp["fc3_w"] = _w(ks[11], (24, 1), 24)
    inp["fc3_b"] = jnp.zeros((1,), dtype=jnp.float32)
    return inp


def reference(real_features, cat_features, edge_index, mask, emb0, emb1, emb2, emb3, W1, b1, W2, b2, fc1_w, fc1_b, fc2_w, fc2_b, fc3_w, fc3_b):
    # GCN: embed categorical fields, concat with real features
    embs = [emb0[cat_features[:, 0]], emb1[cat_features[:, 1]], emb2[cat_features[:, 2]], emb3[cat_features[:, 3]]]
    h = jnp.concatenate([real_features] + embs, axis=1)
    src = edge_index[0]
    dst = edge_index[1]
    deg = jax.ops.segment_sum(jnp.ones((E,), jnp.float32), dst, num_segments=N)
    norm = (deg + 1.0)[:, None]  # mean aggregation incl. self-loop
    # GCN layer 1: transform then aggregate
    h1 = h @ W1 + b1
    h1 = jax.nn.relu((jax.ops.segment_sum(h1[src], dst, num_segments=N) + h1) / norm)
    # GCN layer 2 -> graph (per-node) embedding of size OUT_DIM=16
    h2 = h1 @ W2 + b2
    graph_emb = (jax.ops.segment_sum(h2[src], dst, num_segments=N) + h2) / norm
    # policy head
    x = jax.nn.relu(graph_emb @ fc1_w + fc1_b)
    x = jax.nn.relu(x @ fc2_w + fc2_b)
    logits = x @ fc3_w + fc3_b  # [N, 1]
    sel = jnp.where(mask[:, None], logits, -jnp.inf)
    probs = jax.nn.softmax(sel, axis=0)
    return probs.flatten()

if __name__ == "__main__":
    import jax
    _d = setup_inputs()
    print(jax.jit(kernel)(*tuple(_d.values())))

</pallas_src>

<mosaic_0001>
#map = affine_map<(d0, d1) -> (0, 0)>
#map1 = affine_map<(d0, d1) -> (0)>
#map2 = affine_map<(d0, d1) -> (0, 0, 0)>
module attributes {stable_mosaic.version = 14 : i64} {
  func.func @_k2_body(%arg0: i32, %arg1: i32, %arg2: memref<10000x128xf32, #tpu.memory_space<hbm>>, %arg3: memref<4000x128xf32, #tpu.memory_space<hbm>>, %arg4: memref<40000xi32, #tpu.memory_space<hbm>>, %arg5: memref<640x512xi32, #tpu.memory_space<hbm>>, %arg6: memref<10000x128xf32, #tpu.memory_space<hbm>>, %arg7: memref<2x10000x16xf32, #tpu.memory_space<hbm>>, %arg8: memref<320xi32, #tpu.memory_space<vmem>>, %arg9: memref<320xi32, #tpu.memory_space<vmem>>, %arg10: memref<80x128xf32, #tpu.memory_space<vmem>>, %arg11: memref<80x128xf32, #tpu.memory_space<vmem>>, %arg12: memref<20x512xi32, #tpu.memory_space<vmem>>, %arg13: memref<512x16xf32, #tpu.memory_space<vmem>>, %arg14: memref<128x16xf32, #tpu.memory_space<vmem>>, %arg15: memref<4000x128xf32, #tpu.memory_space<vmem_shared>>, %arg16: memref<10240x16xf32, #tpu.memory_space<vmem_shared>>, %arg17: memref<!tpu.dma_semaphore, #tpu.memory_space<semaphore_mem>>, %arg18: memref<!tpu.dma_semaphore, #tpu.memory_space<semaphore_mem>>, %arg19: memref<!tpu.dma_semaphore, #tpu.memory_space<semaphore_mem>>, %arg20: memref<!tpu.dma_semaphore, #tpu.memory_space<semaphore_mem>>, %arg21: memref<!tpu.dma_semaphore, #tpu.memory_space<semaphore_mem>>, %arg22: memref<!tpu.dma_semaphore, #tpu.memory_space<semaphore_mem>>) attributes {dimension_semantics = [#tpu.dimension_semantics<core_parallel>, #tpu.dimension_semantics<subcore_parallel>], iteration_bounds = array<i64: 2, 16>, scalar_prefetch = 0 : i64, scratch_operands = 15 : i64, tpu.core_type = #tpu.core_type<sc_vector_subcore>, window_params = [{transform_indices = #map}, {transform_indices = #map}, {transform_indices = #map1}, {transform_indices = #map}, {transform_indices = #map}, {transform_indices = #map2}]} {
    %mul3A = arith.constant 2 : i32
    %mul3A_0 = arith.muli %arg1, %mul3A : i32
    %add3A = arith.addi %mul3A_0, %arg0 : i32
    %scan3A = arith.constant 0 : i32
    %scan3A_1 = arith.constant 512 : i32
    %scan3A_2 = arith.addi %scan3A, %scan3A_1 : i32
    %scan3A_3 = arith.constant 1 : i32
    scf.for %scan3A_122 = %scan3A to %scan3A_2 step %scan3A_3  : i32 {
      %mul3A_123 = arith.constant 1 : i32
      %mul3A_124 = arith.muli %scan3A_122, %mul3A_123 : i32
      %add3A_125 = arith.constant 0 : i32
      %add3A_126 = arith.addi %add3A_125, %mul3A_124 : i32
      %broadcast_in_dim3A = arith.constant 1.000000e+00 : f32
      %broadcast_in_dim3A_127 = vector.broadcast %broadcast_in_dim3A : f32 to vector<16xf32>
      %swap3A = arith.index_cast %add3A_126 : i32 to index
      %swap3A_128 = arith.constant 0 : index
      %swap3A_129 = tpu.vector_load %arg13[%swap3A, %swap3A_128] {strides = array<i32>} : memref<512x16xf32, #tpu.memory_space<vmem>>, vector<1x16xf32>,
      %swap3A_130 = vector.shape_cast %swap3A_129 : vector<1x16xf32> to vector<16xf32>
      %swap3A_131 = vector.shape_cast %broadcast_in_dim3A_127 : vector<16xf32> to vector<1x16xf32>
      tpu.vector_store %arg13[%swap3A, %swap3A_128], %swap3A_131 {strides = array<i32>} : memref<512x16xf32, #tpu.memory_space<vmem>>, vector<1x16xf32>,
    }
    %scan3A_4 = arith.constant 512 : i32
    %scan3A_5 = arith.constant 0 : i32
    %scan3A_6 = arith.constant 128 : i32
    %scan3A_7 = arith.addi %scan3A_5, %scan3A_6 : i32
    %scan3A_8 = arith.constant 1 : i32
    scf.for %scan3A_122 = %scan3A_5 to %scan3A_7 step %scan3A_8  : i32 {
      %mul3A_123 = arith.constant 1 : i32
      %mul3A_124 = arith.muli %scan3A_122, %mul3A_123 : i32
      %add3A_125 = arith.constant 0 : i32
      %add3A_126 = arith.addi %add3A_125, %mul3A_124 : i32
      %broadcast_in_dim3A = arith.constant 0.000000e+00 : f32
      %broadcast_in_dim3A_127 = vector.broadcast %broadcast_in_dim3A : f32 to vector<16xf32>
      %swap3A = arith.index_cast %add3A_126 : i32 to index
      %swap3A_128 = arith.constant 0 : index
      %swap3A_129 = tpu.vector_load %arg14[%swap3A, %swap3A_128] {strides = array<i32>} : memref<128x16xf32, #tpu.memory_space<vmem>>, vector<1x16xf32>,
      %swap3A_130 = vector.shape_cast %swap3A_129 : vector<1x16xf32> to vector<16xf32>
      %swap3A_131 = vector.shape_cast %broadcast_in_dim3A_127 : vector<16xf32> to vector<1x16xf32>
      tpu.vector_store %arg14[%swap3A, %swap3A_128], %swap3A_131 {strides = array<i32>} : memref<128x16xf32, #tpu.memory_space<vmem>>, vector<1x16xf32>,
    }
    %scan3A_9 = arith.constant 128 : i32
    %mul3A_10 = arith.constant 640 : i32
    %mul3A_11 = arith.muli %arg1, %mul3A_10 : i32
    %add3A_12 = arith.constant 0 : i32
    %add3A_13 = arith.addi %mul3A_11, %add3A_12 : i32
    "tpu.region"() ({
      %run_scoped3A = tpu.sem_alloc : memref<!tpu.dma_semaphore, #tpu.memory_space<semaphore_mem>>
      %dma_start3A = arith.constant 0 : i32
      %dma_start3A_122 = tpu.memref_slice %arg16[%add3A_13, %dma_start3A] : memref<10240x16xf32, #tpu.memory_space<vmem_shared>> -> memref<128x16xf32, #tpu.memory_space<vmem_shared>>
      %dma_start3A_123 = arith.constant 0 : i32
      %dma_start3A_124 = tpu.memref_slice %arg16[%add3A_13, %dma_start3A_123] : memref<10240x16xf32, #tpu.memory_space<vmem_shared>> -> memref<128x16xf32, #tpu.memory_space<vmem_shared>>
      tpu.enqueue_dma source(%arg14 : memref<128x16xf32, #tpu.memory_space<vmem>>) target(%dma_start3A_124 : memref<128x16xf32, #tpu.memory_space<vmem_shared>>) target_semaphore(%run_scoped3A : memref<!tpu.dma_semaphore, #tpu.memory_space<semaphore_mem>>)
      %dma_wait3A_125 = arith.constant 0 : i32
      %dma_wait3A_126 = tpu.memref_slice %arg16[%add3A_13, %dma_wait3A_125] : memref<10240x16xf32, #tpu.memory_space<vmem_shared>> -> memref<128x16xf32, #tpu.memory_space<vmem_shared>>
      %dma_wait3A_127 = arith.constant 0 : i32
      %dma_wait3A_128 = tpu.memref_slice %arg16[%add3A_13, %dma_wait3A_127] : memref<10240x16xf32, #tpu.memory_space<vmem_shared>> -> memref<128x16xf32, #tpu.memory_space<vmem_shared>>
      tpu.wait_dma2 semaphore(%run_scoped3A : memref<!tpu.dma_semaphore, #tpu.memory_space<semaphore_mem>>) src(%arg14 : memref<128x16xf32, #tpu.memory_space<vmem>>) dst(%dma_wait3A_128 : memref<128x16xf32, #tpu.memory_space<vmem_shared>>)
      tpu.yield
    }) : () -> ()
    %add3A_14 = arith.constant 128 : i32
    %add3A_15 = arith.addi %mul3A_11, %add3A_14 : i32
    "tpu.region"() ({
      %run_scoped3A = tpu.sem_alloc : memref<!tpu.dma_semaphore, #tpu.memory_space<semaphore_mem>>
      %dma_start3A = arith.constant 0 : i32
      %dma_start3A_122 = tpu.memref_slice %arg16[%add3A_15, %dma_start3A] : memref<10240x16xf32, #tpu.memory_space<vmem_shared>> -> memref<128x16xf32, #tpu.memory_space<vmem_shared>>
      %dma_start3A_123 = arith.constant 0 : i32
      %dma_start3A_124 = tpu.memref_slice %arg16[%add3A_15, %dma_start3A_123] : memref<10240x16xf32, #tpu.memory_space<vmem_shared>> -> memref<128x16xf32, #tpu.memory_space<vmem_shared>>
      tpu.enqueue_dma source(%arg14 : memref<128x16xf32, #tpu.memory_space<vmem>>) target(%dma_start3A_124 : memref<128x16xf32, #tpu.memory_space<vmem_shared>>) target_semaphore(%run_scoped3A : memref<!tpu.dma_semaphore, #tpu.memory_space<semaphore_mem>>)
      %dma_wait3A_125 = arith.constant 0 : i32
      %dma_wait3A_126 = tpu.memref_slice %arg16[%add3A_15, %dma_wait3A_125] : memref<10240x16xf32, #tpu.memory_space<vmem_shared>> -> memref<128x16xf32, #tpu.memory_space<vmem_shared>>
      %dma_wait3A_127 = arith.constant 0 : i32
      %dma_wait3A_128 = tpu.memref_slice %arg16[%add3A_15, %dma_wait3A_127] : memref<10240x16xf32, #tpu.memory_space<vmem_shared>> -> memref<128x16xf32, #tpu.memory_space<vmem_shared>>
      tpu.wait_dma2 semaphore(%run_scoped3A : memref<!tpu.dma_semaphore, #tpu.memory_space<semaphore_mem>>) src(%arg14 : memref<128x16xf32, #tpu.memory_space<vmem>>) dst(%dma_wait3A_128 : memref<128x16xf32, #tpu.memory_space<vmem_shared>>)
      tpu.yield
    }) : () -> ()
    %add3A_16 = arith.constant 256 : i32
    %add3A_17 = arith.addi %mul3A_11, %add3A_16 : i32
    "tpu.region"() ({
      %run_scoped3A = tpu.sem_alloc : memref<!tpu.dma_semaphore, #tpu.memory_space<semaphore_mem>>
      %dma_start3A = arith.constant 0 : i32
      %dma_start3A_122 = tpu.memref_slice %arg16[%add3A_17, %dma_start3A] : memref<10240x16xf32, #tpu.memory_space<vmem_shared>> -> memref<128x16xf32, #tpu.memory_space<vmem_shared>>
      %dma_start3A_123 = arith.constant 0 : i32
      %dma_start3A_124 = tpu.memref_slice %arg16[%add3A_17, %dma_start3A_123] : memref<10240x16xf32, #tpu.memory_space<vmem_shared>> -> memref<128x16xf32, #tpu.memory_space<vmem_shared>>
      tpu.enqueue_dma source(%arg14 : memref<128x16xf32, #tpu.memory_space<vmem>>) target(%dma_start3A_124 : memref<128x16xf32, #tpu.memory_space<vmem_shared>>) target_semaphore(%run_scoped3A : memref<!tpu.dma_semaphore, #tpu.memory_space<semaphore_mem>>)
      %dma_wait3A_125 = arith.constant 0 : i32
      %dma_wait3A_126 = tpu.memref_slice %arg16[%add3A_17, %dma_wait3A_125] : memref<10240x16xf32, #tpu.memory_space<vmem_shared>> -> memref<128x16xf32, #tpu.memory_space<vmem_shared>>
      %dma_wait3A_127 = arith.constant 0 : i32
      %dma_wait3A_128 = tpu.memref_slice %arg16[%add3A_17, %dma_wait3A_127] : memref<10240x16xf32, #tpu.memory_space<vmem_shared>> -> memref<128x16xf32, #tpu.memory_space<vmem_shared>>
      tpu.wait_dma2 semaphore(%run_scoped3A : memref<!tpu.dma_semaphore, #tpu.memory_space<semaphore_mem>>) src(%arg14 : memref<128x16xf32, #tpu.memory_space<vmem>>) dst(%dma_wait3A_128 : memref<128x16xf32, #tpu.memory_space<vmem_shared>>)
      tpu.yield
    }) : () -> ()
    %add3A_18 = arith.constant 384 : i32
    %add3A_19 = arith.addi %mul3A_11, %add3A_18 : i32
    "tpu.region"() ({
      %run_scoped3A = tpu.sem_alloc : memref<!tpu.dma_semaphore, #tpu.memory_space<semaphore_mem>>
      %dma_start3A = arith.constant 0 : i32
      %dma_start3A_122 = tpu.memref_slice %arg16[%add3A_19, %dma_start3A] : memref<10240x16xf32, #tpu.memory_space<vmem_shared>> -> memref<128x16xf32, #tpu.memory_space<vmem_shared>>
      %dma_start3A_123 = arith.constant 0 : i32
      %dma_start3A_124 = tpu.memref_slice %arg16[%add3A_19, %dma_start3A_123] : memref<10240x16xf32, #tpu.memory_space<vmem_shared>> -> memref<128x16xf32, #tpu.memory_space<vmem_shared>>
      tpu.enqueue_dma source(%arg14 : memref<128x16xf32, #tpu.memory_space<vmem>>) target(%dma_start3A_124 : memref<128x16xf32, #tpu.memory_space<vmem_shared>>) target_semaphore(%run_scoped3A : memref<!tpu.dma_semaphore, #tpu.memory_space<semaphore_mem>>)
      %dma_wait3A_125 = arith.constant 0 : i32
      %dma_wait3A_126 = tpu.memref_slice %arg16[%add3A_19, %dma_wait3A_125] : memref<10240x16xf32, #tpu.memory_space<vmem_shared>> -> memref<128x16xf32, #tpu.memory_space<vmem_shared>>
      %dma_wait3A_127 = arith.constant 0 : i32
      %dma_wait3A_128 = tpu.memref_slice %arg16[%add3A_19, %dma_wait3A_127] : memref<10240x16xf32, #tpu.memory_space<vmem_shared>> -> memref<128x16xf32, #tpu.memory_space<vmem_shared>>
      tpu.wait_dma2 semaphore(%run_scoped3A : memref<!tpu.dma_semaphore, #tpu.memory_space<semaphore_mem>>) src(%arg14 : memref<128x16xf32, #tpu.memory_space<vmem>>) dst(%dma_wait3A_128 : memref<128x16xf32, #tpu.memory_space<vmem_shared>>)
      tpu.yield
    }) : () -> ()
    %add3A_20 = arith.constant 512 : i32
    %add3A_21 = arith.addi %mul3A_11, %add3A_20 : i32
    "tpu.region"() ({
      %run_scoped3A = tpu.sem_alloc : memref<!tpu.dma_semaphore, #tpu.memory_space<semaphore_mem>>
      %dma_start3A = arith.constant 0 : i32
      %dma_start3A_122 = tpu.memref_slice %arg16[%add3A_21, %dma_start3A] : memref<10240x16xf32, #tpu.memory_space<vmem_shared>> -> memref<128x16xf32, #tpu.memory_space<vmem_shared>>
      %dma_start3A_123 = arith.constant 0 : i32
      %dma_start3A_124 = tpu.memref_slice %arg16[%add3A_21, %dma_start3A_123] : memref<10240x16xf32, #tpu.memory_space<vmem_shared>> -> memref<128x16xf32, #tpu.memory_space<vmem_shared>>
      tpu.enqueue_dma source(%arg14 : memref<128x16xf32, #tpu.memory_space<vmem>>) target(%dma_start3A_124 : memref<128x16xf32, #tpu.memory_space<vmem_shared>>) target_semaphore(%run_scoped3A : memref<!tpu.dma_semaphore, #tpu.memory_space<semaphore_mem>>)
      %dma_wait3A_125 = arith.constant 0 : i32
      %dma_wait3A_126 = tpu.memref_slice %arg16[%add3A_21, %dma_wait3A_125] : memref<10240x16xf32, #tpu.memory_space<vmem_shared>> -> memref<128x16xf32, #tpu.memory_space<vmem_shared>>
      %dma_wait3A_127 = arith.constant 0 : i32
      %dma_wait3A_128 = tpu.memref_slice %arg16[%add3A_21, %dma_wait3A_127] : memref<10240x16xf32, #tpu.memory_space<vmem_shared>> -> memref<128x16xf32, #tpu.memory_space<vmem_shared>>
      tpu.wait_dma2 semaphore(%run_scoped3A : memref<!tpu.dma_semaphore, #tpu.memory_space<semaphore_mem>>) src(%arg14 : memref<128x16xf32, #tpu.memory_space<vmem>>) dst(%dma_wait3A_128 : memref<128x16xf32, #tpu.memory_space<vmem_shared>>)
      tpu.yield
    }) : () -> ()
    %mul3A_22 = arith.constant 250 : i32
    %mul3A_23 = arith.muli %arg1, %mul3A_22 : i32
    %mul3A_24 = arith.constant 250 : i32
    %mul3A_25 = arith.muli %arg1, %mul3A_24 : i32
    "tpu.region"() ({
      %run_scoped3A = tpu.sem_alloc : memref<!tpu.dma_semaphore, #tpu.memory_space<semaphore_mem>>
      %dma_start3A = arith.constant 0 : i32
      %dma_start3A_122 = tpu.memref_slice %arg15[%mul3A_25, %dma_start3A] : memref<4000x128xf32, #tpu.memory_space<vmem_shared>> -> memref<250x128xf32, #tpu.memory_space<vmem_shared>>
      %dma_start3A_123 = arith.constant 0 : i32
      %dma_start3A_124 = tpu.memref_slice %arg3[%mul3A_23, %dma_start3A_123] : memref<4000x128xf32, #tpu.memory_space<hbm>> -> memref<250x128xf32, #tpu.memory_space<hbm>>
      tpu.enqueue_dma source(%dma_start3A_124 : memref<250x128xf32, #tpu.memory_space<hbm>>) target(%dma_start3A_122 : memref<250x128xf32, #tpu.memory_space<vmem_shared>>) target_semaphore(%run_scoped3A : memref<!tpu.dma_semaphore, #tpu.memory_space<semaphore_mem>>)
      %dma_wait3A_125 = arith.constant 0 : i32
      %dma_wait3A_126 = tpu.memref_slice %arg15[%mul3A_25, %dma_wait3A_125] : memref<4000x128xf32, #tpu.memory_space<vmem_shared>> -> memref<250x128xf32, #tpu.memory_space<vmem_shared>>
      %dma_wait3A_127 = arith.constant 0 : i32
      %dma_wait3A_128 = tpu.memref_slice %arg3[%mul3A_23, %dma_wait3A_127] : memref<4000x128xf32, #tpu.memory_space<hbm>> -> memref<250x128xf32, #tpu.memory_space<hbm>>
      tpu.wait_dma2 semaphore(%run_scoped3A : memref<!tpu.dma_semaphore, #tpu.memory_space<semaphore_mem>>) src(%dma_wait3A_128 : memref<250x128xf32, #tpu.memory_space<hbm>>) dst(%dma_wait3A_126 : memref<250x128xf32, #tpu.memory_space<vmem_shared>>)
      tpu.yield
    }) : () -> ()
    %barrier3A = arith.constant 0 : index
    tpu.barrier barrier_id(%barrier3A)
    %lt3A = arith.constant 29 : i32
    %lt3A_26 = arith.cmpi slt, %add3A, %lt3A : i32
    %jit3A = arith.constant 4 : i32
    %jit3A_27 = arith.constant 3 : i32
    %select_n3A = arith.select %lt3A_26, %jit3A, %jit3A_27 : i32
    %lt3A_28 = arith.constant 29 : i32
    %lt3A_29 = arith.cmpi slt, %add3A, %lt3A_28 : i32
    %mul3A_30 = arith.constant 4 : i32
    %mul3A_31 = arith.muli %mul3A_30, %add3A : i32
    %mul3A_32 = arith.constant 3 : i32
    %mul3A_33 = arith.muli %mul3A_32, %add3A : i32
    %add3A_34 = arith.constant 29 : i32
    %add3A_35 = arith.addi %mul3A_33, %add3A_34 : i32
    %select_n3A_36 = arith.select %lt3A_29, %mul3A_31, %add3A_35 : i32
    %gt3A = arith.constant 0 : i32
    %gt3A_37 = arith.cmpi sgt, %select_n3A, %gt3A : i32
    %convert_element_type3A = arith.extui %gt3A_37 : i1 to i32
    %cond3A = arith.constant 0 : i32
    %cond3A_38 = arith.cmpi ne, %convert_element_type3A, %cond3A : i32
    scf.if %cond3A_38 {
      %add3A_122 = arith.constant 0 : i32
      %add3A_123 = arith.addi %select_n3A_36, %add3A_122 : i32
      %mul3A_124 = arith.constant 320 : i32
      %mul3A_125 = arith.muli %add3A_123, %mul3A_124 : i32
      "tpu.region"() ({
        %run_scoped3A = tpu.sem_alloc : memref<!tpu.dma_semaphore, #tpu.memory_space<semaphore_mem>>
        %dma_start3A_147 = tpu.memref_slice %arg4[%mul3A_125] : memref<40000xi32, #tpu.memory_space<hbm>> -> memref<320xi32, #tpu.memory_space<hbm>>
        %dma_start3A_148 = tpu.memref_slice %arg4[%mul3A_125] : memref<40000xi32, #tpu.memory_space<hbm>> -> memref<320xi32, #tpu.memory_space<hbm>>
        tpu.enqueue_dma source(%dma_start3A_148 : memref<320xi32, #tpu.memory_space<hbm>>) target(%arg8 : memref<320xi32, #tpu.memory_space<vmem>>) target_semaphore(%run_scoped3A : memref<!tpu.dma_semaphore, #tpu.memory_space<semaphore_mem>>)
        %dma_wait3A_149 = tpu.memref_slice %arg4[%mul3A_125] : memref<40000xi32, #tpu.memory_space<hbm>> -> memref<320xi32, #tpu.memory_space<hbm>>
        %dma_wait3A_150 = tpu.memref_slice %arg4[%mul3A_125] : memref<40000xi32, #tpu.memory_space<hbm>> -> memref<320xi32, #tpu.memory_space<hbm>>
        tpu.wait_dma2 semaphore(%run_scoped3A : memref<!tpu.dma_semaphore, #tpu.memory_space<semaphore_mem>>) src(%dma_wait3A_150 : memref<320xi32, #tpu.memory_space<hbm>>) dst(%arg8 : memref<320xi32, #tpu.memory_space<vmem>>)
        tpu.yield
      }) : () -> ()
      %mul3A_126 = arith.constant 80 : i32
      %mul3A_127 = arith.muli %add3A_123, %mul3A_126 : i32
      "tpu.region"() ({
        %run_scoped3A = tpu.sem_alloc : memref<!tpu.dma_semaphore, #tpu.memory_space<semaphore_mem>>
        %dma_start3A_147 = arith.constant 0 : i32
        %dma_start3A_148 = tpu.memref_slice %arg2[%mul3A_127, %dma_start3A_147] : memref<10000x128xf32, #tpu.memory_space<hbm>> -> memref<80x128xf32, #tpu.memory_space<hbm>>
        %dma_start3A_149 = arith.constant 0 : i32
        %dma_start3A_150 = tpu.memref_slice %arg2[%mul3A_127, %dma_start3A_149] : memref<10000x128xf32, #tpu.memory_space<hbm>> -> memref<80x128xf32, #tpu.memory_space<hbm>>
        tpu.enqueue_dma source(%dma_start3A_150 : memref<80x128xf32, #tpu.memory_space<hbm>>) target(%arg10 : memref<80x128xf32, #tpu.memory_space<vmem>>) target_semaphore(%run_scoped3A : memref<!tpu.dma_semaphore, #tpu.memory_space<semaphore_mem>>)
        %dma_wait3A_151 = arith.constant 0 : i32
        %dma_wait3A_152 = tpu.memref_slice %arg2[%mul3A_127, %dma_wait3A_151] : memref<10000x128xf32, #tpu.memory_space<hbm>> -> memref<80x128xf32, #tpu.memory_space<hbm>>
        %dma_wait3A_153 = arith.constant 0 : i32
        %dma_wait3A_154 = tpu.memref_slice %arg2[%mul3A_127, %dma_wait3A_153] : memref<10000x128xf32, #tpu.memory_space<hbm>> -> memref<80x128xf32, #tpu.memory_space<hbm>>
        tpu.wait_dma2 semaphore(%run_scoped3A : memref<!tpu.dma_semaphore, #tpu.memory_space<semaphore_mem>>) src(%dma_wait3A_154 : memref<80x128xf32, #tpu.memory_space<hbm>>) dst(%arg10 : memref<80x128xf32, #tpu.memory_space<vmem>>)
        tpu.yield
      }) : () -> ()
      %dma_start3A = arith.constant 0 : i32
      %dma_start3A_128 = tpu.memref_slice %arg8[%dma_start3A] : memref<320xi32, #tpu.memory_space<vmem>> -> memref<80xi32, #tpu.memory_space<vmem>>
      %dma_start3A_129 = arith.constant 0 : i32
      %dma_start3A_130 = arith.constant 0 : i32
      %dma_start3A_131 = tpu.memref_slice %arg15[%dma_start3A_129, %dma_start3A_130] : memref<4000x128xf32, #tpu.memory_space<vmem_shared>> -> memref<4000x128xf32, #tpu.memory_space<vmem_shared>>
      tpu.enqueue_indirect_dma source(%dma_start3A_131 : memref<4000x128xf32, #tpu.memory_space<vmem_shared>>) target(%arg10 : memref<80x128xf32, #tpu.memory_space<vmem>>) offsets(%dma_start3A_128 : memref<80xi32, #tpu.memory_space<vmem>>) semaphore(%arg17 : memref<!tpu.dma_semaphore, #tpu.memory_space<semaphore_mem>>) {add = true}
      %dma_start3A_132 = arith.constant 80 : i32
      %dma_start3A_133 = tpu.memref_slice %arg8[%dma_start3A_132] : memref<320xi32, #tpu.memory_space<vmem>> -> memref<80xi32, #tpu.memory_space<vmem>>
      %dma_start3A_134 = arith.constant 0 : i32
      %dma_start3A_135 = arith.constant 0 : i32
      %dma_start3A_136 = tpu.memref_slice %arg15[%dma_start3A_134, %dma_start3A_135] : memref<4000x128xf32, #tpu.memory_space<vmem_shared>> -> memref<4000x128xf32, #tpu.memory_space<vmem_shared>>
      tpu.enqueue_indirect_dma source(%dma_start3A_136 : memref<4000x128xf32, #tpu.memory_space<vmem_shared>>) target(%arg10 : memref<80x128xf32, #tpu.memory_space<vmem>>) offsets(%dma_start3A_133 : memref<80xi32, #tpu.memory_space<vmem>>) semaphore(%arg17 : memref<!tpu.dma_semaphore, #tpu.memory_space<semaphore_mem>>) {add = true}
      %dma_start3A_137 = arith.constant 160 : i32
      %dma_start3A_138 = tpu.memref_slice %arg8[%dma_start3A_137] : memref<320xi32, #tpu.memory_space<vmem>> -> memref<80xi32, #tpu.memory_space<vmem>>
      %dma_start3A_139 = arith.constant 0 : i32
      %dma_start3A_140 = arith.constant 0 : i32
      %dma_start3A_141 = tpu.memref_slice %arg15[%dma_start3A_139, %dma_start3A_140] : memref<4000x128xf32, #tpu.memory_space<vmem_shared>> -> memref<4000x128xf32, #tpu.memory_space<vmem_shared>>
      tpu.enqueue_indirect_dma source(%dma_start3A_141 : memref<4000x128xf32, #tpu.memory_space<vmem_shared>>) target(%arg10 : memref<80x128xf32, #tpu.memory_space<vmem>>) offsets(%dma_start3A_138 : memref<80xi32, #tpu.memory_space<vmem>>) semaphore(%arg17 : memref<!tpu.dma_semaphore, #tpu.memory_space<semaphore_mem>>) {add = true}
      %dma_start3A_142 = arith.constant 240 : i32
      %dma_start3A_143 = tpu.memref_slice %arg8[%dma_start3A_142] : memref<320xi32, #tpu.memory_space<vmem>> -> memref<80xi32, #tpu.memory_space<vmem>>
      %dma_start3A_144 = arith.constant 0 : i32
      %dma_start3A_145 = arith.constant 0 : i32
      %dma_start3A_146 = tpu.memref_slice %arg15[%dma_start3A_144, %dma_start3A_145] : memref<4000x128xf32, #tpu.memory_space<vmem_shared>> -> memref<4000x128xf32, #tpu.memory_space<vmem_shared>>
      tpu.enqueue_indirect_dma source(%dma_start3A_146 : memref<4000x128xf32, #tpu.memory_space<vmem_shared>>) target(%arg10 : memref<80x128xf32, #tpu.memory_space<vmem>>) offsets(%dma_start3A_143 : memref<80xi32, #tpu.memory_space<vmem>>) semaphore(%arg17 : memref<!tpu.dma_semaphore, #tpu.memory_space<semaphore_mem>>) {add = true}
    } else {
    }
    %gt3A_39 = arith.constant 1 : i32
    %gt3A_40 = arith.cmpi sgt, %select_n3A, %gt3A_39 : i32
    %convert_element_type3A_41 = arith.extui %gt3A_40 : i1 to i32
    %cond3A_42 = arith.constant 0 : i32
    %cond3A_43 = arith.cmpi ne, %convert_element_type3A_41, %cond3A_42 : i32
    scf.if %cond3A_43 {
      %add3A_122 = arith.constant 1 : i32
      %add3A_123 = arith.addi %select_n3A_36, %add3A_122 : i32
      %mul3A_124 = arith.constant 320 : i32
      %mul3A_125 = arith.muli %add3A_123, %mul3A_124 : i32
      "tpu.region"() ({
        %run_scoped3A = tpu.sem_alloc : memref<!tpu.dma_semaphore, #tpu.memory_space<semaphore_mem>>
        %dma_start3A_147 = tpu.memref_slice %arg4[%mul3A_125] : memref<40000xi32, #tpu.memory_space<hbm>> -> memref<320xi32, #tpu.memory_space<hbm>>
        %dma_start3A_148 = tpu.memref_slice %arg4[%mul3A_125] : memref<40000xi32, #tpu.memory_space<hbm>> -> memref<320xi32, #tpu.memory_space<hbm>>
        tpu.enqueue_dma source(%dma_start3A_148 : memref<320xi32, #tpu.memory_space<hbm>>) target(%arg9 : memref<320xi32, #tpu.memory_space<vmem>>) target_semaphore(%run_scoped3A : memref<!tpu.dma_semaphore, #tpu.memory_space<semaphore_mem>>)
        %dma_wait3A_149 = tpu.memref_slice %arg4[%mul3A_125] : memref<40000xi32, #tpu.memory_space<hbm>> -> memref<320xi32, #tpu.memory_space<hbm>>
        %dma_wait3A_150 = tpu.memref_slice %arg4[%mul3A_125] : memref<40000xi32, #tpu.memory_space<hbm>> -> memref<320xi32, #tpu.memory_space<hbm>>
        tpu.wait_dma2 semaphore(%run_scoped3A : memref<!tpu.dma_semaphore, #tpu.memory_space<semaphore_mem>>) src(%dma_wait3A_150 : memref<320xi32, #tpu.memory_space<hbm>>) dst(%arg9 : memref<320xi32, #tpu.memory_space<vmem>>)
        tpu.yield
      }) : () -> ()
      %mul3A_126 = arith.constant 80 : i32
      %mul3A_127 = arith.muli %add3A_123, %mul3A_126 : i32
      "tpu.region"() ({
        %run_scoped3A = tpu.sem_alloc : memref<!tpu.dma_semaphore, #tpu.memory_space<semaphore_mem>>
        %dma_start3A_147 = arith.constant 0 : i32
        %dma_start3A_148 = tpu.memref_slice %arg2[%mul3A_127, %dma_start3A_147] : memref<10000x128xf32, #tpu.memory_space<hbm>> -> memref<80x128xf32, #tpu.memory_space<hbm>>
        %dma_start3A_149 = arith.constant 0 : i32
        %dma_start3A_150 = tpu.memref_slice %arg2[%mul3A_127, %dma_start3A_149] : memref<10000x128xf32, #tpu.memory_space<hbm>> -> memref<80x128xf32, #tpu.memory_space<hbm>>
        tpu.enqueue_dma source(%dma_start3A_150 : memref<80x128xf32, #tpu.memory_space<hbm>>) target(%arg11 : memref<80x128xf32, #tpu.memory_space<vmem>>) target_semaphore(%run_scoped3A : memref<!tpu.dma_semaphore, #tpu.memory_space<semaphore_mem>>)
        %dma_wait3A_151 = arith.constant 0 : i32
        %dma_wait3A_152 = tpu.memref_slice %arg2[%mul3A_127, %dma_wait3A_151] : memref<10000x128xf32, #tpu.memory_space<hbm>> -> memref<80x128xf32, #tpu.memory_space<hbm>>
        %dma_wait3A_153 = arith.constant 0 : i32
        %dma_wait3A_154 = tpu.memref_slice %arg2[%mul3A_127, %dma_wait3A_153] : memref<10000x128xf32, #tpu.memory_space<hbm>> -> memref<80x128xf32, #tpu.memory_space<hbm>>
        tpu.wait_dma2 semaphore(%run_scoped3A : memref<!tpu.dma_semaphore, #tpu.memory_space<semaphore_mem>>) src(%dma_wait3A_154 : memref<80x128xf32, #tpu.memory_space<hbm>>) dst(%arg11 : memref<80x128xf32, #tpu.memory_space<vmem>>)
        tpu.yield
      }) : () -> ()
      %dma_start3A = arith.constant 0 : i32
      %dma_start3A_128 = tpu.memref_slice %arg9[%dma_start3A] : memref<320xi32, #tpu.memory_space<vmem>> -> memref<80xi32, #tpu.memory_space<vmem>>
      %dma_start3A_129 = arith.constant 0 : i32
      %dma_start3A_130 = arith.constant 0 : i32
      %dma_start3A_131 = tpu.memref_slice %arg15[%dma_start3A_129, %dma_start3A_130] : memref<4000x128xf32, #tpu.memory_space<vmem_shared>> -> memref<4000x128xf32, #tpu.memory_space<vmem_shared>>
      tpu.enqueue_indirect_dma source(%dma_start3A_131 : memref<4000x128xf32, #tpu.memory_space<vmem_shared>>) target(%arg11 : memref<80x128xf32, #tpu.memory_space<vmem>>) offsets(%dma_start3A_128 : memref<80xi32, #tpu.memory_space<vmem>>) semaphore(%arg18 : memref<!tpu.dma_semaphore, #tpu.memory_space<semaphore_mem>>) {add = true}
      %dma_start3A_132 = arith.constant 80 : i32
      %dma_start3A_133 = tpu.memref_slice %arg9[%dma_start3A_132] : memref<320xi32, #tpu.memory_space<vmem>> -> memref<80xi32, #tpu.memory_space<vmem>>
      %dma_start3A_134 = arith.constant 0 : i32
      %dma_start3A_135 = arith.constant 0 : i32
      %dma_start3A_136 = tpu.memref_slice %arg15[%dma_start3A_134, %dma_start3A_135] : memref<4000x128xf32, #tpu.memory_space<vmem_shared>> -> memref<4000x128xf32, #tpu.memory_space<vmem_shared>>
      tpu.enqueue_indirect_dma source(%dma_start3A_136 : memref<4000x128xf32, #tpu.memory_space<vmem_shared>>) target(%arg11 : memref<80x128xf32, #tpu.memory_space<vmem>>) offsets(%dma_start3A_133 : memref<80xi32, #tpu.memory_space<vmem>>) semaphore(%arg18 : memref<!tpu.dma_semaphore, #tpu.memory_space<semaphore_mem>>) {add = true}
      %dma_start3A_137 = arith.constant 160 : i32
      %dma_start3A_138 = tpu.memref_slice %arg9[%dma_start3A_137] : memref<320xi32, #tpu.memory_space<vmem>> -> memref<80xi32, #tpu.memory_space<vmem>>
      %dma_start3A_139 = arith.constant 0 : i32
      %dma_start3A_140 = arith.constant 0 : i32
      %dma_start3A_141 = tpu.memref_slice %arg15[%dma_start3A_139, %dma_start3A_140] : memref<4000x128xf32, #tpu.memory_space<vmem_shared>> -> memref<4000x128xf32, #tpu.memory_space<vmem_shared>>
      tpu.enqueue_indirect_dma source(%dma_start3A_141 : memref<4000x128xf32, #tpu.memory_space<vmem_shared>>) target(%arg11 : memref<80x128xf32, #tpu.memory_space<vmem>>) offsets(%dma_start3A_138 : memref<80xi32, #tpu.memory_space<vmem>>) semaphore(%arg18 : memref<!tpu.dma_semaphore, #tpu.memory_space<semaphore_mem>>) {add = true}
      %dma_start3A_142 = arith.constant 240 : i32
      %dma_start3A_143 = tpu.memref_slice %arg9[%dma_start3A_142] : memref<320xi32, #tpu.memory_space<vmem>> -> memref<80xi32, #tpu.memory_space<vmem>>
      %dma_start3A_144 = arith.constant 0 : i32
      %dma_start3A_145 = arith.constant 0 : i32
      %dma_start3A_146 = tpu.memref_slice %arg15[%dma_start3A_144, %dma_start3A_145] : memref<4000x128xf32, #tpu.memory_space<vmem_shared>> -> memref<4000x128xf32, #tpu.memory_space<vmem_shared>>
      tpu.enqueue_indirect_dma source(%dma_start3A_146 : memref<4000x128xf32, #tpu.memory_space<vmem_shared>>) target(%arg11 : memref<80x128xf32, #tpu.memory_space<vmem>>) offsets(%dma_start3A_143 : memref<80xi32, #tpu.memory_space<vmem>>) semaphore(%arg18 : memref<!tpu.dma_semaphore, #tpu.memory_space<semaphore_mem>>) {add = true}
    } else {
    }
    %gt3A_44 = arith.constant 0 : i32
    %gt3A_45 = arith.cmpi sgt, %select_n3A, %gt3A_44 : i32
    %convert_element_type3A_46 = arith.extui %gt3A_45 : i1 to i32
    %cond3A_47 = arith.constant 0 : i32
    %cond3A_48 = arith.cmpi ne, %convert_element_type3A_46, %cond3A_47 : i32
    scf.if %cond3A_48 {
      %add3A_122 = arith.constant 0 : i32
      %add3A_123 = arith.addi %select_n3A_36, %add3A_122 : i32
      %dma_wait3A_124 = arith.constant 0 : i32
      %dma_wait3A_125 = tpu.memref_slice %arg8[%dma_wait3A_124] : memref<320xi32, #tpu.memory_space<vmem>> -> memref<80xi32, #tpu.memory_space<vmem>>
      %dma_wait3A_126 = arith.constant 0 : i32
      %dma_wait3A_127 = arith.constant 0 : i32
      %dma_wait3A_128 = tpu.memref_slice %arg15[%dma_wait3A_126, %dma_wait3A_127] : memref<4000x128xf32, #tpu.memory_space<vmem_shared>> -> memref<4000x128xf32, #tpu.memory_space<vmem_shared>>
      tpu.wait_indirect_dma semaphore(%arg17 : memref<!tpu.dma_semaphore, #tpu.memory_space<semaphore_mem>>) src(%dma_wait3A_128 : memref<4000x128xf32, #tpu.memory_space<vmem_shared>>) dst(%arg10 : memref<80x128xf32, #tpu.memory_space<vmem>>)
      %dma_wait3A_129 = arith.constant 80 : i32
      %dma_wait3A_130 = tpu.memref_slice %arg8[%dma_wait3A_129] : memref<320xi32, #tpu.memory_space<vmem>> -> memref<80xi32, #tpu.memory_space<vmem>>
      %dma_wait3A_131 = arith.constant 0 : i32
      %dma_wait3A_132 = arith.constant 0 : i32
      %dma_wait3A_133 = tpu.memref_slice %arg15[%dma_wait3A_131, %dma_wait3A_132] : memref<4000x128xf32, #tpu.memory_space<vmem_shared>> -> memref<4000x128xf32, #tpu.memory_space<vmem_shared>>
      tpu.wait_indirect_dma semaphore(%arg17 : memref<!tpu.dma_semaphore, #tpu.memory_space<semaphore_mem>>) src(%dma_wait3A_133 : memref<4000x128xf32, #tpu.memory_space<vmem_shared>>) dst(%arg10 : memref<80x128xf32, #tpu.memory_space<vmem>>)
      %dma_wait3A_134 = arith.constant 160 : i32
      %dma_wait3A_135 = tpu.memref_slice %arg8[%dma_wait3A_134] : memref<320xi32, #tpu.memory_space<vmem>> -> memref<80xi32, #tpu.memory_space<vmem>>
      %dma_wait3A_136 = arith.constant 0 : i32
      %dma_wait3A_137 = arith.constant 0 : i32
      %dma_wait3A_138 = tpu.memref_slice %arg15[%dma_wait3A_136, %dma_wait3A_137] : memref<4000x128xf32, #tpu.memory_space<vmem_shared>> -> memref<4000x128xf32, #tpu.memory_space<vmem_shared>>
      tpu.wait_indirect_dma semaphore(%arg17 : memref<!tpu.dma_semaphore, #tpu.memory_space<semaphore_mem>>) src(%dma_wait3A_138 : memref<4000x128xf32, #tpu.memory_space<vmem_shared>>) dst(%arg10 : memref<80x128xf32, #tpu.memory_space<vmem>>)
      %dma_wait3A_139 = arith.constant 240 : i32
      %dma_wait3A_140 = tpu.memref_slice %arg8[%dma_wait3A_139] : memref<320xi32, #tpu.memory_space<vmem>> -> memref<80xi32, #tpu.memory_space<vmem>>
      %dma_wait3A_141 = arith.constant 0 : i32
      %dma_wait3A_142 = arith.constant 0 : i32
      %dma_wait3A_143 = tpu.memref_slice %arg15[%dma_wait3A_141, %dma_wait3A_142] : memref<4000x128xf32, #tpu.memory_space<vmem_shared>> -> memref<4000x128xf32, #tpu.memory_space<vmem_shared>>
      tpu.wait_indirect_dma semaphore(%arg17 : memref<!tpu.dma_semaphore, #tpu.memory_space<semaphore_mem>>) src(%dma_wait3A_143 : memref<4000x128xf32, #tpu.memory_space<vmem_shared>>) dst(%arg10 : memref<80x128xf32, #tpu.memory_space<vmem>>)
      %mul3A_144 = arith.constant 80 : i32
      %mul3A_145 = arith.muli %add3A_123, %mul3A_144 : i32
      %dma_start3A = arith.constant 0 : i32
      %dma_start3A_146 = tpu.memref_slice %arg6[%mul3A_145, %dma_start3A] : memref<10000x128xf32, #tpu.memory_space<hbm>> -> memref<80x128xf32, #tpu.memory_space<hbm>>
      %dma_start3A_147 = arith.constant 0 : i32
      %dma_start3A_148 = tpu.memref_slice %arg6[%mul3A_145, %dma_start3A_147] : memref<10000x128xf32, #tpu.memory_space<hbm>> -> memref<80x128xf32, #tpu.memory_space<hbm>>
      tpu.enqueue_dma source(%arg10 : memref<80x128xf32, #tpu.memory_space<vmem>>) target(%dma_start3A_148 : memref<80x128xf32, #tpu.memory_space<hbm>>) target_semaphore(%arg19 : memref<!tpu.dma_semaphore, #tpu.memory_space<semaphore_mem>>)
    } else {
    }
    %gt3A_49 = arith.constant 2 : i32
    %gt3A_50 = arith.cmpi sgt, %select_n3A, %gt3A_49 : i32
    %convert_element_type3A_51 = arith.extui %gt3A_50 : i1 to i32
    %cond3A_52 = arith.constant 0 : i32
    %cond3A_53 = arith.cmpi ne, %convert_element_type3A_51, %cond3A_52 : i32
    scf.if %cond3A_53 {
      %add3A_122 = arith.constant 2 : i32
      %add3A_123 = arith.addi %select_n3A_36, %add3A_122 : i32
      %dma_wait3A_124 = arith.constant 0 : i32
      %dma_wait3A_125 = arith.constant 0 : i32
      %dma_wait3A_126 = tpu.memref_slice %arg6[%dma_wait3A_124, %dma_wait3A_125] : memref<10000x128xf32, #tpu.memory_space<hbm>> -> memref<80x128xf32, #tpu.memory_space<hbm>>
      %dma_wait3A_127 = arith.constant 0 : i32
      %dma_wait3A_128 = arith.constant 0 : i32
      %dma_wait3A_129 = tpu.memref_slice %arg6[%dma_wait3A_127, %dma_wait3A_128] : memref<10000x128xf32, #tpu.memory_space<hbm>> -> memref<80x128xf32, #tpu.memory_space<hbm>>
      tpu.wait_dma2 semaphore(%arg19 : memref<!tpu.dma_semaphore, #tpu.memory_space<semaphore_mem>>) src(%arg10 : memref<80x128xf32, #tpu.memory_space<vmem>>) dst(%dma_wait3A_129 : memref<80x128xf32, #tpu.memory_space<hbm>>)
      %mul3A_130 = arith.constant 320 : i32
      %mul3A_131 = arith.muli %add3A_123, %mul3A_130 : i32
      "tpu.region"() ({
        %run_scoped3A = tpu.sem_alloc : memref<!tpu.dma_semaphore, #tpu.memory_space<semaphore_mem>>
        %dma_start3A_153 = tpu.memref_slice %arg4[%mul3A_131] : memref<40000xi32, #tpu.memory_space<hbm>> -> memref<320xi32, #tpu.memory_space<hbm>>
        %dma_start3A_154 = tpu.memref_slice %arg4[%mul3A_131] : memref<40000xi32, #tpu.memory_space<hbm>> -> memref<320xi32, #tpu.memory_space<hbm>>
        tpu.enqueue_dma source(%dma_start3A_154 : memref<320xi32, #tpu.memory_space<hbm>>) target(%arg8 : memref<320xi32, #tpu.memory_space<vmem>>) target_semaphore(%run_scoped3A : memref<!tpu.dma_semaphore, #tpu.memory_space<semaphore_mem>>)
        %dma_wait3A_155 = tpu.memref_slice %arg4[%mul3A_131] : memref<40000xi32, #tpu.memory_space<hbm>> -> memref<320xi32, #tpu.memory_space<hbm>>
        %dma_wait3A_156 = tpu.memref_slice %arg4[%mul3A_131] : memref<40000xi32, #tpu.memory_space<hbm>> -> memref<320xi32, #tpu.memory_space<hbm>>
        tpu.wait_dma2 semaphore(%run_scoped3A : memref<!tpu.dma_semaphore, #tpu.memory_space<semaphore_mem>>) src(%dma_wait3A_156 : memref<320xi32, #tpu.memory_space<hbm>>) dst(%arg8 : memref<320xi32, #tpu.memory_space<vmem>>)
        tpu.yield
      }) : () -> ()
      %mul3A_132 = arith.constant 80 : i32
      %mul3A_133 = arith.muli %add3A_123, %mul3A_132 : i32
      "tpu.region"() ({
        %run_scoped3A = tpu.sem_alloc : memref<!tpu.dma_semaphore, #tpu.memory_space<semaphore_mem>>
        %dma_start3A_153 = arith.constant 0 : i32
        %dma_start3A_154 = tpu.memref_slice %arg2[%mul3A_133, %dma_start3A_153] : memref<10000x128xf32, #tpu.memory_space<hbm>> -> memref<80x128xf32, #tpu.memory_space<hbm>>
        %dma_start3A_155 = arith.constant 0 : i32
        %dma_start3A_156 = tpu.memref_slice %arg2[%mul3A_133, %dma_start3A_155] : memref<10000x128xf32, #tpu.memory_space<hbm>> -> memref<80x128xf32, #tpu.memory_space<hbm>>
        tpu.enqueue_dma source(%dma_start3A_156 : memref<80x128xf32, #tpu.memory_space<hbm>>) target(%arg10 : memref<80x128xf32, #tpu.memory_space<vmem>>) target_semaphore(%run_scoped3A : memref<!tpu.dma_semaphore, #tpu.memory_space<semaphore_mem>>)
        %dma_wait3A_157 = arith.constant 0 : i32
        %dma_wait3A_158 = tpu.memref_slice %arg2[%mul3A_133, %dma_wait3A_157] : memref<10000x128xf32, #tpu.memory_space<hbm>> -> memref<80x128xf32, #tpu.memory_space<hbm>>
        %dma_wait3A_159 = arith.constant 0 : i32
        %dma_wait3A_160 = tpu.memref_slice %arg2[%mul3A_133, %dma_wait3A_159] : memref<10000x128xf32, #tpu.memory_space<hbm>> -> memref<80x128xf32, #tpu.memory_space<hbm>>
        tpu.wait_dma2 semaphore(%run_scoped3A : memref<!tpu.dma_semaphore, #tpu.memory_space<semaphore_mem>>) src(%dma_wait3A_160 : memref<80x128xf32, #tpu.memory_space<hbm>>) dst(%arg10 : memref<80x128xf32, #tpu.memory_space<vmem>>)
        tpu.yield
      }) : () -> ()
      %dma_start3A = arith.constant 0 : i32
      %dma_start3A_134 = tpu.memref_slice %arg8[%dma_start3A] : memref<320xi32, #tpu.memory_space<vmem>> -> memref<80xi32, #tpu.memory_space<vmem>>
      %dma_start3A_135 = arith.constant 0 : i32
      %dma_start3A_136 = arith.constant 0 : i32
      %dma_start3A_137 = tpu.memref_slice %arg15[%dma_start3A_135, %dma_start3A_136] : memref<4000x128xf32, #tpu.memory_space<vmem_shared>> -> memref<4000x128xf32, #tpu.memory_space<vmem_shared>>
      tpu.enqueue_indirect_dma source(%dma_start3A_137 : memref<4000x128xf32, #tpu.memory_space<vmem_shared>>) target(%arg10 : memref<80x128xf32, #tpu.memory_space<vmem>>) offsets(%dma_start3A_134 : memref<80xi32, #tpu.memory_space<vmem>>) semaphore(%arg17 : memref<!tpu.dma_semaphore, #tpu.memory_space<semaphore_mem>>) {add = true}
      %dma_start3A_138 = arith.constant 80 : i32
      %dma_start3A_139 = tpu.memref_slice %arg8[%dma_start3A_138] : memref<320xi32, #tpu.memory_space<vmem>> -> memref<80xi32, #tpu.memory_space<vmem>>
      %dma_start3A_140 = arith.constant 0 : i32
      %dma_start3A_141 = arith.constant 0 : i32
      %dma_start3A_142 = tpu.memref_slice %arg15[%dma_start3A_140, %dma_start3A_141] : memref<4000x128xf32, #tpu.memory_space<vmem_shared>> -> memref<4000x128xf32, #tpu.memory_space<vmem_shared>>
      tpu.enqueue_indirect_dma source(%dma_start3A_142 : memref<4000x128xf32, #tpu.memory_space<vmem_shared>>) target(%arg10 : memref<80x128xf32, #tpu.memory_space<vmem>>) offsets(%dma_start3A_139 : memref<80xi32, #tpu.memory_space<vmem>>) semaphore(%arg17 : memref<!tpu.dma_semaphore, #tpu.memory_space<semaphore_mem>>) {add = true}
      %dma_start3A_143 = arith.constant 160 : i32
      %dma_start3A_144 = tpu.memref_slice %arg8[%dma_start3A_143] : memref<320xi32, #tpu.memory_space<vmem>> -> memref<80xi32, #tpu.memory_space<vmem>>
      %dma_start3A_145 = arith.constant 0 : i32
      %dma_start3A_146 = arith.constant 0 : i32
      %dma_start3A_147 = tpu.memref_slice %arg15[%dma_start3A_145, %dma_start3A_146] : memref<4000x128xf32, #tpu.memory_space<vmem_shared>> -> memref<4000x128xf32, #tpu.memory_space<vmem_shared>>
      tpu.enqueue_indirect_dma source(%dma_start3A_147 : memref<4000x128xf32, #tpu.memory_space<vmem_shared>>) target(%arg10 : memref<80x128xf32, #tpu.memory_space<vmem>>) offsets(%dma_start3A_144 : memref<80xi32, #tpu.memory_space<vmem>>) semaphore(%arg17 : memref<!tpu.dma_semaphore, #tpu.memory_space<semaphore_mem>>) {add = true}
      %dma_start3A_148 = arith.constant 240 : i32
      %dma_start3A_149 = tpu.memref_slice %arg8[%dma_start3A_148] : memref<320xi32, #tpu.memory_space<vmem>> -> memref<80xi32, #tpu.memory_space<vmem>>
      %dma_start3A_150 = arith.constant 0 : i32
      %dma_start3A_151 = arith.constant 0 : i32
      %dma_start3A_152 = tpu.memref_slice %arg15[%dma_start3A_150, %dma_start3A_151] : memref<4000x128xf32, #tpu.memory_space<vmem_shared>> -> memref<4000x128xf32, #tpu.memory_space<vmem_shared>>
      tpu.enqueue_indirect_dma source(%dma_start3A_152 : memref<4000x128xf32, #tpu.memory_space<vmem_shared>>) target(%arg10 : memref<80x128xf32, #tpu.memory_space<vmem>>) offsets(%dma_start3A_149 : memref<80xi32, #tpu.memory_space<vmem>>) semaphore(%arg17 : memref<!tpu.dma_semaphore, #tpu.memory_space<semaphore_mem>>) {add = true}
    } else {
    }
    %gt3A_54 = arith.constant 1 : i32
    %gt3A_55 = arith.cmpi sgt, %select_n3A, %gt3A_54 : i32
    %convert_element_type3A_56 = arith.extui %gt3A_55 : i1 to i32
    %cond3A_57 = arith.constant 0 : i32
    %cond3A_58 = arith.cmpi ne, %convert_element_type3A_56, %cond3A_57 : i32
    scf.if %cond3A_58 {
      %add3A_122 = arith.constant 1 : i32
      %add3A_123 = arith.addi %select_n3A_36, %add3A_122 : i32
      %dma_wait3A_124 = arith.constant 0 : i32
      %dma_wait3A_125 = tpu.memref_slice %arg9[%dma_wait3A_124] : memref<320xi32, #tpu.memory_space<vmem>> -> memref<80xi32, #tpu.memory_space<vmem>>
      %dma_wait3A_126 = arith.constant 0 : i32
      %dma_wait3A_127 = arith.constant 0 : i32
      %dma_wait3A_128 = tpu.memref_slice %arg15[%dma_wait3A_126, %dma_wait3A_127] : memref<4000x128xf32, #tpu.memory_space<vmem_shared>> -> memref<4000x128xf32, #tpu.memory_space<vmem_shared>>
      tpu.wait_indirect_dma semaphore(%arg18 : memref<!tpu.dma_semaphore, #tpu.memory_space<semaphore_mem>>) src(%dma_wait3A_128 : memref<4000x128xf32, #tpu.memory_space<vmem_shared>>) dst(%arg11 : memref<80x128xf32, #tpu.memory_space<vmem>>)
      %dma_wait3A_129 = arith.constant 80 : i32
      %dma_wait3A_130 = tpu.memref_slice %arg9[%dma_wait3A_129] : memref<320xi32, #tpu.memory_space<vmem>> -> memref<80xi32, #tpu.memory_space<vmem>>
      %dma_wait3A_131 = arith.constant 0 : i32
      %dma_wait3A_132 = arith.constant 0 : i32
      %dma_wait3A_133 = tpu.memref_slice %arg15[%dma_wait3A_131, %dma_wait3A_132] : memref<4000x128xf32, #tpu.memory_space<vmem_shared>> -> memref<4000x128xf32, #tpu.memory_space<vmem_shared>>
      tpu.wait_indirect_dma semaphore(%arg18 : memref<!tpu.dma_semaphore, #tpu.memory_space<semaphore_mem>>) src(%dma_wait3A_133 : memref<4000x128xf32, #tpu.memory_space<vmem_shared>>) dst(%arg11 : memref<80x128xf32, #tpu.memory_space<vmem>>)
      %dma_wait3A_134 = arith.constant 160 : i32
      %dma_wait3A_135 = tpu.memref_slice %arg9[%dma_wait3A_134] : memref<320xi32, #tpu.memory_space<vmem>> -> memref<80xi32, #tpu.memory_space<vmem>>
      %dma_wait3A_136 = arith.constant 0 : i32
      %dma_wait3A_137 = arith.constant 0 : i32
      %dma_wait3A_138 = tpu.memref_slice %arg15[%dma_wait3A_136, %dma_wait3A_137] : memref<4000x128xf32, #tpu.memory_space<vmem_shared>> -> memref<4000x128xf32, #tpu.memory_space<vmem_shared>>
      tpu.wait_indirect_dma semaphore(%arg18 : memref<!tpu.dma_semaphore, #tpu.memory_space<semaphore_mem>>) src(%dma_wait3A_138 : memref<4000x128xf32, #tpu.memory_space<vmem_shared>>) dst(%arg11 : memref<80x128xf32, #tpu.memory_space<vmem>>)
      %dma_wait3A_139 = arith.constant 240 : i32
      %dma_wait3A_140 = tpu.memref_slice %arg9[%dma_wait3A_139] : memref<320xi32, #tpu.memory_space<vmem>> -> memref<80xi32, #tpu.memory_space<vmem>>
      %dma_wait3A_141 = arith.constant 0 : i32
      %dma_wait3A_142 = arith.constant 0 : i32
      %dma_wait3A_143 = tpu.memref_slice %arg15[%dma_wait3A_141, %dma_wait3A_142] : memref<4000x128xf32, #tpu.memory_space<vmem_shared>> -> memref<4000x128xf32, #tpu.memory_space<vmem_shared>>
      tpu.wait_indirect_dma semaphore(%arg18 : memref<!tpu.dma_semaphore, #tpu.memory_space<semaphore_mem>>) src(%dma_wait3A_143 : memref<4000x128xf32, #tpu.memory_space<vmem_shared>>) dst(%arg11 : memref<80x128xf32, #tpu.memory_space<vmem>>)
      %mul3A_144 = arith.constant 80 : i32
      %mul3A_145 = arith.muli %add3A_123, %mul3A_144 : i32
      %dma_start3A = arith.constant 0 : i32
      %dma_start3A_146 = tpu.memref_slice %arg6[%mul3A_145, %dma_start3A] : memref<10000x128xf32, #tpu.memory_space<hbm>> -> memref<80x128xf32, #tpu.memory_space<hbm>>
      %dma_start3A_147 = arith.constant 0 : i32
      %dma_start3A_148 = tpu.memref_slice %arg6[%mul3A_145, %dma_start3A_147] : memref<10000x128xf32, #tpu.memory_space<hbm>> -> memref<80x128xf32, #tpu.memory_space<hbm>>
      tpu.enqueue_dma source(%arg11 : memref<80x128xf32, #tpu.memory_space<vmem>>) target(%dma_start3A_148 : memref<80x128xf32, #tpu.memory_space<hbm>>) target_semaphore(%arg20 : memref<!tpu.dma_semaphore, #tpu.memory_space<semaphore_mem>>)
    } else {
    }
    %gt3A_59 = arith.constant 3 : i32
    %gt3A_60 = arith.cmpi sgt, %select_n3A, %gt3A_59 : i32
    %convert_element_type3A_61 = arith.extui %gt3A_60 : i1 to i32
    %cond3A_62 = arith.constant 0 : i32
    %cond3A_63 = arith.cmpi ne, %convert_element_type3A_61, %cond3A_62 : i32
    scf.if %cond3A_63 {
      %add3A_122 = arith.constant 3 : i32
      %add3A_123 = arith.addi %select_n3A_36, %add3A_122 : i32
      %dma_wait3A_124 = arith.constant 0 : i32
      %dma_wait3A_125 = arith.constant 0 : i32
      %dma_wait3A_126 = tpu.memref_slice %arg6[%dma_wait3A_124, %dma_wait3A_125] : memref<10000x128xf32, #tpu.memory_space<hbm>> -> memref<80x128xf32, #tpu.memory_space<hbm>>
      %dma_wait3A_127 = arith.constant 0 : i32
      %dma_wait3A_128 = arith.constant 0 : i32
      %dma_wait3A_129 = tpu.memref_slice %arg6[%dma_wait3A_127, %dma_wait3A_128] : memref<10000x128xf32, #tpu.memory_space<hbm>> -> memref<80x128xf32, #tpu.memory_space<hbm>>
      tpu.wait_dma2 semaphore(%arg20 : memref<!tpu.dma_semaphore, #tpu.memory_space<semaphore_mem>>) src(%arg11 : memref<80x128xf32, #tpu.memory_space<vmem>>) dst(%dma_wait3A_129 : memref<80x128xf32, #tpu.memory_space<hbm>>)
      %mul3A_130 = arith.constant 320 : i32
      %mul3A_131 = arith.muli %add3A_123, %mul3A_130 : i32
      "tpu.region"() ({
        %run_scoped3A = tpu.sem_alloc : memref<!tpu.dma_semaphore, #tpu.memory_space<semaphore_mem>>
        %dma_start3A_153 = tpu.memref_slice %arg4[%mul3A_131] : memref<40000xi32, #tpu.memory_space<hbm>> -> memref<320xi32, #tpu.memory_space<hbm>>
        %dma_start3A_154 = tpu.memref_slice %arg4[%mul3A_131] : memref<40000xi32, #tpu.memory_space<hbm>> -> memref<320xi32, #tpu.memory_space<hbm>>
        tpu.enqueue_dma source(%dma_start3A_154 : memref<320xi32, #tpu.memory_space<hbm>>) target(%arg9 : memref<320xi32, #tpu.memory_space<vmem>>) target_semaphore(%run_scoped3A : memref<!tpu.dma_semaphore, #tpu.memory_space<semaphore_mem>>)
        %dma_wait3A_155 = tpu.memref_slice %arg4[%mul3A_131] : memref<40000xi32, #tpu.memory_space<hbm>> -> memref<320xi32, #tpu.memory_space<hbm>>
        %dma_wait3A_156 = tpu.memref_slice %arg4[%mul3A_131] : memref<40000xi32, #tpu.memory_space<hbm>> -> memref<320xi32, #tpu.memory_space<hbm>>
        tpu.wait_dma2 semaphore(%run_scoped3A : memref<!tpu.dma_semaphore, #tpu.memory_space<semaphore_mem>>) src(%dma_wait3A_156 : memref<320xi32, #tpu.memory_space<hbm>>) dst(%arg9 : memref<320xi32, #tpu.memory_space<vmem>>)
        tpu.yield
      }) : () -> ()
      %mul3A_132 = arith.constant 80 : i32
      %mul3A_133 = arith.muli %add3A_123, %mul3A_132 : i32
      "tpu.region"() ({
        %run_scoped3A = tpu.sem_alloc : memref<!tpu.dma_semaphore, #tpu.memory_space<semaphore_mem>>
        %dma_start3A_153 = arith.constant 0 : i32
        %dma_start3A_154 = tpu.memref_slice %arg2[%mul3A_133, %dma_start3A_153] : memref<10000x128xf32, #tpu.memory_space<hbm>> -> memref<80x128xf32, #tpu.memory_space<hbm>>
        %dma_start3A_155 = arith.constant 0 : i32
        %dma_start3A_156 = tpu.memref_slice %arg2[%mul3A_133, %dma_start3A_155] : memref<10000x128xf32, #tpu.memory_space<hbm>> -> memref<80x128xf32, #tpu.memory_space<hbm>>
        tpu.enqueue_dma source(%dma_start3A_156 : memref<80x128xf32, #tpu.memory_space<hbm>>) target(%arg11 : memref<80x128xf32, #tpu.memory_space<vmem>>) target_semaphore(%run_scoped3A : memref<!tpu.dma_semaphore, #tpu.memory_space<semaphore_mem>>)
        %dma_wait3A_157 = arith.constant 0 : i32
        %dma_wait3A_158 = tpu.memref_slice %arg2[%mul3A_133, %dma_wait3A_157] : memref<10000x128xf32, #tpu.memory_space<hbm>> -> memref<80x128xf32, #tpu.memory_space<hbm>>
        %dma_wait3A_159 = arith.constant 0 : i32
        %dma_wait3A_160 = tpu.memref_slice %arg2[%mul3A_133, %dma_wait3A_159] : memref<10000x128xf32, #tpu.memory_space<hbm>> -> memref<80x128xf32, #tpu.memory_space<hbm>>
        tpu.wait_dma2 semaphore(%run_scoped3A : memref<!tpu.dma_semaphore, #tpu.memory_space<semaphore_mem>>) src(%dma_wait3A_160 : memref<80x128xf32, #tpu.memory_space<hbm>>) dst(%arg11 : memref<80x128xf32, #tpu.memory_space<vmem>>)
        tpu.yield
      }) : () -> ()
      %dma_start3A = arith.constant 0 : i32
      %dma_start3A_134 = tpu.memref_slice %arg9[%dma_start3A] : memref<320xi32, #tpu.memory_space<vmem>> -> memref<80xi32, #tpu.memory_space<vmem>>
      %dma_start3A_135 = arith.constant 0 : i32
      %dma_start3A_136 = arith.constant 0 : i32
      %dma_start3A_137 = tpu.memref_slice %arg15[%dma_start3A_135, %dma_start3A_136] : memref<4000x128xf32, #tpu.memory_space<vmem_shared>> -> memref<4000x128xf32, #tpu.memory_space<vmem_shared>>
      tpu.enqueue_indirect_dma source(%dma_start3A_137 : memref<4000x128xf32, #tpu.memory_space<vmem_shared>>) target(%arg11 : memref<80x128xf32, #tpu.memory_space<vmem>>) offsets(%dma_start3A_134 : memref<80xi32, #tpu.memory_space<vmem>>) semaphore(%arg18 : memref<!tpu.dma_semaphore, #tpu.memory_space<semaphore_mem>>) {add = true}
      %dma_start3A_138 = arith.constant 80 : i32
      %dma_start3A_139 = tpu.memref_slice %arg9[%dma_start3A_138] : memref<320xi32, #tpu.memory_space<vmem>> -> memref<80xi32, #tpu.memory_space<vmem>>
      %dma_start3A_140 = arith.constant 0 : i32
      %dma_start3A_141 = arith.constant 0 : i32
      %dma_start3A_142 = tpu.memref_slice %arg15[%dma_start3A_140, %dma_start3A_141] : memref<4000x128xf32, #tpu.memory_space<vmem_shared>> -> memref<4000x128xf32, #tpu.memory_space<vmem_shared>>
      tpu.enqueue_indirect_dma source(%dma_start3A_142 : memref<4000x128xf32, #tpu.memory_space<vmem_shared>>) target(%arg11 : memref<80x128xf32, #tpu.memory_space<vmem>>) offsets(%dma_start3A_139 : memref<80xi32, #tpu.memory_space<vmem>>) semaphore(%arg18 : memref<!tpu.dma_semaphore, #tpu.memory_space<semaphore_mem>>) {add = true}
      %dma_start3A_143 = arith.constant 160 : i32
      %dma_start3A_144 = tpu.memref_slice %arg9[%dma_start3A_143] : memref<320xi32, #tpu.memory_space<vmem>> -> memref<80xi32, #tpu.memory_space<vmem>>
      %dma_start3A_145 = arith.constant 0 : i32
      %dma_start3A_146 = arith.constant 0 : i32
      %dma_start3A_147 = tpu.memref_slice %arg15[%dma_start3A_145, %dma_start3A_146] : memref<4000x128xf32, #tpu.memory_space<vmem_shared>> -> memref<4000x128xf32, #tpu.memory_space<vmem_shared>>
      tpu.enqueue_indirect_dma source(%dma_start3A_147 : memref<4000x128xf32, #tpu.memory_space<vmem_shared>>) target(%arg11 : memref<80x128xf32, #tpu.memory_space<vmem>>) offsets(%dma_start3A_144 : memref<80xi32, #tpu.memory_space<vmem>>) semaphore(%arg18 : memref<!tpu.dma_semaphore, #tpu.memory_space<semaphore_mem>>) {add = true}
      %dma_start3A_148 = arith.constant 240 : i32
      %dma_start3A_149 = tpu.memref_slice %arg9[%dma_start3A_148] : memref<320xi32, #tpu.memory_space<vmem>> -> memref<80xi32, #tpu.memory_space<vmem>>
      %dma_start3A_150 = arith.constant 0 : i32
      %dma_start3A_151 = arith.constant 0 : i32
      %dma_start3A_152 = tpu.memref_slice %arg15[%dma_start3A_150, %dma_start3A_151] : memref<4000x128xf32, #tpu.memory_space<vmem_shared>> -> memref<4000x128xf32, #tpu.memory_space<vmem_shared>>
      tpu.enqueue_indirect_dma source(%dma_start3A_152 : memref<4000x128xf32, #tpu.memory_space<vmem_shared>>) target(%arg11 : memref<80x128xf32, #tpu.memory_space<vmem>>) offsets(%dma_start3A_149 : memref<80xi32, #tpu.memory_space<vmem>>) semaphore(%arg18 : memref<!tpu.dma_semaphore, #tpu.memory_space<semaphore_mem>>) {add = true}
    } else {
    }
    %gt3A_64 = arith.constant 2 : i32
    %gt3A_65 = arith.cmpi sgt, %select_n3A, %gt3A_64 : i32
    %convert_element_type3A_66 = arith.extui %gt3A_65 : i1 to i32
    %cond3A_67 = arith.constant 0 : i32
    %cond3A_68 = arith.cmpi ne, %convert_element_type3A_66, %cond3A_67 : i32
    scf.if %cond3A_68 {
      %add3A_122 = arith.constant 2 : i32
      %add3A_123 = arith.addi %select_n3A_36, %add3A_122 : i32
      %dma_wait3A_124 = arith.constant 0 : i32
      %dma_wait3A_125 = tpu.memref_slice %arg8[%dma_wait3A_124] : memref<320xi32, #tpu.memory_space<vmem>> -> memref<80xi32, #tpu.memory_space<vmem>>
      %dma_wait3A_126 = arith.constant 0 : i32
      %dma_wait3A_127 = arith.constant 0 : i32
      %dma_wait3A_128 = tpu.memref_slice %arg15[%dma_wait3A_126, %dma_wait3A_127] : memref<4000x128xf32, #tpu.memory_space<vmem_shared>> -> memref<4000x128xf32, #tpu.memory_space<vmem_shared>>
      tpu.wait_indirect_dma semaphore(%arg17 : memref<!tpu.dma_semaphore, #tpu.memory_space<semaphore_mem>>) src(%dma_wait3A_128 : memref<4000x128xf32, #tpu.memory_space<vmem_shared>>) dst(%arg10 : memref<80x128xf32, #tpu.memory_space<vmem>>)
      %dma_wait3A_129 = arith.constant 80 : i32
      %dma_wait3A_130 = tpu.memref_slice %arg8[%dma_wait3A_129] : memref<320xi32, #tpu.memory_space<vmem>> -> memref<80xi32, #tpu.memory_space<vmem>>
      %dma_wait3A_131 = arith.constant 0 : i32
      %dma_wait3A_132 = arith.constant 0 : i32
      %dma_wait3A_133 = tpu.memref_slice %arg15[%dma_wait3A_131, %dma_wait3A_132] : memref<4000x128xf32, #tpu.memory_space<vmem_shared>> -> memref<4000x128xf32, #tpu.memory_space<vmem_shared>>
      tpu.wait_indirect_dma semaphore(%arg17 : memref<!tpu.dma_semaphore, #tpu.memory_space<semaphore_mem>>) src(%dma_wait3A_133 : memref<4000x128xf32, #tpu.memory_space<vmem_shared>>) dst(%arg10 : memref<80x128xf32, #tpu.memory_space<vmem>>)
      %dma_wait3A_134 = arith.constant 160 : i32
      %dma_wait3A_135 = tpu.memref_slice %arg8[%dma_wait3A_134] : memref<320xi32, #tpu.memory_space<vmem>> -> memref<80xi32, #tpu.memory_space<vmem>>
      %dma_wait3A_136 = arith.constant 0 : i32
      %dma_wait3A_137 = arith.constant 0 : i32
      %dma_wait3A_138 = tpu.memref_slice %arg15[%dma_wait3A_136, %dma_wait3A_137] : memref<4000x128xf32, #tpu.memory_space<vmem_shared>> -> memref<4000x128xf32, #tpu.memory_space<vmem_shared>>
      tpu.wait_indirect_dma semaphore(%arg17 : memref<!tpu.dma_semaphore, #tpu.memory_space<semaphore_mem>>) src(%dma_wait3A_138 : memref<4000x128xf32, #tpu.memory_space<vmem_shared>>) dst(%arg10 : memref<80x128xf32, #tpu.memory_space<vmem>>)
      %dma_wait3A_139 = arith.constant 240 : i32
      %dma_wait3A_140 = tpu.memref_slice %arg8[%dma_wait3A_139] : memref<320xi32, #tpu.memory_space<vmem>> -> memref<80xi32, #tpu.memory_space<vmem>>
      %dma_wait3A_141 = arith.constant 0 : i32
      %dma_wait3A_142 = arith.constant 0 : i32
      %dma_wait3A_143 = tpu.memref_slice %arg15[%dma_wait3A_141, %dma_wait3A_142] : memref<4000x128xf32, #tpu.memory_space<vmem_shared>> -> memref<4000x128xf32, #tpu.memory_space<vmem_shared>>
      tpu.wait_indirect_dma semaphore(%arg17 : memref<!tpu.dma_semaphore, #tpu.memory_space<semaphore_mem>>) src(%dma_wait3A_143 : memref<4000x128xf32, #tpu.memory_space<vmem_shared>>) dst(%arg10 : memref<80x128xf32, #tpu.memory_space<vmem>>)
      %mul3A_144 = arith.constant 80 : i32
      %mul3A_145 = arith.muli %add3A_123, %mul3A_144 : i32
      %dma_start3A = arith.constant 0 : i32
      %dma_start3A_146 = tpu.memref_slice %arg6[%mul3A_145, %dma_start3A] : memref<10000x128xf32, #tpu.memory_space<hbm>> -> memref<80x128xf32, #tpu.memory_space<hbm>>
      %dma_start3A_147 = arith.constant 0 : i32
      %dma_start3A_148 = tpu.memref_slice %arg6[%mul3A_145, %dma_start3A_147] : memref<10000x128xf32, #tpu.memory_space<hbm>> -> memref<80x128xf32, #tpu.memory_space<hbm>>
      tpu.enqueue_dma source(%arg10 : memref<80x128xf32, #tpu.memory_space<vmem>>) target(%dma_start3A_148 : memref<80x128xf32, #tpu.memory_space<hbm>>) target_semaphore(%arg19 : memref<!tpu.dma_semaphore, #tpu.memory_space<semaphore_mem>>)
    } else {
    }
    %gt3A_69 = arith.constant 3 : i32
    %gt3A_70 = arith.cmpi sgt, %select_n3A, %gt3A_69 : i32
    %convert_element_type3A_71 = arith.extui %gt3A_70 : i1 to i32
    %cond3A_72 = arith.constant 0 : i32
    %cond3A_73 = arith.cmpi ne, %convert_element_type3A_71, %cond3A_72 : i32
    scf.if %cond3A_73 {
      %add3A_122 = arith.constant 3 : i32
      %add3A_123 = arith.addi %select_n3A_36, %add3A_122 : i32
      %dma_wait3A_124 = arith.constant 0 : i32
      %dma_wait3A_125 = tpu.memref_slice %arg9[%dma_wait3A_124] : memref<320xi32, #tpu.memory_space<vmem>> -> memref<80xi32, #tpu.memory_space<vmem>>
      %dma_wait3A_126 = arith.constant 0 : i32
      %dma_wait3A_127 = arith.constant 0 : i32
      %dma_wait3A_128 = tpu.memref_slice %arg15[%dma_wait3A_126, %dma_wait3A_127] : memref<4000x128xf32, #tpu.memory_space<vmem_shared>> -> memref<4000x128xf32, #tpu.memory_space<vmem_shared>>
      tpu.wait_indirect_dma semaphore(%arg18 : memref<!tpu.dma_semaphore, #tpu.memory_space<semaphore_mem>>) src(%dma_wait3A_128 : memref<4000x128xf32, #tpu.memory_space<vmem_shared>>) dst(%arg11 : memref<80x128xf32, #tpu.memory_space<vmem>>)
      %dma_wait3A_129 = arith.constant 80 : i32
      %dma_wait3A_130 = tpu.memref_slice %arg9[%dma_wait3A_129] : memref<320xi32, #tpu.memory_space<vmem>> -> memref<80xi32, #tpu.memory_space<vmem>>
      %dma_wait3A_131 = arith.constant 0 : i32
      %dma_wait3A_132 = arith.constant 0 : i32
      %dma_wait3A_133 = tpu.memref_slice %arg15[%dma_wait3A_131, %dma_wait3A_132] : memref<4000x128xf32, #tpu.memory_space<vmem_shared>> -> memref<4000x128xf32, #tpu.memory_space<vmem_shared>>
      tpu.wait_indirect_dma semaphore(%arg18 : memref<!tpu.dma_semaphore, #tpu.memory_space<semaphore_mem>>) src(%dma_wait3A_133 : memref<4000x128xf32, #tpu.memory_space<vmem_shared>>) dst(%arg11 : memref<80x128xf32, #tpu.memory_space<vmem>>)
      %dma_wait3A_134 = arith.constant 160 : i32
      %dma_wait3A_135 = tpu.memref_slice %arg9[%dma_wait3A_134] : memref<320xi32, #tpu.memory_space<vmem>> -> memref<80xi32, #tpu.memory_space<vmem>>
      %dma_wait3A_136 = arith.constant 0 : i32
      %dma_wait3A_137 = arith.constant 0 : i32
      %dma_wait3A_138 = tpu.memref_slice %arg15[%dma_wait3A_136, %dma_wait3A_137] : memref<4000x128xf32, #tpu.memory_space<vmem_shared>> -> memref<4000x128xf32, #tpu.memory_space<vmem_shared>>
      tpu.wait_indirect_dma semaphore(%arg18 : memref<!tpu.dma_semaphore, #tpu.memory_space<semaphore_mem>>) src(%dma_wait3A_138 : memref<4000x128xf32, #tpu.memory_space<vmem_shared>>) dst(%arg11 : memref<80x128xf32, #tpu.memory_space<vmem>>)
      %dma_wait3A_139 = arith.constant 240 : i32
      %dma_wait3A_140 = tpu.memref_slice %arg9[%dma_wait3A_139] : memref<320xi32, #tpu.memory_space<vmem>> -> memref<80xi32, #tpu.memory_space<vmem>>
      %dma_wait3A_141 = arith.constant 0 : i32
      %dma_wait3A_142 = arith.constant 0 : i32
      %dma_wait3A_143 = tpu.memref_slice %arg15[%dma_wait3A_141, %dma_wait3A_142] : memref<4000x128xf32, #tpu.memory_space<vmem_shared>> -> memref<4000x128xf32, #tpu.memory_space<vmem_shared>>
      tpu.wait_indirect_dma semaphore(%arg18 : memref<!tpu.dma_semaphore, #tpu.memory_space<semaphore_mem>>) src(%dma_wait3A_143 : memref<4000x128xf32, #tpu.memory_space<vmem_shared>>) dst(%arg11 : memref<80x128xf32, #tpu.memory_space<vmem>>)
      %mul3A_144 = arith.constant 80 : i32
      %mul3A_145 = arith.muli %add3A_123, %mul3A_144 : i32
      %dma_start3A = arith.constant 0 : i32
      %dma_start3A_146 = tpu.memref_slice %arg6[%mul3A_145, %dma_start3A] : memref<10000x128xf32, #tpu.memory_space<hbm>> -> memref<80x128xf32, #tpu.memory_space<hbm>>
      %dma_start3A_147 = arith.constant 0 : i32
      %dma_start3A_148 = tpu.memref_slice %arg6[%mul3A_145, %dma_start3A_147] : memref<10000x128xf32, #tpu.memory_space<hbm>> -> memref<80x128xf32, #tpu.memory_space<hbm>>
      tpu.enqueue_dma source(%arg11 : memref<80x128xf32, #tpu.memory_space<vmem>>) target(%dma_start3A_148 : memref<80x128xf32, #tpu.memory_space<hbm>>) target_semaphore(%arg20 : memref<!tpu.dma_semaphore, #tpu.memory_space<semaphore_mem>>)
    } else {
    }
    %mul3A_74 = arith.constant 20 : i32
    %mul3A_75 = arith.muli %add3A, %mul3A_74 : i32
    %scan3A_76 = arith.constant 0 : i32
    %mul3A_77 = arith.constant 1 : i32
    %mul3A_78 = arith.muli %scan3A_76, %mul3A_77 : i32
    %add3A_79 = arith.constant 0 : i32
    %add3A_80 = arith.addi %add3A_79, %mul3A_78 : i32
    %mul3A_81 = arith.constant 20 : i32
    %mul3A_82 = arith.muli %add3A_80, %mul3A_81 : i32
    %add3A_83 = arith.addi %mul3A_75, %mul3A_82 : i32
    "tpu.region"() ({
      %run_scoped3A = tpu.sem_alloc : memref<!tpu.dma_semaphore, #tpu.memory_space<semaphore_mem>>
      %dma_start3A = arith.constant 0 : i32
      %dma_start3A_122 = tpu.memref_slice %arg5[%add3A_83, %dma_start3A] : memref<640x512xi32, #tpu.memory_space<hbm>> -> memref<20x512xi32, #tpu.memory_space<hbm>>
      %dma_start3A_123 = arith.constant 0 : i32
      %dma_start3A_124 = tpu.memref_slice %arg5[%add3A_83, %dma_start3A_123] : memref<640x512xi32, #tpu.memory_space<hbm>> -> memref<20x512xi32, #tpu.memory_space<hbm>>
      tpu.enqueue_dma source(%dma_start3A_124 : memref<20x512xi32, #tpu.memory_space<hbm>>) target(%arg12 : memref<20x512xi32, #tpu.memory_space<vmem>>) target_semaphore(%run_scoped3A : memref<!tpu.dma_semaphore, #tpu.memory_space<semaphore_mem>>)
      %dma_wait3A_125 = arith.constant 0 : i32
      %dma_wait3A_126 = tpu.memref_slice %arg5[%add3A_83, %dma_wait3A_125] : memref<640x512xi32, #tpu.memory_space<hbm>> -> memref<20x512xi32, #tpu.memory_space<hbm>>
      %dma_wait3A_127 = arith.constant 0 : i32
      %dma_wait3A_128 = tpu.memref_slice %arg5[%add3A_83, %dma_wait3A_127] : memref<640x512xi32, #tpu.memory_space<hbm>> -> memref<20x512xi32, #tpu.memory_space<hbm>>
      tpu.wait_dma2 semaphore(%run_scoped3A : memref<!tpu.dma_semaphore, #tpu.memory_space<semaphore_mem>>) src(%dma_wait3A_128 : memref<20x512xi32, #tpu.memory_space<hbm>>) dst(%arg12 : memref<20x512xi32, #tpu.memory_space<vmem>>)
      tpu.yield
    }) : () -> ()
    %scan3A_84 = arith.constant 0 : i32
    %scan3A_85 = arith.constant 10 : i32
    %scan3A_86 = arith.addi %scan3A_84, %scan3A_85 : i32
    %scan3A_87 = arith.constant 1 : i32
    scf.for %scan3A_122 = %scan3A_84 to %scan3A_86 step %scan3A_87  : i32 {
      %mul3A_123 = arith.constant 1 : i32
      %mul3A_124 = arith.muli %scan3A_122, %mul3A_123 : i32
      %add3A_125 = arith.constant 0 : i32
      %add3A_126 = arith.addi %add3A_125, %mul3A_124 : i32
      %mul3A_127 = arith.constant 2 : i32
      %mul3A_128 = arith.muli %add3A_126, %mul3A_127 : i32
      %add3A_129 = arith.constant 0 : i32
      %add3A_130 = arith.addi %mul3A_128, %add3A_129 : i32
      %ge3A = arith.constant 2 : i32
      %ge3A_131 = arith.cmpi sge, %add3A_130, %ge3A : i32
      %convert_element_type3A_132 = arith.extui %ge3A_131 : i1 to i32
      %cond3A_133 = arith.constant 0 : i32
      %cond3A_134 = arith.cmpi ne, %convert_element_type3A_132, %cond3A_133 : i32
      scf.if %cond3A_134 {
        %dma_wait3A_155 = arith.constant 0 : i32
        %dma_wait3A_156 = arith.constant 0 : i32
        %dma_wait3A_157 = tpu.memref_slice %arg12[%dma_wait3A_155, %dma_wait3A_156] : memref<20x512xi32, #tpu.memory_space<vmem>> -> memref<1x512xi32, #tpu.memory_space<vmem>>
        %dma_wait3A_158 = tpu.memref_squeeze %dma_wait3A_157 : memref<1x512xi32, #tpu.memory_space<vmem>> -> memref<512xi32, #tpu.memory_space<vmem>>
        %dma_wait3A_159 = arith.constant 0 : i32
        %dma_wait3A_160 = arith.constant 0 : i32
        %dma_wait3A_161 = tpu.memref_slice %arg16[%dma_wait3A_159, %dma_wait3A_160] : memref<10240x16xf32, #tpu.memory_space<vmem_shared>> -> memref<10240x16xf32, #tpu.memory_space<vmem_shared>>
        tpu.wait_indirect_dma semaphore(%arg21 : memref<!tpu.dma_semaphore, #tpu.memory_space<semaphore_mem>>) src(%arg13 : memref<512x16xf32, #tpu.memory_space<vmem>>) dst(%dma_wait3A_161 : memref<10240x16xf32, #tpu.memory_space<vmem_shared>>)
      } else {
      }
      %dma_start3A = arith.constant 0 : i32
      %dma_start3A_135 = tpu.memref_slice %arg12[%add3A_130, %dma_start3A] : memref<20x512xi32, #tpu.memory_space<vmem>> -> memref<1x512xi32, #tpu.memory_space<vmem>>
      %dma_start3A_136 = tpu.memref_squeeze %dma_start3A_135 : memref<1x512xi32, #tpu.memory_space<vmem>> -> memref<512xi32, #tpu.memory_space<vmem>>
      %dma_start3A_137 = arith.constant 0 : i32
      %dma_start3A_138 = arith.constant 0 : i32
      %dma_start3A_139 = tpu.memref_slice %arg16[%dma_start3A_137, %dma_start3A_138] : memref<10240x16xf32, #tpu.memory_space<vmem_shared>> -> memref<10240x16xf32, #tpu.memory_space<vmem_shared>>
      tpu.enqueue_indirect_dma source(%arg13 : memref<512x16xf32, #tpu.memory_space<vmem>>) target(%dma_start3A_139 : memref<10240x16xf32, #tpu.memory_space<vmem_shared>>) offsets(%dma_start3A_136 : memref<512xi32, #tpu.memory_space<vmem>>) semaphore(%arg21 : memref<!tpu.dma_semaphore, #tpu.memory_space<semaphore_mem>>) {add = true}
      %mul3A_140 = arith.constant 2 : i32
      %mul3A_141 = arith.muli %add3A_126, %mul3A_140 : i32
      %add3A_142 = arith.constant 1 : i32
      %add3A_143 = arith.addi %mul3A_141, %add3A_142 : i32
      %ge3A_144 = arith.constant 2 : i32
      %ge3A_145 = arith.cmpi sge, %add3A_143, %ge3A_144 : i32
      %convert_element_type3A_146 = arith.extui %ge3A_145 : i1 to i32
      %cond3A_147 = arith.constant 0 : i32
      %cond3A_148 = arith.cmpi ne, %convert_element_type3A_146, %cond3A_147 : i32
      scf.if %cond3A_148 {
        %dma_wait3A_155 = arith.constant 0 : i32
        %dma_wait3A_156 = arith.constant 0 : i32
        %dma_wait3A_157 = tpu.memref_slice %arg12[%dma_wait3A_155, %dma_wait3A_156] : memref<20x512xi32, #tpu.memory_space<vmem>> -> memref<1x512xi32, #tpu.memory_space<vmem>>
        %dma_wait3A_158 = tpu.memref_squeeze %dma_wait3A_157 : memref<1x512xi32, #tpu.memory_space<vmem>> -> memref<512xi32, #tpu.memory_space<vmem>>
        %dma_wait3A_159 = arith.constant 0 : i32
        %dma_wait3A_160 = arith.constant 0 : i32
        %dma_wait3A_161 = tpu.memref_slice %arg16[%dma_wait3A_159, %dma_wait3A_160] : memref<10240x16xf32, #tpu.memory_space<vmem_shared>> -> memref<10240x16xf32, #tpu.memory_space<vmem_shared>>
        tpu.wait_indirect_dma semaphore(%arg22 : memref<!tpu.dma_semaphore, #tpu.memory_space<semaphore_mem>>) src(%arg13 : memref<512x16xf32, #tpu.memory_space<vmem>>) dst(%dma_wait3A_161 : memref<10240x16xf32, #tpu.memory_space<vmem_shared>>)
      } else {
      }
      %dma_start3A_149 = arith.constant 0 : i32
      %dma_start3A_150 = tpu.memref_slice %arg12[%add3A_143, %dma_start3A_149] : memref<20x512xi32, #tpu.memory_space<vmem>> -> memref<1x512xi32, #tpu.memory_space<vmem>>
      %dma_start3A_151 = tpu.memref_squeeze %dma_start3A_150 : memref<1x512xi32, #tpu.memory_space<vmem>> -> memref<512xi32, #tpu.memory_space<vmem>>
      %dma_start3A_152 = arith.constant 0 : i32
      %dma_start3A_153 = arith.constant 0 : i32
      %dma_start3A_154 = tpu.memref_slice %arg16[%dma_start3A_152, %dma_start3A_153] : memref<10240x16xf32, #tpu.memory_space<vmem_shared>> -> memref<10240x16xf32, #tpu.memory_space<vmem_shared>>
      tpu.enqueue_indirect_dma source(%arg13 : memref<512x16xf32, #tpu.memory_space<vmem>>) target(%dma_start3A_154 : memref<10240x16xf32, #tpu.memory_space<vmem_shared>>) offsets(%dma_start3A_151 : memref<512xi32, #tpu.memory_space<vmem>>) semaphore(%arg22 : memref<!tpu.dma_semaphore, #tpu.memory_space<semaphore_mem>>) {add = true}
    }
    %scan3A_88 = arith.constant 10 : i32
    %dma_wait3A = arith.constant 0 : i32
    %dma_wait3A_89 = arith.constant 0 : i32
    %dma_wait3A_90 = tpu.memref_slice %arg12[%dma_wait3A, %dma_wait3A_89] : memref<20x512xi32, #tpu.memory_space<vmem>> -> memref<1x512xi32, #tpu.memory_space<vmem>>
    %dma_wait3A_91 = tpu.memref_squeeze %dma_wait3A_90 : memref<1x512xi32, #tpu.memory_space<vmem>> -> memref<512xi32, #tpu.memory_space<vmem>>
    %dma_wait3A_92 = arith.constant 0 : i32
    %dma_wait3A_93 = arith.constant 0 : i32
    %dma_wait3A_94 = tpu.memref_slice %arg16[%dma_wait3A_92, %dma_wait3A_93] : memref<10240x16xf32, #tpu.memory_space<vmem_shared>> -> memref<10240x16xf32, #tpu.memory_space<vmem_shared>>
    tpu.wait_indirect_dma semaphore(%arg21 : memref<!tpu.dma_semaphore, #tpu.memory_space<semaphore_mem>>) src(%arg13 : memref<512x16xf32, #tpu.memory_space<vmem>>) dst(%dma_wait3A_94 : memref<10240x16xf32, #tpu.memory_space<vmem_shared>>)
    %dma_wait3A_95 = arith.constant 0 : i32
    %dma_wait3A_96 = arith.constant 0 : i32
    %dma_wait3A_97 = tpu.memref_slice %arg12[%dma_wait3A_95, %dma_wait3A_96] : memref<20x512xi32, #tpu.memory_space<vmem>> -> memref<1x512xi32, #tpu.memory_space<vmem>>
    %dma_wait3A_98 = tpu.memref_squeeze %dma_wait3A_97 : memref<1x512xi32, #tpu.memory_space<vmem>> -> memref<512xi32, #tpu.memory_space<vmem>>
    %dma_wait3A_99 = arith.constant 0 : i32
    %dma_wait3A_100 = arith.constant 0 : i32
    %dma_wait3A_101 = tpu.memref_slice %arg16[%dma_wait3A_99, %dma_wait3A_100] : memref<10240x16xf32, #tpu.memory_space<vmem_shared>> -> memref<10240x16xf32, #tpu.memory_space<vmem_shared>>
    tpu.wait_indirect_dma semaphore(%arg22 : memref<!tpu.dma_semaphore, #tpu.memory_space<semaphore_mem>>) src(%arg13 : memref<512x16xf32, #tpu.memory_space<vmem>>) dst(%dma_wait3A_101 : memref<10240x16xf32, #tpu.memory_space<vmem_shared>>)
    %scan3A_102 = arith.constant 1 : i32
    %dma_wait3A_103 = arith.constant 0 : i32
    %dma_wait3A_104 = arith.constant 0 : i32
    %dma_wait3A_105 = tpu.memref_slice %arg6[%dma_wait3A_103, %dma_wait3A_104] : memref<10000x128xf32, #tpu.memory_space<hbm>> -> memref<80x128xf32, #tpu.memory_space<hbm>>
    %dma_wait3A_106 = arith.constant 0 : i32
    %dma_wait3A_107 = arith.constant 0 : i32
    %dma_wait3A_108 = tpu.memref_slice %arg6[%dma_wait3A_106, %dma_wait3A_107] : memref<10000x128xf32, #tpu.memory_space<hbm>> -> memref<80x128xf32, #tpu.memory_space<hbm>>
    tpu.wait_dma2 semaphore(%arg19 : memref<!tpu.dma_semaphore, #tpu.memory_space<semaphore_mem>>) src(%arg10 : memref<80x128xf32, #tpu.memory_space<vmem>>) dst(%dma_wait3A_108 : memref<80x128xf32, #tpu.memory_space<hbm>>)
    %dma_wait3A_109 = arith.constant 0 : i32
    %dma_wait3A_110 = arith.constant 0 : i32
    %dma_wait3A_111 = tpu.memref_slice %arg6[%dma_wait3A_109, %dma_wait3A_110] : memref<10000x128xf32, #tpu.memory_space<hbm>> -> memref<80x128xf32, #tpu.memory_space<hbm>>
    %dma_wait3A_112 = arith.constant 0 : i32
    %dma_wait3A_113 = arith.constant 0 : i32
    %dma_wait3A_114 = tpu.memref_slice %arg6[%dma_wait3A_112, %dma_wait3A_113] : memref<10000x128xf32, #tpu.memory_space<hbm>> -> memref<80x128xf32, #tpu.memory_space<hbm>>
    tpu.wait_dma2 semaphore(%arg20 : memref<!tpu.dma_semaphore, #tpu.memory_space<semaphore_mem>>) src(%arg11 : memref<80x128xf32, #tpu.memory_space<vmem>>) dst(%dma_wait3A_114 : memref<80x128xf32, #tpu.memory_space<hbm>>)
    %barrier3A_115 = arith.constant 0 : index
    tpu.barrier barrier_id(%barrier3A_115)
    %mul3A_116 = arith.constant 624 : i32
    %mul3A_117 = arith.muli %arg1, %mul3A_116 : i32
    "tpu.region"() ({
      %run_scoped3A = tpu.sem_alloc : memref<!tpu.dma_semaphore, #tpu.memory_space<semaphore_mem>>
      %dma_start3A = arith.constant 0 : i32
      %dma_start3A_122 = arith.constant 0 : i32
      %dma_start3A_123 = tpu.memref_slice %arg7[%arg0, %dma_start3A, %dma_start3A_122] : memref<2x10000x16xf32, #tpu.memory_space<hbm>> -> memref<1x10000x16xf32, #tpu.memory_space<hbm>>
      %dma_start3A_124 = tpu.memref_squeeze %dma_start3A_123 : memref<1x10000x16xf32, #tpu.memory_space<hbm>> -> memref<10000x16xf32, #tpu.memory_space<hbm>>
      %dma_start3A_125 = arith.constant 0 : i32
      %dma_start3A_126 = tpu.memref_slice %dma_start3A_124[%mul3A_117, %dma_start3A_125] : memref<10000x16xf32, #tpu.memory_space<hbm>> -> memref<624x16xf32, #tpu.memory_space<hbm>>
      %dma_start3A_127 = arith.constant 0 : i32
      %dma_start3A_128 = tpu.memref_slice %arg16[%mul3A_117, %dma_start3A_127] : memref<10240x16xf32, #tpu.memory_space<vmem_shared>> -> memref<624x16xf32, #tpu.memory_space<vmem_shared>>
      tpu.enqueue_dma source(%dma_start3A_128 : memref<624x16xf32, #tpu.memory_space<vmem_shared>>) target(%dma_start3A_126 : memref<624x16xf32, #tpu.memory_space<hbm>>) target_semaphore(%run_scoped3A : memref<!tpu.dma_semaphore, #tpu.memory_space<semaphore_mem>>)
      %dma_wait3A_129 = arith.constant 0 : i32
      %dma_wait3A_130 = arith.constant 0 : i32
      %dma_wait3A_131 = tpu.memref_slice %arg7[%arg0, %dma_wait3A_129, %dma_wait3A_130] : memref<2x10000x16xf32, #tpu.memory_space<hbm>> -> memref<1x10000x16xf32, #tpu.memory_space<hbm>>
      %dma_wait3A_132 = tpu.memref_squeeze %dma_wait3A_131 : memref<1x10000x16xf32, #tpu.memory_space<hbm>> -> memref<10000x16xf32, #tpu.memory_space<hbm>>
      %dma_wait3A_133 = arith.constant 0 : i32
      %dma_wait3A_134 = tpu.memref_slice %dma_wait3A_132[%mul3A_117, %dma_wait3A_133] : memref<10000x16xf32, #tpu.memory_space<hbm>> -> memref<624x16xf32, #tpu.memory_space<hbm>>
      %dma_wait3A_135 = arith.constant 0 : i32
      %dma_wait3A_136 = tpu.memref_slice %arg16[%mul3A_117, %dma_wait3A_135] : memref<10240x16xf32, #tpu.memory_space<vmem_shared>> -> memref<624x16xf32, #tpu.memory_space<vmem_shared>>
      tpu.wait_dma2 semaphore(%run_scoped3A : memref<!tpu.dma_semaphore, #tpu.memory_space<semaphore_mem>>) src(%dma_wait3A_136 : memref<624x16xf32, #tpu.memory_space<vmem_shared>>) dst(%dma_wait3A_134 : memref<624x16xf32, #tpu.memory_space<hbm>>)
      tpu.yield
    }) : () -> ()
    %eq3A = arith.constant 15 : i32
    %eq3A_118 = arith.cmpi eq, %arg1, %eq3A : i32
    %convert_element_type3A_119 = arith.extui %eq3A_118 : i1 to i32
    %cond3A_120 = arith.constant 0 : i32
    %cond3A_121 = arith.cmpi ne, %convert_element_type3A_119, %cond3A_120 : i32
    scf.if %cond3A_121 {
      "tpu.region"() ({
        %run_scoped3A = tpu.sem_alloc : memref<!tpu.dma_semaphore, #tpu.memory_space<semaphore_mem>>
        %dma_start3A = arith.constant 0 : i32
        %dma_start3A_122 = arith.constant 0 : i32
        %dma_start3A_123 = tpu.memref_slice %arg7[%arg0, %dma_start3A, %dma_start3A_122] : memref<2x10000x16xf32, #tpu.memory_space<hbm>> -> memref<1x10000x16xf32, #tpu.memory_space<hbm>>
        %dma_start3A_124 = tpu.memref_squeeze %dma_start3A_123 : memref<1x10000x16xf32, #tpu.memory_space<hbm>> -> memref<10000x16xf32, #tpu.memory_space<hbm>>
        %dma_start3A_125 = arith.constant 9984 : i32
        %dma_start3A_126 = arith.constant 0 : i32
        %dma_start3A_127 = tpu.memref_slice %dma_start3A_124[%dma_start3A_125, %dma_start3A_126] : memref<10000x16xf32, #tpu.memory_space<hbm>> -> memref<16x16xf32, #tpu.memory_space<hbm>>
        %dma_start3A_128 = arith.constant 9984 : i32
        %dma_start3A_129 = arith.constant 0 : i32
        %dma_start3A_130 = tpu.memref_slice %arg16[%dma_start3A_128, %dma_start3A_129] : memref<10240x16xf32, #tpu.memory_space<vmem_shared>> -> memref<16x16xf32, #tpu.memory_space<vmem_shared>>
        tpu.enqueue_dma source(%dma_start3A_130 : memref<16x16xf32, #tpu.memory_space<vmem_shared>>) target(%dma_start3A_127 : memref<16x16xf32, #tpu.memory_space<hbm>>) target_semaphore(%run_scoped3A : memref<!tpu.dma_semaphore, #tpu.memory_space<semaphore_mem>>)
        %dma_wait3A_131 = arith.constant 0 : i32
        %dma_wait3A_132 = arith.constant 0 : i32
        %dma_wait3A_133 = tpu.memref_slice %arg7[%arg0, %dma_wait3A_131, %dma_wait3A_132] : memref<2x10000x16xf32, #tpu.memory_space<hbm>> -> memref<1x10000x16xf32, #tpu.memory_space<hbm>>
        %dma_wait3A_134 = tpu.memref_squeeze %dma_wait3A_133 : memref<1x10000x16xf32, #tpu.memory_space<hbm>> -> memref<10000x16xf32, #tpu.memory_space<hbm>>
        %dma_wait3A_135 = arith.constant 9984 : i32
        %dma_wait3A_136 = arith.constant 0 : i32
        %dma_wait3A_137 = tpu.memref_slice %dma_wait3A_134[%dma_wait3A_135, %dma_wait3A_136] : memref<10000x16xf32, #tpu.memory_space<hbm>> -> memref<16x16xf32, #tpu.memory_space<hbm>>
        %dma_wait3A_138 = arith.constant 9984 : i32
        %dma_wait3A_139 = arith.constant 0 : i32
        %dma_wait3A_140 = tpu.memref_slice %arg16[%dma_wait3A_138, %dma_wait3A_139] : memref<10240x16xf32, #tpu.memory_space<vmem_shared>> -> memref<16x16xf32, #tpu.memory_space<vmem_shared>>
        tpu.wait_dma2 semaphore(%run_scoped3A : memref<!tpu.dma_semaphore, #tpu.memory_space<semaphore_mem>>) src(%dma_wait3A_140 : memref<16x16xf32, #tpu.memory_space<vmem_shared>>) dst(%dma_wait3A_137 : memref<16x16xf32, #tpu.memory_space<hbm>>)
        tpu.yield
      }) : () -> ()
    } else {
    }
    return
  }
}

#map = affine_map<(d0, d1) -> (0, 0)>
#map1 = affine_map<(d0, d1) -> (0, 0, 0)>
module attributes {stable_mosaic.version = 14 : i64} {
  func.func @_k3_body(%arg0: i32, %arg1: i32, %arg2: memref<10000x128xf32, #tpu.memory_space<hbm>>, %arg3: memref<4000x80xi32, #tpu.memory_space<hbm>>, %arg4: memref<4000x80xi32, #tpu.memory_space<hbm>>, %arg5: memref<2x10000x128xf32, #tpu.memory_space<hbm>>, %arg6: memref<25x80xi32, #tpu.memory_space<vmem>>, %arg7: memref<25x80xi32, #tpu.memory_space<vmem>>, %arg8: memref<80x128xf32, #tpu.memory_space<vmem>>, %arg9: memref<80x128xf32, #tpu.memory_space<vmem>>, %arg10: memref<10240x128xf32, #tpu.memory_space<vmem_shared>>, %arg11: memref<!tpu.dma_semaphore, #tpu.memory_space<semaphore_mem>>, %arg12: memref<!tpu.dma_semaphore, #tpu.memory_space<semaphore_mem>>, %arg13: memref<!tpu.dma_semaphore, #tpu.memory_space<semaphore_mem>>, %arg14: memref<!tpu.dma_semaphore, #tpu.memory_space<semaphore_mem>>) attributes {dimension_semantics = [#tpu.dimension_semantics<core_parallel>, #tpu.dimension_semantics<subcore_parallel>], iteration_bounds = array<i64: 2, 16>, scalar_prefetch = 0 : i64, scratch_operands = 9 : i64, tpu.core_type = #tpu.core_type<sc_vector_subcore>, window_params = [{transform_indices = #map}, {transform_indices = #map}, {transform_indices = #map}, {transform_indices = #map1}]} {
    %mul3A = arith.constant 2 : i32
    %mul3A_0 = arith.muli %arg1, %mul3A : i32
    %add3A = arith.addi %mul3A_0, %arg0 : i32
    %scan3A = arith.constant 0 : i32
    %scan3A_1 = arith.constant 80 : i32
    %scan3A_2 = arith.addi %scan3A, %scan3A_1 : i32
    %scan3A_3 = arith.constant 1 : i32
    scf.for %scan3A_35 = %scan3A to %scan3A_2 step %scan3A_3  : i32 {
      %mul3A_36 = arith.constant 1 : i32
      %mul3A_37 = arith.muli %scan3A_35, %mul3A_36 : i32
      %add3A_38 = arith.constant 0 : i32
      %add3A_39 = arith.addi %add3A_38, %mul3A_37 : i32
      %broadcast_in_dim3A = arith.constant 0.000000e+00 : f32
      %broadcast_in_dim3A_40 = vector.broadcast %broadcast_in_dim3A : f32 to vector<16xf32>
      %swap3A = arith.index_cast %add3A_39 : i32 to index
      %swap3A_41 = arith.constant 0 : index
      %swap3A_42 = tpu.vector_load %arg8[%swap3A, %swap3A_41] {strides = array<i32>} : memref<80x128xf32, #tpu.memory_space<vmem>>, vector<1x16xf32>,
      %swap3A_43 = vector.shape_cast %swap3A_42 : vector<1x16xf32> to vector<16xf32>
      %swap3A_44 = vector.shape_cast %broadcast_in_dim3A_40 : vector<16xf32> to vector<1x16xf32>
      tpu.vector_store %arg8[%swap3A, %swap3A_41], %swap3A_44 {strides = array<i32>} : memref<80x128xf32, #tpu.memory_space<vmem>>, vector<1x16xf32>,
      %broadcast_in_dim3A_45 = arith.constant 0.000000e+00 : f32
      %broadcast_in_dim3A_46 = vector.broadcast %broadcast_in_dim3A_45 : f32 to vector<16xf32>
      %swap3A_47 = arith.index_cast %add3A_39 : i32 to index
      %swap3A_48 = arith.constant 16 : index
      %swap3A_49 = tpu.vector_load %arg8[%swap3A_47, %swap3A_48] {strides = array<i32>} : memref<80x128xf32, #tpu.memory_space<vmem>>, vector<1x16xf32>,
      %swap3A_50 = vector.shape_cast %swap3A_49 : vector<1x16xf32> to vector<16xf32>
      %swap3A_51 = vector.shape_cast %broadcast_in_dim3A_46 : vector<16xf32> to vector<1x16xf32>
      tpu.vector_store %arg8[%swap3A_47, %swap3A_48], %swap3A_51 {strides = array<i32>} : memref<80x128xf32, #tpu.memory_space<vmem>>, vector<1x16xf32>,
      %broadcast_in_dim3A_52 = arith.constant 0.000000e+00 : f32
      %broadcast_in_dim3A_53 = vector.broadcast %broadcast_in_dim3A_52 : f32 to vector<16xf32>
      %swap3A_54 = arith.index_cast %add3A_39 : i32 to index
      %swap3A_55 = arith.constant 32 : index
      %swap3A_56 = tpu.vector_load %arg8[%swap3A_54, %swap3A_55] {strides = array<i32>} : memref<80x128xf32, #tpu.memory_space<vmem>>, vector<1x16xf32>,
      %swap3A_57 = vector.shape_cast %swap3A_56 : vector<1x16xf32> to vector<16xf32>
      %swap3A_58 = vector.shape_cast %broadcast_in_dim3A_53 : vector<16xf32> to vector<1x16xf32>
      tpu.vector_store %arg8[%swap3A_54, %swap3A_55], %swap3A_58 {strides = array<i32>} : memref<80x128xf32, #tpu.memory_space<vmem>>, vector<1x16xf32>,
      %broadcast_in_dim3A_59 = arith.constant 0.000000e+00 : f32
      %broadcast_in_dim3A_60 = vector.broadcast %broadcast_in_dim3A_59 : f32 to vector<16xf32>
      %swap3A_61 = arith.index_cast %add3A_39 : i32 to index
      %swap3A_62 = arith.constant 48 : index
      %swap3A_63 = tpu.vector_load %arg8[%swap3A_61, %swap3A_62] {strides = array<i32>} : memref<80x128xf32, #tpu.memory_space<vmem>>, vector<1x16xf32>,
      %swap3A_64 = vector.shape_cast %swap3A_63 : vector<1x16xf32> to vector<16xf32>
      %swap3A_65 = vector.shape_cast %broadcast_in_dim3A_60 : vector<16xf32> to vector<1x16xf32>
      tpu.vector_store %arg8[%swap3A_61, %swap3A_62], %swap3A_65 {strides = array<i32>} : memref<80x128xf32, #tpu.memory_space<vmem>>, vector<1x16xf32>,
      %broadcast_in_dim3A_66 = arith.constant 0.000000e+00 : f32
      %broadcast_in_dim3A_67 = vector.broadcast %broadcast_in_dim3A_66 : f32 to vector<16xf32>
      %swap3A_68 = arith.index_cast %add3A_39 : i32 to index
      %swap3A_69 = arith.constant 64 : index
      %swap3A_70 = tpu.vector_load %arg8[%swap3A_68, %swap3A_69] {strides = array<i32>} : memref<80x128xf32, #tpu.memory_space<vmem>>, vector<1x16xf32>,
      %swap3A_71 = vector.shape_cast %swap3A_70 : vector<1x16xf32> to vector<16xf32>
      %swap3A_72 = vector.shape_cast %broadcast_in_dim3A_67 : vector<16xf32> to vector<1x16xf32>
      tpu.vector_store %arg8[%swap3A_68, %swap3A_69], %swap3A_72 {strides = array<i32>} : memref<80x128xf32, #tpu.memory_space<vmem>>, vector<1x16xf32>,
      %broadcast_in_dim3A_73 = arith.constant 0.000000e+00 : f32
      %broadcast_in_dim3A_74 = vector.broadcast %broadcast_in_dim3A_73 : f32 to vector<16xf32>
      %swap3A_75 = arith.index_cast %add3A_39 : i32 to index
      %swap3A_76 = arith.constant 80 : index
      %swap3A_77 = tpu.vector_load %arg8[%swap3A_75, %swap3A_76] {strides = array<i32>} : memref<80x128xf32, #tpu.memory_space<vmem>>, vector<1x16xf32>,
      %swap3A_78 = vector.shape_cast %swap3A_77 : vector<1x16xf32> to vector<16xf32>
      %swap3A_79 = vector.shape_cast %broadcast_in_dim3A_74 : vector<16xf32> to vector<1x16xf32>
      tpu.vector_store %arg8[%swap3A_75, %swap3A_76], %swap3A_79 {strides = array<i32>} : memref<80x128xf32, #tpu.memory_space<vmem>>, vector<1x16xf32>,
      %broadcast_in_dim3A_80 = arith.constant 0.000000e+00 : f32
      %broadcast_in_dim3A_81 = vector.broadcast %broadcast_in_dim3A_80 : f32 to vector<16xf32>
      %swap3A_82 = arith.index_cast %add3A_39 : i32 to index
      %swap3A_83 = arith.constant 96 : index
      %swap3A_84 = tpu.vector_load %arg8[%swap3A_82, %swap3A_83] {strides = array<i32>} : memref<80x128xf32, #tpu.memory_space<vmem>>, vector<1x16xf32>,
      %swap3A_85 = vector.shape_cast %swap3A_84 : vector<1x16xf32> to vector<16xf32>
      %swap3A_86 = vector.shape_cast %broadcast_in_dim3A_81 : vector<16xf32> to vector<1x16xf32>
      tpu.vector_store %arg8[%swap3A_82, %swap3A_83], %swap3A_86 {strides = array<i32>} : memref<80x128xf32, #tpu.memory_space<vmem>>, vector<1x16xf32>,
      %broadcast_in_dim3A_87 = arith.constant 0.000000e+00 : f32
      %broadcast_in_dim3A_88 = vector.broadcast %broadcast_in_dim3A_87 : f32 to vector<16xf32>
      %swap3A_89 = arith.index_cast %add3A_39 : i32 to index
      %swap3A_90 = arith.constant 112 : index
      %swap3A_91 = tpu.vector_load %arg8[%swap3A_89, %swap3A_90] {strides = array<i32>} : memref<80x128xf32, #tpu.memory_space<vmem>>, vector<1x16xf32>,
      %swap3A_92 = vector.shape_cast %swap3A_91 : vector<1x16xf32> to vector<16xf32>
      %swap3A_93 = vector.shape_cast %broadcast_in_dim3A_88 : vector<16xf32> to vector<1x16xf32>
      tpu.vector_store %arg8[%swap3A_89, %swap3A_90], %swap3A_93 {strides = array<i32>} : memref<80x128xf32, #tpu.memory_space<vmem>>, vector<1x16xf32>,
    }
    %scan3A_4 = arith.constant 80 : i32
    %mul3A_5 = arith.constant 640 : i32
    %mul3A_6 = arith.muli %arg1, %mul3A_5 : i32
    %add3A_7 = arith.constant 0 : i32
    %add3A_8 = arith.addi %mul3A_6, %add3A_7 : i32
    "tpu.region"() ({
      %run_scoped3A = tpu.sem_alloc : memref<!tpu.dma_semaphore, #tpu.memory_space<semaphore_mem>>
      %dma_start3A = arith.constant 0 : i32
      %dma_start3A_35 = tpu.memref_slice %arg10[%add3A_8, %dma_start3A] : memref<10240x128xf32, #tpu.memory_space<vmem_shared>> -> memref<80x128xf32, #tpu.memory_space<vmem_shared>>
      %dma_start3A_36 = arith.constant 0 : i32
      %dma_start3A_37 = tpu.memref_slice %arg10[%add3A_8, %dma_start3A_36] : memref<10240x128xf32, #tpu.memory_space<vmem_shared>> -> memref<80x128xf32, #tpu.memory_space<vmem_shared>>
      tpu.enqueue_dma source(%arg8 : memref<80x128xf32, #tpu.memory_space<vmem>>) target(%dma_start3A_37 : memref<80x128xf32, #tpu.memory_space<vmem_shared>>) target_semaphore(%run_scoped3A : memref<!tpu.dma_semaphore, #tpu.memory_space<semaphore_mem>>)
      %dma_wait3A = arith.constant 0 : i32
      %dma_wait3A_38 = tpu.memref_slice %arg10[%add3A_8, %dma_wait3A] : memref<10240x128xf32, #tpu.memory_space<vmem_shared>> -> memref<80x128xf32, #tpu.memory_space<vmem_shared>>
      %dma_wait3A_39 = arith.constant 0 : i32
      %dma_wait3A_40 = tpu.memref_slice %arg10[%add3A_8, %dma_wait3A_39] : memref<10240x128xf32, #tpu.memory_space<vmem_shared>> -> memref<80x128xf32, #tpu.memory_space<vmem_shared>>
      tpu.wait_dma2 semaphore(%run_scoped3A : memref<!tpu.dma_semaphore, #tpu.memory_space<semaphore_mem>>) src(%arg8 : memref<80x128xf32, #tpu.memory_space<vmem>>) dst(%dma_wait3A_40 : memref<80x128xf32, #tpu.memory_space<vmem_shared>>)
      tpu.yield
    }) : () -> ()
    %add3A_9 = arith.constant 80 : i32
    %add3A_10 = arith.addi %mul3A_6, %add3A_9 : i32
    "tpu.region"() ({
      %run_scoped3A = tpu.sem_alloc : memref<!tpu.dma_semaphore, #tpu.memory_space<semaphore_mem>>
      %dma_start3A = arith.constant 0 : i32
      %dma_start3A_35 = tpu.memref_slice %arg10[%add3A_10, %dma_start3A] : memref<10240x128xf32, #tpu.memory_space<vmem_shared>> -> memref<80x128xf32, #tpu.memory_space<vmem_shared>>
      %dma_start3A_36 = arith.constant 0 : i32
      %dma_start3A_37 = tpu.memref_slice %arg10[%add3A_10, %dma_start3A_36] : memref<10240x128xf32, #tpu.memory_space<vmem_shared>> -> memref<80x128xf32, #tpu.memory_space<vmem_shared>>
      tpu.enqueue_dma source(%arg8 : memref<80x128xf32, #tpu.memory_space<vmem>>) target(%dma_start3A_37 : memref<80x128xf32, #tpu.memory_space<vmem_shared>>) target_semaphore(%run_scoped3A : memref<!tpu.dma_semaphore, #tpu.memory_space<semaphore_mem>>)
      %dma_wait3A = arith.constant 0 : i32
      %dma_wait3A_38 = tpu.memref_slice %arg10[%add3A_10, %dma_wait3A] : memref<10240x128xf32, #tpu.memory_space<vmem_shared>> -> memref<80x128xf32, #tpu.memory_space<vmem_shared>>
      %dma_wait3A_39 = arith.constant 0 : i32
      %dma_wait3A_40 = tpu.memref_slice %arg10[%add3A_10, %dma_wait3A_39] : memref<10240x128xf32, #tpu.memory_space<vmem_shared>> -> memref<80x128xf32, #tpu.memory_space<vmem_shared>>
      tpu.wait_dma2 semaphore(%run_scoped3A : memref<!tpu.dma_semaphore, #tpu.memory_space<semaphore_mem>>) src(%arg8 : memref<80x128xf32, #tpu.memory_space<vmem>>) dst(%dma_wait3A_40 : memref<80x128xf32, #tpu.memory_space<vmem_shared>>)
      tpu.yield
    }) : () -> ()
    %add3A_11 = arith.constant 160 : i32
    %add3A_12 = arith.addi %mul3A_6, %add3A_11 : i32
    "tpu.region"() ({
      %run_scoped3A = tpu.sem_alloc : memref<!tpu.dma_semaphore, #tpu.memory_space<semaphore_mem>>
      %dma_start3A = arith.constant 0 : i32
      %dma_start3A_35 = tpu.memref_slice %arg10[%add3A_12, %dma_start3A] : memref<10240x128xf32, #tpu.memory_space<vmem_shared>> -> memref<80x128xf32, #tpu.memory_space<vmem_shared>>
      %dma_start3A_36 = arith.constant 0 : i32
      %dma_start3A_37 = tpu.memref_slice %arg10[%add3A_12, %dma_start3A_36] : memref<10240x128xf32, #tpu.memory_space<vmem_shared>> -> memref<80x128xf32, #tpu.memory_space<vmem_shared>>
      tpu.enqueue_dma source(%arg8 : memref<80x128xf32, #tpu.memory_space<vmem>>) target(%dma_start3A_37 : memref<80x128xf32, #tpu.memory_space<vmem_shared>>) target_semaphore(%run_scoped3A : memref<!tpu.dma_semaphore, #tpu.memory_space<semaphore_mem>>)
      %dma_wait3A = arith.constant 0 : i32
      %dma_wait3A_38 = tpu.memref_slice %arg10[%add3A_12, %dma_wait3A] : memref<10240x128xf32, #tpu.memory_space<vmem_shared>> -> memref<80x128xf32, #tpu.memory_space<vmem_shared>>
      %dma_wait3A_39 = arith.constant 0 : i32
      %dma_wait3A_40 = tpu.memref_slice %arg10[%add3A_12, %dma_wait3A_39] : memref<10240x128xf32, #tpu.memory_space<vmem_shared>> -> memref<80x128xf32, #tpu.memory_space<vmem_shared>>
      tpu.wait_dma2 semaphore(%run_scoped3A : memref<!tpu.dma_semaphore, #tpu.memory_space<semaphore_mem>>) src(%arg8 : memref<80x128xf32, #tpu.memory_space<vmem>>) dst(%dma_wait3A_40 : memref<80x128xf32, #tpu.memory_space<vmem_shared>>)
      tpu.yield
    }) : () -> ()
    %add3A_13 = arith.constant 240 : i32
    %add3A_14 = arith.addi %mul3A_6, %add3A_13 : i32
    "tpu.region"() ({
      %run_scoped3A = tpu.sem_alloc : memref<!tpu.dma_semaphore, #tpu.memory_space<semaphore_mem>>
      %dma_start3A = arith.constant 0 : i32
      %dma_start3A_35 = tpu.memref_slice %arg10[%add3A_14, %dma_start3A] : memref<10240x128xf32, #tpu.memory_space<vmem_shared>> -> memref<80x128xf32, #tpu.memory_space<vmem_shared>>
      %dma_start3A_36 = arith.constant 0 : i32
      %dma_start3A_37 = tpu.memref_slice %arg10[%add3A_14, %dma_start3A_36] : memref<10240x128xf32, #tpu.memory_space<vmem_shared>> -> memref<80x128xf32, #tpu.memory_space<vmem_shared>>
      tpu.enqueue_dma source(%arg8 : memref<80x128xf32, #tpu.memory_space<vmem>>) target(%dma_start3A_37 : memref<80x128xf32, #tpu.memory_space<vmem_shared>>) target_semaphore(%run_scoped3A : memref<!tpu.dma_semaphore, #tpu.memory_space<semaphore_mem>>)
      %dma_wait3A = arith.constant 0 : i32
      %dma_wait3A_38 = tpu.memref_slice %arg10[%add3A_14, %dma_wait3A] : memref<10240x128xf32, #tpu.memory_space<vmem_shared>> -> memref<80x128xf32, #tpu.memory_space<vmem_shared>>
      %dma_wait3A_39 = arith.constant 0 : i32
      %dma_wait3A_40 = tpu.memref_slice %arg10[%add3A_14, %dma_wait3A_39] : memref<10240x128xf32, #tpu.memory_space<vmem_shared>> -> memref<80x128xf32, #tpu.memory_space<vmem_shared>>
      tpu.wait_dma2 semaphore(%run_scoped3A : memref<!tpu.dma_semaphore, #tpu.memory_space<semaphore_mem>>) src(%arg8 : memref<80x128xf32, #tpu.memory_space<vmem>>) dst(%dma_wait3A_40 : memref<80x128xf32, #tpu.memory_space<vmem_shared>>)
      tpu.yield
    }) : () -> ()
    %add3A_15 = arith.constant 320 : i32
    %add3A_16 = arith.addi %mul3A_6, %add3A_15 : i32
    "tpu.region"() ({
      %run_scoped3A = tpu.sem_alloc : memref<!tpu.dma_semaphore, #tpu.memory_space<semaphore_mem>>
      %dma_start3A = arith.constant 0 : i32
      %dma_start3A_35 = tpu.memref_slice %arg10[%add3A_16, %dma_start3A] : memref<10240x128xf32, #tpu.memory_space<vmem_shared>> -> memref<80x128xf32, #tpu.memory_space<vmem_shared>>
      %dma_start3A_36 = arith.constant 0 : i32
      %dma_start3A_37 = tpu.memref_slice %arg10[%add3A_16, %dma_start3A_36] : memref<10240x128xf32, #tpu.memory_space<vmem_shared>> -> memref<80x128xf32, #tpu.memory_space<vmem_shared>>
      tpu.enqueue_dma source(%arg8 : memref<80x128xf32, #tpu.memory_space<vmem>>) target(%dma_start3A_37 : memref<80x128xf32, #tpu.memory_space<vmem_shared>>) target_semaphore(%run_scoped3A : memref<!tpu.dma_semaphore, #tpu.memory_space<semaphore_mem>>)
      %dma_wait3A = arith.constant 0 : i32
      %dma_wait3A_38 = tpu.memref_slice %arg10[%add3A_16, %dma_wait3A] : memref<10240x128xf32, #tpu.memory_space<vmem_shared>> -> memref<80x128xf32, #tpu.memory_space<vmem_shared>>
      %dma_wait3A_39 = arith.constant 0 : i32
      %dma_wait3A_40 = tpu.memref_slice %arg10[%add3A_16, %dma_wait3A_39] : memref<10240x128xf32, #tpu.memory_space<vmem_shared>> -> memref<80x128xf32, #tpu.memory_space<vmem_shared>>
      tpu.wait_dma2 semaphore(%run_scoped3A : memref<!tpu.dma_semaphore, #tpu.memory_space<semaphore_mem>>) src(%arg8 : memref<80x128xf32, #tpu.memory_space<vmem>>) dst(%dma_wait3A_40 : memref<80x128xf32, #tpu.memory_space<vmem_shared>>)
      tpu.yield
    }) : () -> ()
    %add3A_17 = arith.constant 400 : i32
    %add3A_18 = arith.addi %mul3A_6, %add3A_17 : i32
    "tpu.region"() ({
      %run_scoped3A = tpu.sem_alloc : memref<!tpu.dma_semaphore, #tpu.memory_space<semaphore_mem>>
      %dma_start3A = arith.constant 0 : i32
      %dma_start3A_35 = tpu.memref_slice %arg10[%add3A_18, %dma_start3A] : memref<10240x128xf32, #tpu.memory_space<vmem_shared>> -> memref<80x128xf32, #tpu.memory_space<vmem_shared>>
      %dma_start3A_36 = arith.constant 0 : i32
      %dma_start3A_37 = tpu.memref_slice %arg10[%add3A_18, %dma_start3A_36] : memref<10240x128xf32, #tpu.memory_space<vmem_shared>> -> memref<80x128xf32, #tpu.memory_space<vmem_shared>>
      tpu.enqueue_dma source(%arg8 : memref<80x128xf32, #tpu.memory_space<vmem>>) target(%dma_start3A_37 : memref<80x128xf32, #tpu.memory_space<vmem_shared>>) target_semaphore(%run_scoped3A : memref<!tpu.dma_semaphore, #tpu.memory_space<semaphore_mem>>)
      %dma_wait3A = arith.constant 0 : i32
      %dma_wait3A_38 = tpu.memref_slice %arg10[%add3A_18, %dma_wait3A] : memref<10240x128xf32, #tpu.memory_space<vmem_shared>> -> memref<80x128xf32, #tpu.memory_space<vmem_shared>>
      %dma_wait3A_39 = arith.constant 0 : i32
      %dma_wait3A_40 = tpu.memref_slice %arg10[%add3A_18, %dma_wait3A_39] : memref<10240x128xf32, #tpu.memory_space<vmem_shared>> -> memref<80x128xf32, #tpu.memory_space<vmem_shared>>
      tpu.wait_dma2 semaphore(%run_scoped3A : memref<!tpu.dma_semaphore, #tpu.memory_space<semaphore_mem>>) src(%arg8 : memref<80x128xf32, #tpu.memory_space<vmem>>) dst(%dma_wait3A_40 : memref<80x128xf32, #tpu.memory_space<vmem_shared>>)
      tpu.yield
    }) : () -> ()
    %add3A_19 = arith.constant 480 : i32
    %add3A_20 = arith.addi %mul3A_6, %add3A_19 : i32
    "tpu.region"() ({
      %run_scoped3A = tpu.sem_alloc : memref<!tpu.dma_semaphore, #tpu.memory_space<semaphore_mem>>
      %dma_start3A = arith.constant 0 : i32
      %dma_start3A_35 = tpu.memref_slice %arg10[%add3A_20, %dma_start3A] : memref<10240x128xf32, #tpu.memory_space<vmem_shared>> -> memref<80x128xf32, #tpu.memory_space<vmem_shared>>
      %dma_start3A_36 = arith.constant 0 : i32
      %dma_start3A_37 = tpu.memref_slice %arg10[%add3A_20, %dma_start3A_36] : memref<10240x128xf32, #tpu.memory_space<vmem_shared>> -> memref<80x128xf32, #tpu.memory_space<vmem_shared>>
      tpu.enqueue_dma source(%arg8 : memref<80x128xf32, #tpu.memory_space<vmem>>) target(%dma_start3A_37 : memref<80x128xf32, #tpu.memory_space<vmem_shared>>) target_semaphore(%run_scoped3A : memref<!tpu.dma_semaphore, #tpu.memory_space<semaphore_mem>>)
      %dma_wait3A = arith.constant 0 : i32
      %dma_wait3A_38 = tpu.memref_slice %arg10[%add3A_20, %dma_wait3A] : memref<10240x128xf32, #tpu.memory_space<vmem_shared>> -> memref<80x128xf32, #tpu.memory_space<vmem_shared>>
      %dma_wait3A_39 = arith.constant 0 : i32
      %dma_wait3A_40 = tpu.memref_slice %arg10[%add3A_20, %dma_wait3A_39] : memref<10240x128xf32, #tpu.memory_space<vmem_shared>> -> memref<80x128xf32, #tpu.memory_space<vmem_shared>>
      tpu.wait_dma2 semaphore(%run_scoped3A : memref<!tpu.dma_semaphore, #tpu.memory_space<semaphore_mem>>) src(%arg8 : memref<80x128xf32, #tpu.memory_space<vmem>>) dst(%dma_wait3A_40 : memref<80x128xf32, #tpu.memory_space<vmem_shared>>)
      tpu.yield
    }) : () -> ()
    %add3A_21 = arith.constant 560 : i32
    %add3A_22 = arith.addi %mul3A_6, %add3A_21 : i32
    "tpu.region"() ({
      %run_scoped3A = tpu.sem_alloc : memref<!tpu.dma_semaphore, #tpu.memory_space<semaphore_mem>>
      %dma_start3A = arith.constant 0 : i32
      %dma_start3A_35 = tpu.memref_slice %arg10[%add3A_22, %dma_start3A] : memref<10240x128xf32, #tpu.memory_space<vmem_shared>> -> memref<80x128xf32, #tpu.memory_space<vmem_shared>>
      %dma_start3A_36 = arith.constant 0 : i32
      %dma_start3A_37 = tpu.memref_slice %arg10[%add3A_22, %dma_start3A_36] : memref<10240x128xf32, #tpu.memory_space<vmem_shared>> -> memref<80x128xf32, #tpu.memory_space<vmem_shared>>
      tpu.enqueue_dma source(%arg8 : memref<80x128xf32, #tpu.memory_space<vmem>>) target(%dma_start3A_37 : memref<80x128xf32, #tpu.memory_space<vmem_shared>>) target_semaphore(%run_scoped3A : memref<!tpu.dma_semaphore, #tpu.memory_space<semaphore_mem>>)
      %dma_wait3A = arith.constant 0 : i32
      %dma_wait3A_38 = tpu.memref_slice %arg10[%add3A_22, %dma_wait3A] : memref<10240x128xf32, #tpu.memory_space<vmem_shared>> -> memref<80x128xf32, #tpu.memory_space<vmem_shared>>
      %dma_wait3A_39 = arith.constant 0 : i32
      %dma_wait3A_40 = tpu.memref_slice %arg10[%add3A_22, %dma_wait3A_39] : memref<10240x128xf32, #tpu.memory_space<vmem_shared>> -> memref<80x128xf32, #tpu.memory_space<vmem_shared>>
      tpu.wait_dma2 semaphore(%run_scoped3A : memref<!tpu.dma_semaphore, #tpu.memory_space<semaphore_mem>>) src(%arg8 : memref<80x128xf32, #tpu.memory_space<vmem>>) dst(%dma_wait3A_40 : memref<80x128xf32, #tpu.memory_space<vmem_shared>>)
      tpu.yield
    }) : () -> ()
    %barrier3A = arith.constant 0 : index
    tpu.barrier barrier_id(%barrier3A)
    %mul3A_23 = arith.constant 125 : i32
    %mul3A_24 = arith.muli %add3A, %mul3A_23 : i32
    %scan3A_25 = arith.constant 0 : i32
    %scan3A_26 = arith.constant 5 : i32
    %scan3A_27 = arith.addi %scan3A_25, %scan3A_26 : i32
    %scan3A_28 = arith.constant 1 : i32
    scf.for %scan3A_35 = %scan3A_25 to %scan3A_27 step %scan3A_28  : i32 {
      %mul3A_36 = arith.constant 1 : i32
      %mul3A_37 = arith.muli %scan3A_35, %mul3A_36 : i32
      %add3A_38 = arith.constant 0 : i32
      %add3A_39 = arith.addi %add3A_38, %mul3A_37 : i32
      %mul3A_40 = arith.constant 25 : i32
      %mul3A_41 = arith.muli %add3A_39, %mul3A_40 : i32
      %add3A_42 = arith.addi %mul3A_24, %mul3A_41 : i32
      "tpu.region"() ({
        %run_scoped3A = tpu.sem_alloc : memref<!tpu.dma_semaphore, #tpu.memory_space<semaphore_mem>>
        %dma_start3A_81 = arith.constant 0 : i32
        %dma_start3A_82 = tpu.memref_slice %arg3[%add3A_42, %dma_start3A_81] : memref<4000x80xi32, #tpu.memory_space<hbm>> -> memref<25x80xi32, #tpu.memory_space<hbm>>
        %dma_start3A_83 = arith.constant 0 : i32
        %dma_start3A_84 = tpu.memref_slice %arg3[%add3A_42, %dma_start3A_83] : memref<4000x80xi32, #tpu.memory_space<hbm>> -> memref<25x80xi32, #tpu.memory_space<hbm>>
        tpu.enqueue_dma source(%dma_start3A_84 : memref<25x80xi32, #tpu.memory_space<hbm>>) target(%arg6 : memref<25x80xi32, #tpu.memory_space<vmem>>) target_semaphore(%run_scoped3A : memref<!tpu.dma_semaphore, #tpu.memory_space<semaphore_mem>>)
        %dma_wait3A_85 = arith.constant 0 : i32
        %dma_wait3A_86 = tpu.memref_slice %arg3[%add3A_42, %dma_wait3A_85] : memref<4000x80xi32, #tpu.memory_space<hbm>> -> memref<25x80xi32, #tpu.memory_space<hbm>>
        %dma_wait3A_87 = arith.constant 0 : i32
        %dma_wait3A_88 = tpu.memref_slice %arg3[%add3A_42, %dma_wait3A_87] : memref<4000x80xi32, #tpu.memory_space<hbm>> -> memref<25x80xi32, #tpu.memory_space<hbm>>
        tpu.wait_dma2 semaphore(%run_scoped3A : memref<!tpu.dma_semaphore, #tpu.memory_space<semaphore_mem>>) src(%dma_wait3A_88 : memref<25x80xi32, #tpu.memory_space<hbm>>) dst(%arg6 : memref<25x80xi32, #tpu.memory_space<vmem>>)
        tpu.yield
      }) : () -> ()
      "tpu.region"() ({
        %run_scoped3A = tpu.sem_alloc : memref<!tpu.dma_semaphore, #tpu.memory_space<semaphore_mem>>
        %dma_start3A_81 = arith.constant 0 : i32
        %dma_start3A_82 = tpu.memref_slice %arg4[%add3A_42, %dma_start3A_81] : memref<4000x80xi32, #tpu.memory_space<hbm>> -> memref<25x80xi32, #tpu.memory_space<hbm>>
        %dma_start3A_83 = arith.constant 0 : i32
        %dma_start3A_84 = tpu.memref_slice %arg4[%add3A_42, %dma_start3A_83] : memref<4000x80xi32, #tpu.memory_space<hbm>> -> memref<25x80xi32, #tpu.memory_space<hbm>>
        tpu.enqueue_dma source(%dma_start3A_84 : memref<25x80xi32, #tpu.memory_space<hbm>>) target(%arg7 : memref<25x80xi32, #tpu.memory_space<vmem>>) target_semaphore(%run_scoped3A : memref<!tpu.dma_semaphore, #tpu.memory_space<semaphore_mem>>)
        %dma_wait3A_85 = arith.constant 0 : i32
        %dma_wait3A_86 = tpu.memref_slice %arg4[%add3A_42, %dma_wait3A_85] : memref<4000x80xi32, #tpu.memory_space<hbm>> -> memref<25x80xi32, #tpu.memory_space<hbm>>
        %dma_wait3A_87 = arith.constant 0 : i32
        %dma_wait3A_88 = tpu.memref_slice %arg4[%add3A_42, %dma_wait3A_87] : memref<4000x80xi32, #tpu.memory_space<hbm>> -> memref<25x80xi32, #tpu.memory_space<hbm>>
        tpu.wait_dma2 semaphore(%run_scoped3A : memref<!tpu.dma_semaphore, #tpu.memory_space<semaphore_mem>>) src(%dma_wait3A_88 : memref<25x80xi32, #tpu.memory_space<hbm>>) dst(%arg7 : memref<25x80xi32, #tpu.memory_space<vmem>>)
        tpu.yield
      }) : () -> ()
      %dma_start3A = arith.constant 0 : i32
      %dma_start3A_43 = arith.constant 0 : i32
      %dma_start3A_44 = tpu.memref_slice %arg6[%dma_start3A, %dma_start3A_43] : memref<25x80xi32, #tpu.memory_space<vmem>> -> memref<1x80xi32, #tpu.memory_space<vmem>>
      %dma_start3A_45 = tpu.memref_squeeze %dma_start3A_44 : memref<1x80xi32, #tpu.memory_space<vmem>> -> memref<80xi32, #tpu.memory_space<vmem>>
      %dma_start3A_46 = arith.constant 0 : i32
      %dma_start3A_47 = arith.constant 0 : i32
      %dma_start3A_48 = tpu.memref_slice %arg2[%dma_start3A_46, %dma_start3A_47] : memref<10000x128xf32, #tpu.memory_space<hbm>> -> memref<10000x128xf32, #tpu.memory_space<hbm>>
      tpu.enqueue_indirect_dma source(%dma_start3A_48 : memref<10000x128xf32, #tpu.memory_space<hbm>>) target(%arg8 : memref<80x128xf32, #tpu.memory_space<vmem>>) offsets(%dma_start3A_45 : memref<80xi32, #tpu.memory_space<vmem>>) semaphore(%arg11 : memref<!tpu.dma_semaphore, #tpu.memory_space<semaphore_mem>>)
      %scan3A_49 = arith.constant 0 : i32
      %scan3A_50 = arith.constant 12 : i32
      %scan3A_51 = arith.addi %scan3A_49, %scan3A_50 : i32
      %scan3A_52 = arith.constant 1 : i32
      scf.for %scan3A_81 = %scan3A_49 to %scan3A_51 step %scan3A_52  : i32 {
        %mul3A_82 = arith.constant 1 : i32
        %mul3A_83 = arith.muli %scan3A_81, %mul3A_82 : i32
        %add3A_84 = arith.constant 0 : i32
        %add3A_85 = arith.addi %add3A_84, %mul3A_83 : i32
        %mul3A_86 = arith.constant 2 : i32
        %mul3A_87 = arith.muli %add3A_85, %mul3A_86 : i32
        %add3A_88 = arith.constant 0 : i32
        %add3A_89 = arith.addi %mul3A_87, %add3A_88 : i32
        %ge3A = arith.constant 1 : i32
        %ge3A_90 = arith.cmpi sge, %add3A_89, %ge3A : i32
        %convert_element_type3A_91 = arith.extui %ge3A_90 : i1 to i32
        %cond3A_92 = arith.constant 0 : i32
        %cond3A_93 = arith.cmpi ne, %convert_element_type3A_91, %cond3A_92 : i32
        scf.if %cond3A_93 {
          %dma_wait3A_140 = arith.constant 0 : i32
          %dma_wait3A_141 = arith.constant 0 : i32
          %dma_wait3A_142 = tpu.memref_slice %arg7[%dma_wait3A_140, %dma_wait3A_141] : memref<25x80xi32, #tpu.memory_space<vmem>> -> memref<1x80xi32, #tpu.memory_space<vmem>>
          %dma_wait3A_143 = tpu.memref_squeeze %dma_wait3A_142 : memref<1x80xi32, #tpu.memory_space<vmem>> -> memref<80xi32, #tpu.memory_space<vmem>>
          %dma_wait3A_144 = arith.constant 0 : i32
          %dma_wait3A_145 = arith.constant 0 : i32
          %dma_wait3A_146 = tpu.memref_slice %arg10[%dma_wait3A_144, %dma_wait3A_145] : memref<10240x128xf32, #tpu.memory_space<vmem_shared>> -> memref<10240x128xf32, #tpu.memory_space<vmem_shared>>
          tpu.wait_indirect_dma semaphore(%arg14 : memref<!tpu.dma_semaphore, #tpu.memory_space<semaphore_mem>>) src(%arg9 : memref<80x128xf32, #tpu.memory_space<vmem>>) dst(%dma_wait3A_146 : memref<10240x128xf32, #tpu.memory_space<vmem_shared>>)
        } else {
        }
        %add3A_94 = arith.constant 1 : i32
        %add3A_95 = arith.addi %add3A_89, %add3A_94 : i32
        %lt3A = arith.constant 25 : i32
        %lt3A_96 = arith.cmpi slt, %add3A_95, %lt3A : i32
        %convert_element_type3A_97 = arith.extui %lt3A_96 : i1 to i32
        %cond3A_98 = arith.constant 0 : i32
        %cond3A_99 = arith.cmpi ne, %convert_element_type3A_97, %cond3A_98 : i32
        scf.if %cond3A_99 {
          %add3A_140 = arith.constant 1 : i32
          %add3A_141 = arith.addi %add3A_89, %add3A_140 : i32
          %dma_start3A_142 = arith.constant 0 : i32
          %dma_start3A_143 = tpu.memref_slice %arg6[%add3A_141, %dma_start3A_142] : memref<25x80xi32, #tpu.memory_space<vmem>> -> memref<1x80xi32, #tpu.memory_space<vmem>>
          %dma_start3A_144 = tpu.memref_squeeze %dma_start3A_143 : memref<1x80xi32, #tpu.memory_space<vmem>> -> memref<80xi32, #tpu.memory_space<vmem>>
          %dma_start3A_145 = arith.constant 0 : i32
          %dma_start3A_146 = arith.constant 0 : i32
          %dma_start3A_147 = tpu.memref_slice %arg2[%dma_start3A_145, %dma_start3A_146] : memref<10000x128xf32, #tpu.memory_space<hbm>> -> memref<10000x128xf32, #tpu.memory_space<hbm>>
          tpu.enqueue_indirect_dma source(%dma_start3A_147 : memref<10000x128xf32, #tpu.memory_space<hbm>>) target(%arg9 : memref<80x128xf32, #tpu.memory_space<vmem>>) offsets(%dma_start3A_144 : memref<80xi32, #tpu.memory_space<vmem>>) semaphore(%arg12 : memref<!tpu.dma_semaphore, #tpu.memory_space<semaphore_mem>>)
        } else {
        }
        %dma_wait3A_100 = arith.constant 0 : i32
        %dma_wait3A_101 = tpu.memref_slice %arg6[%add3A_89, %dma_wait3A_100] : memref<25x80xi32, #tpu.memory_space<vmem>> -> memref<1x80xi32, #tpu.memory_space<vmem>>
        %dma_wait3A_102 = tpu.memref_squeeze %dma_wait3A_101 : memref<1x80xi32, #tpu.memory_space<vmem>> -> memref<80xi32, #tpu.memory_space<vmem>>
        %dma_wait3A_103 = arith.constant 0 : i32
        %dma_wait3A_104 = arith.constant 0 : i32
        %dma_wait3A_105 = tpu.memref_slice %arg2[%dma_wait3A_103, %dma_wait3A_104] : memref<10000x128xf32, #tpu.memory_space<hbm>> -> memref<10000x128xf32, #tpu.memory_space<hbm>>
        tpu.wait_indirect_dma semaphore(%arg11 : memref<!tpu.dma_semaphore, #tpu.memory_space<semaphore_mem>>) src(%dma_wait3A_105 : memref<10000x128xf32, #tpu.memory_space<hbm>>) dst(%arg8 : memref<80x128xf32, #tpu.memory_space<vmem>>)
        %dma_start3A_106 = arith.constant 0 : i32
        %dma_start3A_107 = tpu.memref_slice %arg7[%add3A_89, %dma_start3A_106] : memref<25x80xi32, #tpu.memory_space<vmem>> -> memref<1x80xi32, #tpu.memory_space<vmem>>
        %dma_start3A_108 = tpu.memref_squeeze %dma_start3A_107 : memref<1x80xi32, #tpu.memory_space<vmem>> -> memref<80xi32, #tpu.memory_space<vmem>>
        %dma_start3A_109 = arith.constant 0 : i32
        %dma_start3A_110 = arith.constant 0 : i32
        %dma_start3A_111 = tpu.memref_slice %arg10[%dma_start3A_109, %dma_start3A_110] : memref<10240x128xf32, #tpu.memory_space<vmem_shared>> -> memref<10240x128xf32, #tpu.memory_space<vmem_shared>>
        tpu.enqueue_indirect_dma source(%arg8 : memref<80x128xf32, #tpu.memory_space<vmem>>) target(%dma_start3A_111 : memref<10240x128xf32, #tpu.memory_space<vmem_shared>>) offsets(%dma_start3A_108 : memref<80xi32, #tpu.memory_space<vmem>>) semaphore(%arg13 : memref<!tpu.dma_semaphore, #tpu.memory_space<semaphore_mem>>) {add = true}
        %mul3A_112 = arith.constant 2 : i32
        %mul3A_113 = arith.muli %add3A_85, %mul3A_112 : i32
        %add3A_114 = arith.constant 1 : i32
        %add3A_115 = arith.addi %mul3A_113, %add3A_114 : i32
        %ge3A_116 = arith.constant 1 : i32
        %ge3A_117 = arith.cmpi sge, %add3A_115, %ge3A_116 : i32
        %convert_element_type3A_118 = arith.extui %ge3A_117 : i1 to i32
        %cond3A_119 = arith.constant 0 : i32
        %cond3A_120 = arith.cmpi ne, %convert_element_type3A_118, %cond3A_119 : i32
        scf.if %cond3A_120 {
          %dma_wait3A_140 = arith.constant 0 : i32
          %dma_wait3A_141 = arith.constant 0 : i32
          %dma_wait3A_142 = tpu.memref_slice %arg7[%dma_wait3A_140, %dma_wait3A_141] : memref<25x80xi32, #tpu.memory_space<vmem>> -> memref<1x80xi32, #tpu.memory_space<vmem>>
          %dma_wait3A_143 = tpu.memref_squeeze %dma_wait3A_142 : memref<1x80xi32, #tpu.memory_space<vmem>> -> memref<80xi32, #tpu.memory_space<vmem>>
          %dma_wait3A_144 = arith.constant 0 : i32
          %dma_wait3A_145 = arith.constant 0 : i32
          %dma_wait3A_146 = tpu.memref_slice %arg10[%dma_wait3A_144, %dma_wait3A_145] : memref<10240x128xf32, #tpu.memory_space<vmem_shared>> -> memref<10240x128xf32, #tpu.memory_space<vmem_shared>>
          tpu.wait_indirect_dma semaphore(%arg13 : memref<!tpu.dma_semaphore, #tpu.memory_space<semaphore_mem>>) src(%arg8 : memref<80x128xf32, #tpu.memory_space<vmem>>) dst(%dma_wait3A_146 : memref<10240x128xf32, #tpu.memory_space<vmem_shared>>)
        } else {
        }
        %add3A_121 = arith.constant 1 : i32
        %add3A_122 = arith.addi %add3A_115, %add3A_121 : i32
        %lt3A_123 = arith.constant 25 : i32
        %lt3A_124 = arith.cmpi slt, %add3A_122, %lt3A_123 : i32
        %convert_element_type3A_125 = arith.extui %lt3A_124 : i1 to i32
        %cond3A_126 = arith.constant 0 : i32
        %cond3A_127 = arith.cmpi ne, %convert_element_type3A_125, %cond3A_126 : i32
        scf.if %cond3A_127 {
          %add3A_140 = arith.constant 1 : i32
          %add3A_141 = arith.addi %add3A_115, %add3A_140 : i32
          %dma_start3A_142 = arith.constant 0 : i32
          %dma_start3A_143 = tpu.memref_slice %arg6[%add3A_141, %dma_start3A_142] : memref<25x80xi32, #tpu.memory_space<vmem>> -> memref<1x80xi32, #tpu.memory_space<vmem>>
          %dma_start3A_144 = tpu.memref_squeeze %dma_start3A_143 : memref<1x80xi32, #tpu.memory_space<vmem>> -> memref<80xi32, #tpu.memory_space<vmem>>
          %dma_start3A_145 = arith.constant 0 : i32
          %dma_start3A_146 = arith.constant 0 : i32
          %dma_start3A_147 = tpu.memref_slice %arg2[%dma_start3A_145, %dma_start3A_146] : memref<10000x128xf32, #tpu.memory_space<hbm>> -> memref<10000x128xf32, #tpu.memory_space<hbm>>
          tpu.enqueue_indirect_dma source(%dma_start3A_147 : memref<10000x128xf32, #tpu.memory_space<hbm>>) target(%arg8 : memref<80x128xf32, #tpu.memory_space<vmem>>) offsets(%dma_start3A_144 : memref<80xi32, #tpu.memory_space<vmem>>) semaphore(%arg11 : memref<!tpu.dma_semaphore, #tpu.memory_space<semaphore_mem>>)
        } else {
        }
        %dma_wait3A_128 = arith.constant 0 : i32
        %dma_wait3A_129 = tpu.memref_slice %arg6[%add3A_115, %dma_wait3A_128] : memref<25x80xi32, #tpu.memory_space<vmem>> -> memref<1x80xi32, #tpu.memory_space<vmem>>
        %dma_wait3A_130 = tpu.memref_squeeze %dma_wait3A_129 : memref<1x80xi32, #tpu.memory_space<vmem>> -> memref<80xi32, #tpu.memory_space<vmem>>
        %dma_wait3A_131 = arith.constant 0 : i32
        %dma_wait3A_132 = arith.constant 0 : i32
        %dma_wait3A_133 = tpu.memref_slice %arg2[%dma_wait3A_131, %dma_wait3A_132] : memref<10000x128xf32, #tpu.memory_space<hbm>> -> memref<10000x128xf32, #tpu.memory_space<hbm>>
        tpu.wait_indirect_dma semaphore(%arg12 : memref<!tpu.dma_semaphore, #tpu.memory_space<semaphore_mem>>) src(%dma_wait3A_133 : memref<10000x128xf32, #tpu.memory_space<hbm>>) dst(%arg9 : memref<80x128xf32, #tpu.memory_space<vmem>>)
        %dma_start3A_134 = arith.constant 0 : i32
        %dma_start3A_135 = tpu.memref_slice %arg7[%add3A_115, %dma_start3A_134] : memref<25x80xi32, #tpu.memory_space<vmem>> -> memref<1x80xi32, #tpu.memory_space<vmem>>
        %dma_start3A_136 = tpu.memref_squeeze %dma_start3A_135 : memref<1x80xi32, #tpu.memory_space<vmem>> -> memref<80xi32, #tpu.memory_space<vmem>>
        %dma_start3A_137 = arith.constant 0 : i32
        %dma_start3A_138 = arith.constant 0 : i32
        %dma_start3A_139 = tpu.memref_slice %arg10[%dma_start3A_137, %dma_start3A_138] : memref<10240x128xf32, #tpu.memory_space<vmem_shared>> -> memref<10240x128xf32, #tpu.memory_space<vmem_shared>>
        tpu.enqueue_indirect_dma source(%arg9 : memref<80x128xf32, #tpu.memory_space<vmem>>) target(%dma_start3A_139 : memref<10240x128xf32, #tpu.memory_space<vmem_shared>>) offsets(%dma_start3A_136 : memref<80xi32, #tpu.memory_space<vmem>>) semaphore(%arg14 : memref<!tpu.dma_semaphore, #tpu.memory_space<semaphore_mem>>) {add = true}
      }
      %scan3A_53 = arith.constant 12 : i32
      %dma_wait3A = arith.constant 0 : i32
      %dma_wait3A_54 = arith.constant 0 : i32
      %dma_wait3A_55 = tpu.memref_slice %arg7[%dma_wait3A, %dma_wait3A_54] : memref<25x80xi32, #tpu.memory_space<vmem>> -> memref<1x80xi32, #tpu.memory_space<vmem>>
      %dma_wait3A_56 = tpu.memref_squeeze %dma_wait3A_55 : memref<1x80xi32, #tpu.memory_space<vmem>> -> memref<80xi32, #tpu.memory_space<vmem>>
      %dma_wait3A_57 = arith.constant 0 : i32
      %dma_wait3A_58 = arith.constant 0 : i32
      %dma_wait3A_59 = tpu.memref_slice %arg10[%dma_wait3A_57, %dma_wait3A_58] : memref<10240x128xf32, #tpu.memory_space<vmem_shared>> -> memref<10240x128xf32, #tpu.memory_space<vmem_shared>>
      tpu.wait_indirect_dma semaphore(%arg14 : memref<!tpu.dma_semaphore, #tpu.memory_space<semaphore_mem>>) src(%arg9 : memref<80x128xf32, #tpu.memory_space<vmem>>) dst(%dma_wait3A_59 : memref<10240x128xf32, #tpu.memory_space<vmem_shared>>)
      %dma_wait3A_60 = arith.constant 24 : i32
      %dma_wait3A_61 = arith.constant 0 : i32
      %dma_wait3A_62 = tpu.memref_slice %arg6[%dma_wait3A_60, %dma_wait3A_61] : memref<25x80xi32, #tpu.memory_space<vmem>> -> memref<1x80xi32, #tpu.memory_space<vmem>>
      %dma_wait3A_63 = tpu.memref_squeeze %dma_wait3A_62 : memref<1x80xi32, #tpu.memory_space<vmem>> -> memref<80xi32, #tpu.memory_space<vmem>>
      %dma_wait3A_64 = arith.constant 0 : i32
      %dma_wait3A_65 = arith.constant 0 : i32
      %dma_wait3A_66 = tpu.memref_slice %arg2[%dma_wait3A_64, %dma_wait3A_65] : memref<10000x128xf32, #tpu.memory_space<hbm>> -> memref<10000x128xf32, #tpu.memory_space<hbm>>
      tpu.wait_indirect_dma semaphore(%arg11 : memref<!tpu.dma_semaphore, #tpu.memory_space<semaphore_mem>>) src(%dma_wait3A_66 : memref<10000x128xf32, #tpu.memory_space<hbm>>) dst(%arg8 : memref<80x128xf32, #tpu.memory_space<vmem>>)
      %dma_start3A_67 = arith.constant 24 : i32
      %dma_start3A_68 = arith.constant 0 : i32
      %dma_start3A_69 = tpu.memref_slice %arg7[%dma_start3A_67, %dma_start3A_68] : memref<25x80xi32, #tpu.memory_space<vmem>> -> memref<1x80xi32, #tpu.memory_space<vmem>>
      %dma_start3A_70 = tpu.memref_squeeze %dma_start3A_69 : memref<1x80xi32, #tpu.memory_space<vmem>> -> memref<80xi32, #tpu.memory_space<vmem>>
      %dma_start3A_71 = arith.constant 0 : i32
      %dma_start3A_72 = arith.constant 0 : i32
      %dma_start3A_73 = tpu.memref_slice %arg10[%dma_start3A_71, %dma_start3A_72] : memref<10240x128xf32, #tpu.memory_space<vmem_shared>> -> memref<10240x128xf32, #tpu.memory_space<vmem_shared>>
      tpu.enqueue_indirect_dma source(%arg8 : memref<80x128xf32, #tpu.memory_space<vmem>>) target(%dma_start3A_73 : memref<10240x128xf32, #tpu.memory_space<vmem_shared>>) offsets(%dma_start3A_70 : memref<80xi32, #tpu.memory_space<vmem>>) semaphore(%arg13 : memref<!tpu.dma_semaphore, #tpu.memory_space<semaphore_mem>>) {add = true}
      %dma_wait3A_74 = arith.constant 0 : i32
      %dma_wait3A_75 = arith.constant 0 : i32
      %dma_wait3A_76 = tpu.memref_slice %arg7[%dma_wait3A_74, %dma_wait3A_75] : memref<25x80xi32, #tpu.memory_space<vmem>> -> memref<1x80xi32, #tpu.memory_space<vmem>>
      %dma_wait3A_77 = tpu.memref_squeeze %dma_wait3A_76 : memref<1x80xi32, #tpu.memory_space<vmem>> -> memref<80xi32, #tpu.memory_space<vmem>>
      %dma_wait3A_78 = arith.constant 0 : i32
      %dma_wait3A_79 = arith.constant 0 : i32
      %dma_wait3A_80 = tpu.memref_slice %arg10[%dma_wait3A_78, %dma_wait3A_79] : memref<10240x128xf32, #tpu.memory_space<vmem_shared>> -> memref<10240x128xf32, #tpu.memory_space<vmem_shared>>
      tpu.wait_indirect_dma semaphore(%arg13 : memref<!tpu.dma_semaphore, #tpu.memory_space<semaphore_mem>>) src(%arg8 : memref<80x128xf32, #tpu.memory_space<vmem>>) dst(%dma_wait3A_80 : memref<10240x128xf32, #tpu.memory_space<vmem_shared>>)
    }
    %scan3A_29 = arith.constant 5 : i32
    %barrier3A_30 = arith.constant 0 : index
    tpu.barrier barrier_id(%barrier3A_30)
    %mul3A_31 = arith.constant 624 : i32
    %mul3A_32 = arith.muli %arg1, %mul3A_31 : i32
    "tpu.region"() ({
      %run_scoped3A = tpu.sem_alloc : memref<!tpu.dma_semaphore, #tpu.memory_space<semaphore_mem>>
      %dma_start3A = arith.constant 0 : i32
      %dma_start3A_35 = arith.constant 0 : i32
      %dma_start3A_36 = tpu.memref_slice %arg5[%arg0, %dma_start3A, %dma_start3A_35] : memref<2x10000x128xf32, #tpu.memory_space<hbm>> -> memref<1x10000x128xf32, #tpu.memory_space<hbm>>
      %dma_start3A_37 = tpu.memref_squeeze %dma_start3A_36 : memref<1x10000x128xf32, #tpu.memory_space<hbm>> -> memref<10000x128xf32, #tpu.memory_space<hbm>>
      %dma_start3A_38 = arith.constant 0 : i32
      %dma_start3A_39 = tpu.memref_slice %dma_start3A_37[%mul3A_32, %dma_start3A_38] : memref<10000x128xf32, #tpu.memory_space<hbm>> -> memref<624x128xf32, #tpu.memory_space<hbm>>
      %dma_start3A_40 = arith.constant 0 : i32
      %dma_start3A_41 = tpu.memref_slice %arg10[%mul3A_32, %dma_start3A_40] : memref<10240x128xf32, #tpu.memory_space<vmem_shared>> -> memref<624x128xf32, #tpu.memory_space<vmem_shared>>
      tpu.enqueue_dma source(%dma_start3A_41 : memref<624x128xf32, #tpu.memory_space<vmem_shared>>) target(%dma_start3A_39 : memref<624x128xf32, #tpu.memory_space<hbm>>) target_semaphore(%run_scoped3A : memref<!tpu.dma_semaphore, #tpu.memory_space<semaphore_mem>>)
      %dma_wait3A = arith.constant 0 : i32
      %dma_wait3A_42 = arith.constant 0 : i32
      %dma_wait3A_43 = tpu.memref_slice %arg5[%arg0, %dma_wait3A, %dma_wait3A_42] : memref<2x10000x128xf32, #tpu.memory_space<hbm>> -> memref<1x10000x128xf32, #tpu.memory_space<hbm>>
      %dma_wait3A_44 = tpu.memref_squeeze %dma_wait3A_43 : memref<1x10000x128xf32, #tpu.memory_space<hbm>> -> memref<10000x128xf32, #tpu.memory_space<hbm>>
      %dma_wait3A_45 = arith.constant 0 : i32
      %dma_wait3A_46 = tpu.memref_slice %dma_wait3A_44[%mul3A_32, %dma_wait3A_45] : memref<10000x128xf32, #tpu.memory_space<hbm>> -> memref<624x128xf32, #tpu.memory_space<hbm>>
      %dma_wait3A_47 = arith.constant 0 : i32
      %dma_wait3A_48 = tpu.memref_slice %arg10[%mul3A_32, %dma_wait3A_47] : memref<10240x128xf32, #tpu.memory_space<vmem_shared>> -> memref<624x128xf32, #tpu.memory_space<vmem_shared>>
      tpu.wait_dma2 semaphore(%run_scoped3A : memref<!tpu.dma_semaphore, #tpu.memory_space<semaphore_mem>>) src(%dma_wait3A_48 : memref<624x128xf32, #tpu.memory_space<vmem_shared>>) dst(%dma_wait3A_46 : memref<624x128xf32, #tpu.memory_space<hbm>>)
      tpu.yield
    }) : () -> ()
    %eq3A = arith.constant 15 : i32
    %eq3A_33 = arith.cmpi eq, %arg1, %eq3A : i32
    %convert_element_type3A = arith.extui %eq3A_33 : i1 to i32
    %cond3A = arith.constant 0 : i32
    %cond3A_34 = arith.cmpi ne, %convert_element_type3A, %cond3A : i32
    scf.if %cond3A_34 {
      "tpu.region"() ({
        %run_scoped3A = tpu.sem_alloc : memref<!tpu.dma_semaphore, #tpu.memory_space<semaphore_mem>>
        %dma_start3A = arith.constant 0 : i32
        %dma_start3A_35 = arith.constant 0 : i32
        %dma_start3A_36 = tpu.memref_slice %arg5[%arg0, %dma_start3A, %dma_start3A_35] : memref<2x10000x128xf32, #tpu.memory_space<hbm>> -> memref<1x10000x128xf32, #tpu.memory_space<hbm>>
        %dma_start3A_37 = tpu.memref_squeeze %dma_start3A_36 : memref<1x10000x128xf32, #tpu.memory_space<hbm>> -> memref<10000x128xf32, #tpu.memory_space<hbm>>
        %dma_start3A_38 = arith.constant 9984 : i32
        %dma_start3A_39 = arith.constant 0 : i32
        %dma_start3A_40 = tpu.memref_slice %dma_start3A_37[%dma_start3A_38, %dma_start3A_39] : memref<10000x128xf32, #tpu.memory_space<hbm>> -> memref<16x128xf32, #tpu.memory_space<hbm>>
        %dma_start3A_41 = arith.constant 9984 : i32
        %dma_start3A_42 = arith.constant 0 : i32
        %dma_start3A_43 = tpu.memref_slice %arg10[%dma_start3A_41, %dma_start3A_42] : memref<10240x128xf32, #tpu.memory_space<vmem_shared>> -> memref<16x128xf32, #tpu.memory_space<vmem_shared>>
        tpu.enqueue_dma source(%dma_start3A_43 : memref<16x128xf32, #tpu.memory_space<vmem_shared>>) target(%dma_start3A_40 : memref<16x128xf32, #tpu.memory_space<hbm>>) target_semaphore(%run_scoped3A : memref<!tpu.dma_semaphore, #tpu.memory_space<semaphore_mem>>)
        %dma_wait3A = arith.constant 0 : i32
        %dma_wait3A_44 = arith.constant 0 : i32
        %dma_wait3A_45 = tpu.memref_slice %arg5[%arg0, %dma_wait3A, %dma_wait3A_44] : memref<2x10000x128xf32, #tpu.memory_space<hbm>> -> memref<1x10000x128xf32, #tpu.memory_space<hbm>>
        %dma_wait3A_46 = tpu.memref_squeeze %dma_wait3A_45 : memref<1x10000x128xf32, #tpu.memory_space<hbm>> -> memref<10000x128xf32, #tpu.memory_space<hbm>>
        %dma_wait3A_47 = arith.constant 9984 : i32
        %dma_wait3A_48 = arith.constant 0 : i32
        %dma_wait3A_49 = tpu.memref_slice %dma_wait3A_46[%dma_wait3A_47, %dma_wait3A_48] : memref<10000x128xf32, #tpu.memory_space<hbm>> -> memref<16x128xf32, #tpu.memory_space<hbm>>
        %dma_wait3A_50 = arith.constant 9984 : i32
        %dma_wait3A_51 = arith.constant 0 : i32
        %dma_wait3A_52 = tpu.memref_slice %arg10[%dma_wait3A_50, %dma_wait3A_51] : memref<10240x128xf32, #tpu.memory_space<vmem_shared>> -> memref<16x128xf32, #tpu.memory_space<vmem_shared>>
        tpu.wait_dma2 semaphore(%run_scoped3A : memref<!tpu.dma_semaphore, #tpu.memory_space<semaphore_mem>>) src(%dma_wait3A_52 : memref<16x128xf32, #tpu.memory_space<vmem_shared>>) dst(%dma_wait3A_49 : memref<16x128xf32, #tpu.memory_space<hbm>>)
        tpu.yield
      }) : () -> ()
    } else {
    }
    return
  }
}

#map = affine_map<(d0, d1) -> (0, 0)>
#map1 = affine_map<(d0, d1) -> (0, 0, 0)>
module attributes {stable_mosaic.version = 14 : i64} {
  func.func @_k5_body(%arg0: i32, %arg1: i32, %arg2: memref<10000x16xf32, #tpu.memory_space<hbm>>, %arg3: memref<640x512xi32, #tpu.memory_space<hbm>>, %arg4: memref<640x512xi32, #tpu.memory_space<hbm>>, %arg5: memref<2x10000x16xf32, #tpu.memory_space<hbm>>, %arg6: memref<20x512xi32, #tpu.memory_space<vmem>>, %arg7: memref<20x512xi32, #tpu.memory_space<vmem>>, %arg8: memref<512x16xf32, #tpu.memory_space<vmem>>, %arg9: memref<512x16xf32, #tpu.memory_space<vmem>>, %arg10: memref<128x16xf32, #tpu.memory_space<vmem>>, %arg11: memref<10000x16xf32, #tpu.memory_space<vmem_shared>>, %arg12: memref<10240x16xf32, #tpu.memory_space<vmem_shared>>, %arg13: memref<!tpu.dma_semaphore, #tpu.memory_space<semaphore_mem>>, %arg14: memref<!tpu.dma_semaphore, #tpu.memory_space<semaphore_mem>>, %arg15: memref<!tpu.dma_semaphore, #tpu.memory_space<semaphore_mem>>, %arg16: memref<!tpu.dma_semaphore, #tpu.memory_space<semaphore_mem>>) attributes {dimension_semantics = [#tpu.dimension_semantics<core_parallel>, #tpu.dimension_semantics<subcore_parallel>], iteration_bounds = array<i64: 2, 16>, scalar_prefetch = 0 : i64, scratch_operands = 11 : i64, tpu.core_type = #tpu.core_type<sc_vector_subcore>, window_params = [{transform_indices = #map}, {transform_indices = #map}, {transform_indices = #map}, {transform_indices = #map1}]} {
    %mul3A = arith.constant 2 : i32
    %mul3A_0 = arith.muli %arg1, %mul3A : i32
    %add3A = arith.addi %mul3A_0, %arg0 : i32
    %scan3A = arith.constant 0 : i32
    %scan3A_1 = arith.constant 128 : i32
    %scan3A_2 = arith.addi %scan3A, %scan3A_1 : i32
    %scan3A_3 = arith.constant 1 : i32
    scf.for %scan3A_54 = %scan3A to %scan3A_2 step %scan3A_3  : i32 {
      %mul3A_55 = arith.constant 1 : i32
      %mul3A_56 = arith.muli %scan3A_54, %mul3A_55 : i32
      %add3A_57 = arith.constant 0 : i32
      %add3A_58 = arith.addi %add3A_57, %mul3A_56 : i32
      %broadcast_in_dim3A = arith.constant 0.000000e+00 : f32
      %broadcast_in_dim3A_59 = vector.broadcast %broadcast_in_dim3A : f32 to vector<16xf32>
      %swap3A = arith.index_cast %add3A_58 : i32 to index
      %swap3A_60 = arith.constant 0 : index
      %swap3A_61 = tpu.vector_load %arg10[%swap3A, %swap3A_60] {strides = array<i32>} : memref<128x16xf32, #tpu.memory_space<vmem>>, vector<1x16xf32>,
      %swap3A_62 = vector.shape_cast %swap3A_61 : vector<1x16xf32> to vector<16xf32>
      %swap3A_63 = vector.shape_cast %broadcast_in_dim3A_59 : vector<16xf32> to vector<1x16xf32>
      tpu.vector_store %arg10[%swap3A, %swap3A_60], %swap3A_63 {strides = array<i32>} : memref<128x16xf32, #tpu.memory_space<vmem>>, vector<1x16xf32>,
    }
    %scan3A_4 = arith.constant 128 : i32
    %mul3A_5 = arith.constant 640 : i32
    %mul3A_6 = arith.muli %arg1, %mul3A_5 : i32
    %add3A_7 = arith.constant 0 : i32
    %add3A_8 = arith.addi %mul3A_6, %add3A_7 : i32
    "tpu.region"() ({
      %run_scoped3A = tpu.sem_alloc : memref<!tpu.dma_semaphore, #tpu.memory_space<semaphore_mem>>
      %dma_start3A_54 = arith.constant 0 : i32
      %dma_start3A_55 = tpu.memref_slice %arg12[%add3A_8, %dma_start3A_54] : memref<10240x16xf32, #tpu.memory_space<vmem_shared>> -> memref<128x16xf32, #tpu.memory_space<vmem_shared>>
      %dma_start3A_56 = arith.constant 0 : i32
      %dma_start3A_57 = tpu.memref_slice %arg12[%add3A_8, %dma_start3A_56] : memref<10240x16xf32, #tpu.memory_space<vmem_shared>> -> memref<128x16xf32, #tpu.memory_space<vmem_shared>>
      tpu.enqueue_dma source(%arg10 : memref<128x16xf32, #tpu.memory_space<vmem>>) target(%dma_start3A_57 : memref<128x16xf32, #tpu.memory_space<vmem_shared>>) target_semaphore(%run_scoped3A : memref<!tpu.dma_semaphore, #tpu.memory_space<semaphore_mem>>)
      %dma_wait3A_58 = arith.constant 0 : i32
      %dma_wait3A_59 = tpu.memref_slice %arg12[%add3A_8, %dma_wait3A_58] : memref<10240x16xf32, #tpu.memory_space<vmem_shared>> -> memref<128x16xf32, #tpu.memory_space<vmem_shared>>
      %dma_wait3A_60 = arith.constant 0 : i32
      %dma_wait3A_61 = tpu.memref_slice %arg12[%add3A_8, %dma_wait3A_60] : memref<10240x16xf32, #tpu.memory_space<vmem_shared>> -> memref<128x16xf32, #tpu.memory_space<vmem_shared>>
      tpu.wait_dma2 semaphore(%run_scoped3A : memref<!tpu.dma_semaphore, #tpu.memory_space<semaphore_mem>>) src(%arg10 : memref<128x16xf32, #tpu.memory_space<vmem>>) dst(%dma_wait3A_61 : memref<128x16xf32, #tpu.memory_space<vmem_shared>>)
      tpu.yield
    }) : () -> ()
    %add3A_9 = arith.constant 128 : i32
    %add3A_10 = arith.addi %mul3A_6, %add3A_9 : i32
    "tpu.region"() ({
      %run_scoped3A = tpu.sem_alloc : memref<!tpu.dma_semaphore, #tpu.memory_space<semaphore_mem>>
      %dma_start3A_54 = arith.constant 0 : i32
      %dma_start3A_55 = tpu.memref_slice %arg12[%add3A_10, %dma_start3A_54] : memref<10240x16xf32, #tpu.memory_space<vmem_shared>> -> memref<128x16xf32, #tpu.memory_space<vmem_shared>>
      %dma_start3A_56 = arith.constant 0 : i32
      %dma_start3A_57 = tpu.memref_slice %arg12[%add3A_10, %dma_start3A_56] : memref<10240x16xf32, #tpu.memory_space<vmem_shared>> -> memref<128x16xf32, #tpu.memory_space<vmem_shared>>
      tpu.enqueue_dma source(%arg10 : memref<128x16xf32, #tpu.memory_space<vmem>>) target(%dma_start3A_57 : memref<128x16xf32, #tpu.memory_space<vmem_shared>>) target_semaphore(%run_scoped3A : memref<!tpu.dma_semaphore, #tpu.memory_space<semaphore_mem>>)
      %dma_wait3A_58 = arith.constant 0 : i32
      %dma_wait3A_59 = tpu.memref_slice %arg12[%add3A_10, %dma_wait3A_58] : memref<10240x16xf32, #tpu.memory_space<vmem_shared>> -> memref<128x16xf32, #tpu.memory_space<vmem_shared>>
      %dma_wait3A_60 = arith.constant 0 : i32
      %dma_wait3A_61 = tpu.memref_slice %arg12[%add3A_10, %dma_wait3A_60] : memref<10240x16xf32, #tpu.memory_space<vmem_shared>> -> memref<128x16xf32, #tpu.memory_space<vmem_shared>>
      tpu.wait_dma2 semaphore(%run_scoped3A : memref<!tpu.dma_semaphore, #tpu.memory_space<semaphore_mem>>) src(%arg10 : memref<128x16xf32, #tpu.memory_space<vmem>>) dst(%dma_wait3A_61 : memref<128x16xf32, #tpu.memory_space<vmem_shared>>)
      tpu.yield
    }) : () -> ()
    %add3A_11 = arith.constant 256 : i32
    %add3A_12 = arith.addi %mul3A_6, %add3A_11 : i32
    "tpu.region"() ({
      %run_scoped3A = tpu.sem_alloc : memref<!tpu.dma_semaphore, #tpu.memory_space<semaphore_mem>>
      %dma_start3A_54 = arith.constant 0 : i32
      %dma_start3A_55 = tpu.memref_slice %arg12[%add3A_12, %dma_start3A_54] : memref<10240x16xf32, #tpu.memory_space<vmem_shared>> -> memref<128x16xf32, #tpu.memory_space<vmem_shared>>
      %dma_start3A_56 = arith.constant 0 : i32
      %dma_start3A_57 = tpu.memref_slice %arg12[%add3A_12, %dma_start3A_56] : memref<10240x16xf32, #tpu.memory_space<vmem_shared>> -> memref<128x16xf32, #tpu.memory_space<vmem_shared>>
      tpu.enqueue_dma source(%arg10 : memref<128x16xf32, #tpu.memory_space<vmem>>) target(%dma_start3A_57 : memref<128x16xf32, #tpu.memory_space<vmem_shared>>) target_semaphore(%run_scoped3A : memref<!tpu.dma_semaphore, #tpu.memory_space<semaphore_mem>>)
      %dma_wait3A_58 = arith.constant 0 : i32
      %dma_wait3A_59 = tpu.memref_slice %arg12[%add3A_12, %dma_wait3A_58] : memref<10240x16xf32, #tpu.memory_space<vmem_shared>> -> memref<128x16xf32, #tpu.memory_space<vmem_shared>>
      %dma_wait3A_60 = arith.constant 0 : i32
      %dma_wait3A_61 = tpu.memref_slice %arg12[%add3A_12, %dma_wait3A_60] : memref<10240x16xf32, #tpu.memory_space<vmem_shared>> -> memref<128x16xf32, #tpu.memory_space<vmem_shared>>
      tpu.wait_dma2 semaphore(%run_scoped3A : memref<!tpu.dma_semaphore, #tpu.memory_space<semaphore_mem>>) src(%arg10 : memref<128x16xf32, #tpu.memory_space<vmem>>) dst(%dma_wait3A_61 : memref<128x16xf32, #tpu.memory_space<vmem_shared>>)
      tpu.yield
    }) : () -> ()
    %add3A_13 = arith.constant 384 : i32
    %add3A_14 = arith.addi %mul3A_6, %add3A_13 : i32
    "tpu.region"() ({
      %run_scoped3A = tpu.sem_alloc : memref<!tpu.dma_semaphore, #tpu.memory_space<semaphore_mem>>
      %dma_start3A_54 = arith.constant 0 : i32
      %dma_start3A_55 = tpu.memref_slice %arg12[%add3A_14, %dma_start3A_54] : memref<10240x16xf32, #tpu.memory_space<vmem_shared>> -> memref<128x16xf32, #tpu.memory_space<vmem_shared>>
      %dma_start3A_56 = arith.constant 0 : i32
      %dma_start3A_57 = tpu.memref_slice %arg12[%add3A_14, %dma_start3A_56] : memref<10240x16xf32, #tpu.memory_space<vmem_shared>> -> memref<128x16xf32, #tpu.memory_space<vmem_shared>>
      tpu.enqueue_dma source(%arg10 : memref<128x16xf32, #tpu.memory_space<vmem>>) target(%dma_start3A_57 : memref<128x16xf32, #tpu.memory_space<vmem_shared>>) target_semaphore(%run_scoped3A : memref<!tpu.dma_semaphore, #tpu.memory_space<semaphore_mem>>)
      %dma_wait3A_58 = arith.constant 0 : i32
      %dma_wait3A_59 = tpu.memref_slice %arg12[%add3A_14, %dma_wait3A_58] : memref<10240x16xf32, #tpu.memory_space<vmem_shared>> -> memref<128x16xf32, #tpu.memory_space<vmem_shared>>
      %dma_wait3A_60 = arith.constant 0 : i32
      %dma_wait3A_61 = tpu.memref_slice %arg12[%add3A_14, %dma_wait3A_60] : memref<10240x16xf32, #tpu.memory_space<vmem_shared>> -> memref<128x16xf32, #tpu.memory_space<vmem_shared>>
      tpu.wait_dma2 semaphore(%run_scoped3A : memref<!tpu.dma_semaphore, #tpu.memory_space<semaphore_mem>>) src(%arg10 : memref<128x16xf32, #tpu.memory_space<vmem>>) dst(%dma_wait3A_61 : memref<128x16xf32, #tpu.memory_space<vmem_shared>>)
      tpu.yield
    }) : () -> ()
    %add3A_15 = arith.constant 512 : i32
    %add3A_16 = arith.addi %mul3A_6, %add3A_15 : i32
    "tpu.region"() ({
      %run_scoped3A = tpu.sem_alloc : memref<!tpu.dma_semaphore, #tpu.memory_space<semaphore_mem>>
      %dma_start3A_54 = arith.constant 0 : i32
      %dma_start3A_55 = tpu.memref_slice %arg12[%add3A_16, %dma_start3A_54] : memref<10240x16xf32, #tpu.memory_space<vmem_shared>> -> memref<128x16xf32, #tpu.memory_space<vmem_shared>>
      %dma_start3A_56 = arith.constant 0 : i32
      %dma_start3A_57 = tpu.memref_slice %arg12[%add3A_16, %dma_start3A_56] : memref<10240x16xf32, #tpu.memory_space<vmem_shared>> -> memref<128x16xf32, #tpu.memory_space<vmem_shared>>
      tpu.enqueue_dma source(%arg10 : memref<128x16xf32, #tpu.memory_space<vmem>>) target(%dma_start3A_57 : memref<128x16xf32, #tpu.memory_space<vmem_shared>>) target_semaphore(%run_scoped3A : memref<!tpu.dma_semaphore, #tpu.memory_space<semaphore_mem>>)
      %dma_wait3A_58 = arith.constant 0 : i32
      %dma_wait3A_59 = tpu.memref_slice %arg12[%add3A_16, %dma_wait3A_58] : memref<10240x16xf32, #tpu.memory_space<vmem_shared>> -> memref<128x16xf32, #tpu.memory_space<vmem_shared>>
      %dma_wait3A_60 = arith.constant 0 : i32
      %dma_wait3A_61 = tpu.memref_slice %arg12[%add3A_16, %dma_wait3A_60] : memref<10240x16xf32, #tpu.memory_space<vmem_shared>> -> memref<128x16xf32, #tpu.memory_space<vmem_shared>>
      tpu.wait_dma2 semaphore(%run_scoped3A : memref<!tpu.dma_semaphore, #tpu.memory_space<semaphore_mem>>) src(%arg10 : memref<128x16xf32, #tpu.memory_space<vmem>>) dst(%dma_wait3A_61 : memref<128x16xf32, #tpu.memory_space<vmem_shared>>)
      tpu.yield
    }) : () -> ()
    %mul3A_17 = arith.constant 625 : i32
    %mul3A_18 = arith.muli %arg1, %mul3A_17 : i32
    %mul3A_19 = arith.constant 625 : i32
    %mul3A_20 = arith.muli %arg1, %mul3A_19 : i32
    "tpu.region"() ({
      %run_scoped3A = tpu.sem_alloc : memref<!tpu.dma_semaphore, #tpu.memory_space<semaphore_mem>>
      %dma_start3A_54 = arith.constant 0 : i32
      %dma_start3A_55 = tpu.memref_slice %arg11[%mul3A_20, %dma_start3A_54] : memref<10000x16xf32, #tpu.memory_space<vmem_shared>> -> memref<625x16xf32, #tpu.memory_space<vmem_shared>>
      %dma_start3A_56 = arith.constant 0 : i32
      %dma_start3A_57 = tpu.memref_slice %arg2[%mul3A_18, %dma_start3A_56] : memref<10000x16xf32, #tpu.memory_space<hbm>> -> memref<625x16xf32, #tpu.memory_space<hbm>>
      tpu.enqueue_dma source(%dma_start3A_57 : memref<625x16xf32, #tpu.memory_space<hbm>>) target(%dma_start3A_55 : memref<625x16xf32, #tpu.memory_space<vmem_shared>>) target_semaphore(%run_scoped3A : memref<!tpu.dma_semaphore, #tpu.memory_space<semaphore_mem>>)
      %dma_wait3A_58 = arith.constant 0 : i32
      %dma_wait3A_59 = tpu.memref_slice %arg11[%mul3A_20, %dma_wait3A_58] : memref<10000x16xf32, #tpu.memory_space<vmem_shared>> -> memref<625x16xf32, #tpu.memory_space<vmem_shared>>
      %dma_wait3A_60 = arith.constant 0 : i32
      %dma_wait3A_61 = tpu.memref_slice %arg2[%mul3A_18, %dma_wait3A_60] : memref<10000x16xf32, #tpu.memory_space<hbm>> -> memref<625x16xf32, #tpu.memory_space<hbm>>
      tpu.wait_dma2 semaphore(%run_scoped3A : memref<!tpu.dma_semaphore, #tpu.memory_space<semaphore_mem>>) src(%dma_wait3A_61 : memref<625x16xf32, #tpu.memory_space<hbm>>) dst(%dma_wait3A_59 : memref<625x16xf32, #tpu.memory_space<vmem_shared>>)
      tpu.yield
    }) : () -> ()
    %barrier3A = arith.constant 0 : index
    tpu.barrier barrier_id(%barrier3A)
    %mul3A_21 = arith.constant 20 : i32
    %mul3A_22 = arith.muli %add3A, %mul3A_21 : i32
    %scan3A_23 = arith.constant 0 : i32
    %mul3A_24 = arith.constant 1 : i32
    %mul3A_25 = arith.muli %scan3A_23, %mul3A_24 : i32
    %add3A_26 = arith.constant 0 : i32
    %add3A_27 = arith.addi %add3A_26, %mul3A_25 : i32
    %mul3A_28 = arith.constant 20 : i32
    %mul3A_29 = arith.muli %add3A_27, %mul3A_28 : i32
    %add3A_30 = arith.addi %mul3A_22, %mul3A_29 : i32
    "tpu.region"() ({
      %run_scoped3A = tpu.sem_alloc : memref<!tpu.dma_semaphore, #tpu.memory_space<semaphore_mem>>
      %dma_start3A_54 = arith.constant 0 : i32
      %dma_start3A_55 = tpu.memref_slice %arg3[%add3A_30, %dma_start3A_54] : memref<640x512xi32, #tpu.memory_space<hbm>> -> memref<20x512xi32, #tpu.memory_space<hbm>>
      %dma_start3A_56 = arith.constant 0 : i32
      %dma_start3A_57 = tpu.memref_slice %arg3[%add3A_30, %dma_start3A_56] : memref<640x512xi32, #tpu.memory_space<hbm>> -> memref<20x512xi32, #tpu.memory_space<hbm>>
      tpu.enqueue_dma source(%dma_start3A_57 : memref<20x512xi32, #tpu.memory_space<hbm>>) target(%arg6 : memref<20x512xi32, #tpu.memory_space<vmem>>) target_semaphore(%run_scoped3A : memref<!tpu.dma_semaphore, #tpu.memory_space<semaphore_mem>>)
      %dma_wait3A_58 = arith.constant 0 : i32
      %dma_wait3A_59 = tpu.memref_slice %arg3[%add3A_30, %dma_wait3A_58] : memref<640x512xi32, #tpu.memory_space<hbm>> -> memref<20x512xi32, #tpu.memory_space<hbm>>
      %dma_wait3A_60 = arith.constant 0 : i32
      %dma_wait3A_61 = tpu.memref_slice %arg3[%add3A_30, %dma_wait3A_60] : memref<640x512xi32, #tpu.memory_space<hbm>> -> memref<20x512xi32, #tpu.memory_space<hbm>>
      tpu.wait_dma2 semaphore(%run_scoped3A : memref<!tpu.dma_semaphore, #tpu.memory_space<semaphore_mem>>) src(%dma_wait3A_61 : memref<20x512xi32, #tpu.memory_space<hbm>>) dst(%arg6 : memref<20x512xi32, #tpu.memory_space<vmem>>)
      tpu.yield
    }) : () -> ()
    "tpu.region"() ({
      %run_scoped3A = tpu.sem_alloc : memref<!tpu.dma_semaphore, #tpu.memory_space<semaphore_mem>>
      %dma_start3A_54 = arith.constant 0 : i32
      %dma_start3A_55 = tpu.memref_slice %arg4[%add3A_30, %dma_start3A_54] : memref<640x512xi32, #tpu.memory_space<hbm>> -> memref<20x512xi32, #tpu.memory_space<hbm>>
      %dma_start3A_56 = arith.constant 0 : i32
      %dma_start3A_57 = tpu.memref_slice %arg4[%add3A_30, %dma_start3A_56] : memref<640x512xi32, #tpu.memory_space<hbm>> -> memref<20x512xi32, #tpu.memory_space<hbm>>
      tpu.enqueue_dma source(%dma_start3A_57 : memref<20x512xi32, #tpu.memory_space<hbm>>) target(%arg7 : memref<20x512xi32, #tpu.memory_space<vmem>>) target_semaphore(%run_scoped3A : memref<!tpu.dma_semaphore, #tpu.memory_space<semaphore_mem>>)
      %dma_wait3A_58 = arith.constant 0 : i32
      %dma_wait3A_59 = tpu.memref_slice %arg4[%add3A_30, %dma_wait3A_58] : memref<640x512xi32, #tpu.memory_space<hbm>> -> memref<20x512xi32, #tpu.memory_space<hbm>>
      %dma_wait3A_60 = arith.constant 0 : i32
      %dma_wait3A_61 = tpu.memref_slice %arg4[%add3A_30, %dma_wait3A_60] : memref<640x512xi32, #tpu.memory_space<hbm>> -> memref<20x512xi32, #tpu.memory_space<hbm>>
      tpu.wait_dma2 semaphore(%run_scoped3A : memref<!tpu.dma_semaphore, #tpu.memory_space<semaphore_mem>>) src(%dma_wait3A_61 : memref<20x512xi32, #tpu.memory_space<hbm>>) dst(%arg7 : memref<20x512xi32, #tpu.memory_space<vmem>>)
      tpu.yield
    }) : () -> ()
    %dma_start3A = arith.constant 0 : i32
    %dma_start3A_31 = arith.constant 0 : i32
    %dma_start3A_32 = tpu.memref_slice %arg6[%dma_start3A, %dma_start3A_31] : memref<20x512xi32, #tpu.memory_space<vmem>> -> memref<1x512xi32, #tpu.memory_space<vmem>>
    %dma_start3A_33 = tpu.memref_squeeze %dma_start3A_32 : memref<1x512xi32, #tpu.memory_space<vmem>> -> memref<512xi32, #tpu.memory_space<vmem>>
    %dma_start3A_34 = arith.constant 0 : i32
    %dma_start3A_35 = arith.constant 0 : i32
    %dma_start3A_36 = tpu.memref_slice %arg11[%dma_start3A_34, %dma_start3A_35] : memref<10000x16xf32, #tpu.memory_space<vmem_shared>> -> memref<10000x16xf32, #tpu.memory_space<vmem_shared>>
    tpu.enqueue_indirect_dma source(%dma_start3A_36 : memref<10000x16xf32, #tpu.memory_space<vmem_shared>>) target(%arg8 : memref<512x16xf32, #tpu.memory_space<vmem>>) offsets(%dma_start3A_33 : memref<512xi32, #tpu.memory_space<vmem>>) semaphore(%arg13 : memref<!tpu.dma_semaphore, #tpu.memory_space<semaphore_mem>>)
    %scan3A_37 = arith.constant 0 : i32
    %scan3A_38 = arith.constant 10 : i32
    %scan3A_39 = arith.addi %scan3A_37, %scan3A_38 : i32
    %scan3A_40 = arith.constant 1 : i32
    scf.for %scan3A_54 = %scan3A_37 to %scan3A_39 step %scan3A_40  : i32 {
      %mul3A_55 = arith.constant 1 : i32
      %mul3A_56 = arith.muli %scan3A_54, %mul3A_55 : i32
      %add3A_57 = arith.constant 0 : i32
      %add3A_58 = arith.addi %add3A_57, %mul3A_56 : i32
      %mul3A_59 = arith.constant 2 : i32
      %mul3A_60 = arith.muli %add3A_58, %mul3A_59 : i32
      %add3A_61 = arith.constant 0 : i32
      %add3A_62 = arith.addi %mul3A_60, %add3A_61 : i32
      %ge3A = arith.constant 1 : i32
      %ge3A_63 = arith.cmpi sge, %add3A_62, %ge3A : i32
      %convert_element_type3A_64 = arith.extui %ge3A_63 : i1 to i32
      %cond3A_65 = arith.constant 0 : i32
      %cond3A_66 = arith.cmpi ne, %convert_element_type3A_64, %cond3A_65 : i32
      scf.if %cond3A_66 {
        %dma_wait3A_113 = arith.constant 0 : i32
        %dma_wait3A_114 = arith.constant 0 : i32
        %dma_wait3A_115 = tpu.memref_slice %arg7[%dma_wait3A_113, %dma_wait3A_114] : memref<20x512xi32, #tpu.memory_space<vmem>> -> memref<1x512xi32, #tpu.memory_space<vmem>>
        %dma_wait3A_116 = tpu.memref_squeeze %dma_wait3A_115 : memref<1x512xi32, #tpu.memory_space<vmem>> -> memref<512xi32, #tpu.memory_space<vmem>>
        %dma_wait3A_117 = arith.constant 0 : i32
        %dma_wait3A_118 = arith.constant 0 : i32
        %dma_wait3A_119 = tpu.memref_slice %arg12[%dma_wait3A_117, %dma_wait3A_118] : memref<10240x16xf32, #tpu.memory_space<vmem_shared>> -> memref<10240x16xf32, #tpu.memory_space<vmem_shared>>
        tpu.wait_indirect_dma semaphore(%arg16 : memref<!tpu.dma_semaphore, #tpu.memory_space<semaphore_mem>>) src(%arg9 : memref<512x16xf32, #tpu.memory_space<vmem>>) dst(%dma_wait3A_119 : memref<10240x16xf32, #tpu.memory_space<vmem_shared>>)
      } else {
      }
      %add3A_67 = arith.constant 1 : i32
      %add3A_68 = arith.addi %add3A_62, %add3A_67 : i32
      %lt3A = arith.constant 20 : i32
      %lt3A_69 = arith.cmpi slt, %add3A_68, %lt3A : i32
      %convert_element_type3A_70 = arith.extui %lt3A_69 : i1 to i32
      %cond3A_71 = arith.constant 0 : i32
      %cond3A_72 = arith.cmpi ne, %convert_element_type3A_70, %cond3A_71 : i32
      scf.if %cond3A_72 {
        %add3A_113 = arith.constant 1 : i32
        %add3A_114 = arith.addi %add3A_62, %add3A_113 : i32
        %dma_start3A_115 = arith.constant 0 : i32
        %dma_start3A_116 = tpu.memref_slice %arg6[%add3A_114, %dma_start3A_115] : memref<20x512xi32, #tpu.memory_space<vmem>> -> memref<1x512xi32, #tpu.memory_space<vmem>>
        %dma_start3A_117 = tpu.memref_squeeze %dma_start3A_116 : memref<1x512xi32, #tpu.memory_space<vmem>> -> memref<512xi32, #tpu.memory_space<vmem>>
        %dma_start3A_118 = arith.constant 0 : i32
        %dma_start3A_119 = arith.constant 0 : i32
        %dma_start3A_120 = tpu.memref_slice %arg11[%dma_start3A_118, %dma_start3A_119] : memref<10000x16xf32, #tpu.memory_space<vmem_shared>> -> memref<10000x16xf32, #tpu.memory_space<vmem_shared>>
        tpu.enqueue_indirect_dma source(%dma_start3A_120 : memref<10000x16xf32, #tpu.memory_space<vmem_shared>>) target(%arg9 : memref<512x16xf32, #tpu.memory_space<vmem>>) offsets(%dma_start3A_117 : memref<512xi32, #tpu.memory_space<vmem>>) semaphore(%arg14 : memref<!tpu.dma_semaphore, #tpu.memory_space<semaphore_mem>>)
      } else {
      }
      %dma_wait3A_73 = arith.constant 0 : i32
      %dma_wait3A_74 = tpu.memref_slice %arg6[%add3A_62, %dma_wait3A_73] : memref<20x512xi32, #tpu.memory_space<vmem>> -> memref<1x512xi32, #tpu.memory_space<vmem>>
      %dma_wait3A_75 = tpu.memref_squeeze %dma_wait3A_74 : memref<1x512xi32, #tpu.memory_space<vmem>> -> memref<512xi32, #tpu.memory_space<vmem>>
      %dma_wait3A_76 = arith.constant 0 : i32
      %dma_wait3A_77 = arith.constant 0 : i32
      %dma_wait3A_78 = tpu.memref_slice %arg11[%dma_wait3A_76, %dma_wait3A_77] : memref<10000x16xf32, #tpu.memory_space<vmem_shared>> -> memref<10000x16xf32, #tpu.memory_space<vmem_shared>>
      tpu.wait_indirect_dma semaphore(%arg13 : memref<!tpu.dma_semaphore, #tpu.memory_space<semaphore_mem>>) src(%dma_wait3A_78 : memref<10000x16xf32, #tpu.memory_space<vmem_shared>>) dst(%arg8 : memref<512x16xf32, #tpu.memory_space<vmem>>)
      %dma_start3A_79 = arith.constant 0 : i32
      %dma_start3A_80 = tpu.memref_slice %arg7[%add3A_62, %dma_start3A_79] : memref<20x512xi32, #tpu.memory_space<vmem>> -> memref<1x512xi32, #tpu.memory_space<vmem>>
      %dma_start3A_81 = tpu.memref_squeeze %dma_start3A_80 : memref<1x512xi32, #tpu.memory_space<vmem>> -> memref<512xi32, #tpu.memory_space<vmem>>
      %dma_start3A_82 = arith.constant 0 : i32
      %dma_start3A_83 = arith.constant 0 : i32
      %dma_start3A_84 = tpu.memref_slice %arg12[%dma_start3A_82, %dma_start3A_83] : memref<10240x16xf32, #tpu.memory_space<vmem_shared>> -> memref<10240x16xf32, #tpu.memory_space<vmem_shared>>
      tpu.enqueue_indirect_dma source(%arg8 : memref<512x16xf32, #tpu.memory_space<vmem>>) target(%dma_start3A_84 : memref<10240x16xf32, #tpu.memory_space<vmem_shared>>) offsets(%dma_start3A_81 : memref<512xi32, #tpu.memory_space<vmem>>) semaphore(%arg15 : memref<!tpu.dma_semaphore, #tpu.memory_space<semaphore_mem>>) {add = true}
      %mul3A_85 = arith.constant 2 : i32
      %mul3A_86 = arith.muli %add3A_58, %mul3A_85 : i32
      %add3A_87 = arith.constant 1 : i32
      %add3A_88 = arith.addi %mul3A_86, %add3A_87 : i32
      %ge3A_89 = arith.constant 1 : i32
      %ge3A_90 = arith.cmpi sge, %add3A_88, %ge3A_89 : i32
      %convert_element_type3A_91 = arith.extui %ge3A_90 : i1 to i32
      %cond3A_92 = arith.constant 0 : i32
      %cond3A_93 = arith.cmpi ne, %convert_element_type3A_91, %cond3A_92 : i32
      scf.if %cond3A_93 {
        %dma_wait3A_113 = arith.constant 0 : i32
        %dma_wait3A_114 = arith.constant 0 : i32
        %dma_wait3A_115 = tpu.memref_slice %arg7[%dma_wait3A_113, %dma_wait3A_114] : memref<20x512xi32, #tpu.memory_space<vmem>> -> memref<1x512xi32, #tpu.memory_space<vmem>>
        %dma_wait3A_116 = tpu.memref_squeeze %dma_wait3A_115 : memref<1x512xi32, #tpu.memory_space<vmem>> -> memref<512xi32, #tpu.memory_space<vmem>>
        %dma_wait3A_117 = arith.constant 0 : i32
        %dma_wait3A_118 = arith.constant 0 : i32
        %dma_wait3A_119 = tpu.memref_slice %arg12[%dma_wait3A_117, %dma_wait3A_118] : memref<10240x16xf32, #tpu.memory_space<vmem_shared>> -> memref<10240x16xf32, #tpu.memory_space<vmem_shared>>
        tpu.wait_indirect_dma semaphore(%arg15 : memref<!tpu.dma_semaphore, #tpu.memory_space<semaphore_mem>>) src(%arg8 : memref<512x16xf32, #tpu.memory_space<vmem>>) dst(%dma_wait3A_119 : memref<10240x16xf32, #tpu.memory_space<vmem_shared>>)
      } else {
      }
      %add3A_94 = arith.constant 1 : i32
      %add3A_95 = arith.addi %add3A_88, %add3A_94 : i32
      %lt3A_96 = arith.constant 20 : i32
      %lt3A_97 = arith.cmpi slt, %add3A_95, %lt3A_96 : i32
      %convert_element_type3A_98 = arith.extui %lt3A_97 : i1 to i32
      %cond3A_99 = arith.constant 0 : i32
      %cond3A_100 = arith.cmpi ne, %convert_element_type3A_98, %cond3A_99 : i32
      scf.if %cond3A_100 {
        %add3A_113 = arith.constant 1 : i32
        %add3A_114 = arith.addi %add3A_88, %add3A_113 : i32
        %dma_start3A_115 = arith.constant 0 : i32
        %dma_start3A_116 = tpu.memref_slice %arg6[%add3A_114, %dma_start3A_115] : memref<20x512xi32, #tpu.memory_space<vmem>> -> memref<1x512xi32, #tpu.memory_space<vmem>>
        %dma_start3A_117 = tpu.memref_squeeze %dma_start3A_116 : memref<1x512xi32, #tpu.memory_space<vmem>> -> memref<512xi32, #tpu.memory_space<vmem>>
        %dma_start3A_118 = arith.constant 0 : i32
        %dma_start3A_119 = arith.constant 0 : i32
        %dma_start3A_120 = tpu.memref_slice %arg11[%dma_start3A_118, %dma_start3A_119] : memref<10000x16xf32, #tpu.memory_space<vmem_shared>> -> memref<10000x16xf32, #tpu.memory_space<vmem_shared>>
        tpu.enqueue_indirect_dma source(%dma_start3A_120 : memref<10000x16xf32, #tpu.memory_space<vmem_shared>>) target(%arg8 : memref<512x16xf32, #tpu.memory_space<vmem>>) offsets(%dma_start3A_117 : memref<512xi32, #tpu.memory_space<vmem>>) semaphore(%arg13 : memref<!tpu.dma_semaphore, #tpu.memory_space<semaphore_mem>>)
      } else {
      }
      %dma_wait3A_101 = arith.constant 0 : i32
      %dma_wait3A_102 = tpu.memref_slice %arg6[%add3A_88, %dma_wait3A_101] : memref<20x512xi32, #tpu.memory_space<vmem>> -> memref<1x512xi32, #tpu.memory_space<vmem>>
      %dma_wait3A_103 = tpu.memref_squeeze %dma_wait3A_102 : memref<1x512xi32, #tpu.memory_space<vmem>> -> memref<512xi32, #tpu.memory_space<vmem>>
      %dma_wait3A_104 = arith.constant 0 : i32
      %dma_wait3A_105 = arith.constant 0 : i32
      %dma_wait3A_106 = tpu.memref_slice %arg11[%dma_wait3A_104, %dma_wait3A_105] : memref<10000x16xf32, #tpu.memory_space<vmem_shared>> -> memref<10000x16xf32, #tpu.memory_space<vmem_shared>>
      tpu.wait_indirect_dma semaphore(%arg14 : memref<!tpu.dma_semaphore, #tpu.memory_space<semaphore_mem>>) src(%dma_wait3A_106 : memref<10000x16xf32, #tpu.memory_space<vmem_shared>>) dst(%arg9 : memref<512x16xf32, #tpu.memory_space<vmem>>)
      %dma_start3A_107 = arith.constant 0 : i32
      %dma_start3A_108 = tpu.memref_slice %arg7[%add3A_88, %dma_start3A_107] : memref<20x512xi32, #tpu.memory_space<vmem>> -> memref<1x512xi32, #tpu.memory_space<vmem>>
      %dma_start3A_109 = tpu.memref_squeeze %dma_start3A_108 : memref<1x512xi32, #tpu.memory_space<vmem>> -> memref<512xi32, #tpu.memory_space<vmem>>
      %dma_start3A_110 = arith.constant 0 : i32
      %dma_start3A_111 = arith.constant 0 : i32
      %dma_start3A_112 = tpu.memref_slice %arg12[%dma_start3A_110, %dma_start3A_111] : memref<10240x16xf32, #tpu.memory_space<vmem_shared>> -> memref<10240x16xf32, #tpu.memory_space<vmem_shared>>
      tpu.enqueue_indirect_dma source(%arg9 : memref<512x16xf32, #tpu.memory_space<vmem>>) target(%dma_start3A_112 : memref<10240x16xf32, #tpu.memory_space<vmem_shared>>) offsets(%dma_start3A_109 : memref<512xi32, #tpu.memory_space<vmem>>) semaphore(%arg16 : memref<!tpu.dma_semaphore, #tpu.memory_space<semaphore_mem>>) {add = true}
    }
    %scan3A_41 = arith.constant 10 : i32
    %dma_wait3A = arith.constant 0 : i32
    %dma_wait3A_42 = arith.constant 0 : i32
    %dma_wait3A_43 = tpu.memref_slice %arg7[%dma_wait3A, %dma_wait3A_42] : memref<20x512xi32, #tpu.memory_space<vmem>> -> memref<1x512xi32, #tpu.memory_space<vmem>>
    %dma_wait3A_44 = tpu.memref_squeeze %dma_wait3A_43 : memref<1x512xi32, #tpu.memory_space<vmem>> -> memref<512xi32, #tpu.memory_space<vmem>>
    %dma_wait3A_45 = arith.constant 0 : i32
    %dma_wait3A_46 = arith.constant 0 : i32
    %dma_wait3A_47 = tpu.memref_slice %arg12[%dma_wait3A_45, %dma_wait3A_46] : memref<10240x16xf32, #tpu.memory_space<vmem_shared>> -> memref<10240x16xf32, #tpu.memory_space<vmem_shared>>
    tpu.wait_indirect_dma semaphore(%arg16 : memref<!tpu.dma_semaphore, #tpu.memory_space<semaphore_mem>>) src(%arg9 : memref<512x16xf32, #tpu.memory_space<vmem>>) dst(%dma_wait3A_47 : memref<10240x16xf32, #tpu.memory_space<vmem_shared>>)
    %scan3A_48 = arith.constant 1 : i32
    %barrier3A_49 = arith.constant 0 : index
    tpu.barrier barrier_id(%barrier3A_49)
    %mul3A_50 = arith.constant 624 : i32
    %mul3A_51 = arith.muli %arg1, %mul3A_50 : i32
    "tpu.region"() ({
      %run_scoped3A = tpu.sem_alloc : memref<!tpu.dma_semaphore, #tpu.memory_space<semaphore_mem>>
      %dma_start3A_54 = arith.constant 0 : i32
      %dma_start3A_55 = arith.constant 0 : i32
      %dma_start3A_56 = tpu.memref_slice %arg5[%arg0, %dma_start3A_54, %dma_start3A_55] : memref<2x10000x16xf32, #tpu.memory_space<hbm>> -> memref<1x10000x16xf32, #tpu.memory_space<hbm>>
      %dma_start3A_57 = tpu.memref_squeeze %dma_start3A_56 : memref<1x10000x16xf32, #tpu.memory_space<hbm>> -> memref<10000x16xf32, #tpu.memory_space<hbm>>
      %dma_start3A_58 = arith.constant 0 : i32
      %dma_start3A_59 = tpu.memref_slice %dma_start3A_57[%mul3A_51, %dma_start3A_58] : memref<10000x16xf32, #tpu.memory_space<hbm>> -> memref<624x16xf32, #tpu.memory_space<hbm>>
      %dma_start3A_60 = arith.constant 0 : i32
      %dma_start3A_61 = tpu.memref_slice %arg12[%mul3A_51, %dma_start3A_60] : memref<10240x16xf32, #tpu.memory_space<vmem_shared>> -> memref<624x16xf32, #tpu.memory_space<vmem_shared>>
      tpu.enqueue_dma source(%dma_start3A_61 : memref<624x16xf32, #tpu.memory_space<vmem_shared>>) target(%dma_start3A_59 : memref<624x16xf32, #tpu.memory_space<hbm>>) target_semaphore(%run_scoped3A : memref<!tpu.dma_semaphore, #tpu.memory_space<semaphore_mem>>)
      %dma_wait3A_62 = arith.constant 0 : i32
      %dma_wait3A_63 = arith.constant 0 : i32
      %dma_wait3A_64 = tpu.memref_slice %arg5[%arg0, %dma_wait3A_62, %dma_wait3A_63] : memref<2x10000x16xf32, #tpu.memory_space<hbm>> -> memref<1x10000x16xf32, #tpu.memory_space<hbm>>
      %dma_wait3A_65 = tpu.memref_squeeze %dma_wait3A_64 : memref<1x10000x16xf32, #tpu.memory_space<hbm>> -> memref<10000x16xf32, #tpu.memory_space<hbm>>
      %dma_wait3A_66 = arith.constant 0 : i32
      %dma_wait3A_67 = tpu.memref_slice %dma_wait3A_65[%mul3A_51, %dma_wait3A_66] : memref<10000x16xf32, #tpu.memory_space<hbm>> -> memref<624x16xf32, #tpu.memory_space<hbm>>
      %dma_wait3A_68 = arith.constant 0 : i32
      %dma_wait3A_69 = tpu.memref_slice %arg12[%mul3A_51, %dma_wait3A_68] : memref<10240x16xf32, #tpu.memory_space<vmem_shared>> -> memref<624x16xf32, #tpu.memory_space<vmem_shared>>
      tpu.wait_dma2 semaphore(%run_scoped3A : memref<!tpu.dma_semaphore, #tpu.memory_space<semaphore_mem>>) src(%dma_wait3A_69 : memref<624x16xf32, #tpu.memory_space<vmem_shared>>) dst(%dma_wait3A_67 : memref<624x16xf32, #tpu.memory_space<hbm>>)
      tpu.yield
    }) : () -> ()
    %eq3A = arith.constant 15 : i32
    %eq3A_52 = arith.cmpi eq, %arg1, %eq3A : i32
    %convert_element_type3A = arith.extui %eq3A_52 : i1 to i32
    %cond3A = arith.constant 0 : i32
    %cond3A_53 = arith.cmpi ne, %convert_element_type3A, %cond3A : i32
    scf.if %cond3A_53 {
      "tpu.region"() ({
        %run_scoped3A = tpu.sem_alloc : memref<!tpu.dma_semaphore, #tpu.memory_space<semaphore_mem>>
        %dma_start3A_54 = arith.constant 0 : i32
        %dma_start3A_55 = arith.constant 0 : i32
        %dma_start3A_56 = tpu.memref_slice %arg5[%arg0, %dma_start3A_54, %dma_start3A_55] : memref<2x10000x16xf32, #tpu.memory_space<hbm>> -> memref<1x10000x16xf32, #tpu.memory_space<hbm>>
        %dma_start3A_57 = tpu.memref_squeeze %dma_start3A_56 : memref<1x10000x16xf32, #tpu.memory_space<hbm>> -> memref<10000x16xf32, #tpu.memory_space<hbm>>
        %dma_start3A_58 = arith.constant 9984 : i32
        %dma_start3A_59 = arith.constant 0 : i32
        %dma_start3A_60 = tpu.memref_slice %dma_start3A_57[%dma_start3A_58, %dma_start3A_59] : memref<10000x16xf32, #tpu.memory_space<hbm>> -> memref<16x16xf32, #tpu.memory_space<hbm>>
        %dma_start3A_61 = arith.constant 9984 : i32
        %dma_start3A_62 = arith.constant 0 : i32
        %dma_start3A_63 = tpu.memref_slice %arg12[%dma_start3A_61, %dma_start3A_62] : memref<10240x16xf32, #tpu.memory_space<vmem_shared>> -> memref<16x16xf32, #tpu.memory_space<vmem_shared>>
        tpu.enqueue_dma source(%dma_start3A_63 : memref<16x16xf32, #tpu.memory_space<vmem_shared>>) target(%dma_start3A_60 : memref<16x16xf32, #tpu.memory_space<hbm>>) target_semaphore(%run_scoped3A : memref<!tpu.dma_semaphore, #tpu.memory_space<semaphore_mem>>)
        %dma_wait3A_64 = arith.constant 0 : i32
        %dma_wait3A_65 = arith.constant 0 : i32
        %dma_wait3A_66 = tpu.memref_slice %arg5[%arg0, %dma_wait3A_64, %dma_wait3A_65] : memref<2x10000x16xf32, #tpu.memory_space<hbm>> -> memref<1x10000x16xf32, #tpu.memory_space<hbm>>
        %dma_wait3A_67 = tpu.memref_squeeze %dma_wait3A_66 : memref<1x10000x16xf32, #tpu.memory_space<hbm>> -> memref<10000x16xf32, #tpu.memory_space<hbm>>
        %dma_wait3A_68 = arith.constant 9984 : i32
        %dma_wait3A_69 = arith.constant 0 : i32
        %dma_wait3A_70 = tpu.memref_slice %dma_wait3A_67[%dma_wait3A_68, %dma_wait3A_69] : memref<10000x16xf32, #tpu.memory_space<hbm>> -> memref<16x16xf32, #tpu.memory_space<hbm>>
        %dma_wait3A_71 = arith.constant 9984 : i32
        %dma_wait3A_72 = arith.constant 0 : i32
        %dma_wait3A_73 = tpu.memref_slice %arg12[%dma_wait3A_71, %dma_wait3A_72] : memref<10240x16xf32, #tpu.memory_space<vmem_shared>> -> memref<16x16xf32, #tpu.memory_space<vmem_shared>>
        tpu.wait_dma2 semaphore(%run_scoped3A : memref<!tpu.dma_semaphore, #tpu.memory_space<semaphore_mem>>) src(%dma_wait3A_73 : memref<16x16xf32, #tpu.memory_space<vmem_shared>>) dst(%dma_wait3A_70 : memref<16x16xf32, #tpu.memory_space<hbm>>)
        tpu.yield
      }) : () -> ()
    } else {
    }
    return
  }
}

module attributes {stable_mosaic.version = 14 : i64} {
  func.func @_k1_fold(%arg0: i32, %arg1: memref<1x1000x64xf32, #tpu.memory_space<vmem>>, %arg2: memref<1x64x128xf32, #tpu.memory_space<vmem>>, %arg3: memref<1x1000x128xf32, #tpu.memory_space<vmem>>) attributes {dimension_semantics = [#tpu.dimension_semantics<arbitrary>], iteration_bounds = array<i64: 4>, scalar_prefetch = 0 : i64, scratch_operands = 0 : i64, tpu.core_type = #tpu.core_type<tc>, window_params = [{transform_indices = @transform_0, window_bounds = array<i64: 1, 1000, 64>}, {transform_indices = @transform_1, window_bounds = array<i64: 1, 64, 128>}, {transform_indices = @transform_2, window_bounds = array<i64: 1, 1000, 128>}]} {
    %get3A = arith.constant 0 : index
    %get3A_0 = arith.constant 0 : index
    %get3A_1 = arith.constant 0 : index
    %get3A_2 = vector.load %arg1[%get3A, %get3A_0, %get3A_1] : memref<1x1000x64xf32, #tpu.memory_space<vmem>>, vector<1x1000x64xf32>
    %get3A_3 = vector.shape_cast %get3A_2 : vector<1x1000x64xf32> to vector<1000x64xf32>
    %get3A_4 = arith.constant 0 : index
    %get3A_5 = arith.constant 0 : index
    %get3A_6 = arith.constant 0 : index
    %get3A_7 = vector.load %arg2[%get3A_4, %get3A_5, %get3A_6] : memref<1x64x128xf32, #tpu.memory_space<vmem>>, vector<1x64x128xf32>
    %get3A_8 = vector.shape_cast %get3A_7 : vector<1x64x128xf32> to vector<64x128xf32>
    %dot_general3A = arith.constant dense<0.000000e+00> : vector<1000x128xf32>
    %dot_general3A_9 = tpu.matmul %get3A_3, %get3A_8, %dot_general3A {dimension_numbers = #tpu.dot_dimension_numbers<[1], [0], [0], [1], [0, 0, 1, 1], [], []>, transpose_lhs_hint = false} : vector<1000x64xf32>, vector<64x128xf32>, vector<1000x128xf32> -> vector<1000x128xf32>
    %swap3A = arith.constant 0 : index
    %swap3A_10 = arith.constant 0 : index
    %swap3A_11 = arith.constant 0 : index
    %swap3A_12 = vector.load %arg3[%swap3A, %swap3A_10, %swap3A_11] : memref<1x1000x128xf32, #tpu.memory_space<vmem>>, vector<1x1000x128xf32>
    %swap3A_13 = vector.shape_cast %swap3A_12 : vector<1x1000x128xf32> to vector<1000x128xf32>
    %swap3A_14 = vector.shape_cast %dot_general3A_9 : vector<1000x128xf32> to vector<1x1000x128xf32>
    tpu.vector_store %arg3[%swap3A, %swap3A_10, %swap3A_11], %swap3A_14 {strides = array<i32>} : memref<1x1000x128xf32, #tpu.memory_space<vmem>>, vector<1x1000x128xf32>,
    return
  }
  func.func @transform_0(%arg0: i32) -> (i32, i32, i32) {
    %c0_i32 = arith.constant 0 : i32
    %c0_i32_0 = arith.constant 0 : i32
    %c0_i32_1 = arith.constant 0 : i32
    return %arg0, %c0_i32, %c0_i32_0 : i32, i32, i32
  }
  func.func @transform_1(%arg0: i32) -> (i32, i32, i32) {
    %c0_i32 = arith.constant 0 : i32
    %c0_i32_0 = arith.constant 0 : i32
    %c0_i32_1 = arith.constant 0 : i32
    return %arg0, %c0_i32, %c0_i32_0 : i32, i32, i32
  }
  func.func @transform_2(%arg0: i32) -> (i32, i32, i32) {
    %c0_i32 = arith.constant 0 : i32
    %c0_i32_0 = arith.constant 0 : i32
    %c0_i32_1 = arith.constant 0 : i32
    return %arg0, %c0_i32, %c0_i32_0 : i32, i32, i32
  }
}

module attributes {stable_mosaic.version = 14 : i64} {
  func.func @_k1_dense(%arg0: i32, %arg1: memref<1000x128xf32, #tpu.memory_space<vmem>>, %arg2: memref<128x128xf32, #tpu.memory_space<vmem>>, %arg3: memref<1x128xf32, #tpu.memory_space<vmem>>, %arg4: memref<1000x128xf32, #tpu.memory_space<vmem>>) attributes {dimension_semantics = [#tpu.dimension_semantics<arbitrary>], iteration_bounds = array<i64: 10>, scalar_prefetch = 0 : i64, scratch_operands = 0 : i64, tpu.core_type = #tpu.core_type<tc>, window_params = [{transform_indices = @transform_0, window_bounds = array<i64: 1000, 128>}, {pipeline_mode = #tpu.pipeline_mode<synchronous>, transform_indices = @transform_1, window_bounds = array<i64: 128, 128>}, {pipeline_mode = #tpu.pipeline_mode<synchronous>, transform_indices = @transform_2, window_bounds = array<i64: 1, 128>}, {transform_indices = @transform_3, window_bounds = array<i64: 1000, 128>}]} {
    %get3A = arith.constant 0 : index
    %get3A_0 = arith.constant 0 : index
    %get3A_1 = vector.load %arg1[%get3A, %get3A_0] : memref<1000x128xf32, #tpu.memory_space<vmem>>, vector<1000x128xf32>
    %get3A_2 = arith.constant 0 : index
    %get3A_3 = arith.constant 0 : index
    %get3A_4 = vector.load %arg2[%get3A_2, %get3A_3] : memref<128x128xf32, #tpu.memory_space<vmem>>, vector<128x128xf32>
    %dot_general3A = arith.constant dense<0.000000e+00> : vector<1000x128xf32>
    %dot_general3A_5 = tpu.matmul %get3A_1, %get3A_4, %dot_general3A {dimension_numbers = #tpu.dot_dimension_numbers<[1], [0], [0], [1], [0, 0, 1, 1], [], []>, transpose_lhs_hint = false} : vector<1000x128xf32>, vector<128x128xf32>, vector<1000x128xf32> -> vector<1000x128xf32>
    %get3A_6 = arith.constant 0 : index
    %get3A_7 = arith.constant 0 : index
    %get3A_8 = vector.load %arg3[%get3A_6, %get3A_7] : memref<1x128xf32, #tpu.memory_space<vmem>>, vector<1x128xf32>
    %add3A = vector.broadcast %get3A_8 : vector<1x128xf32> to vector<1000x128xf32>
    %add3A_9 = arith.addf %dot_general3A_5, %add3A : vector<1000x128xf32>
    %swap3A = arith.constant 0 : index
    %swap3A_10 = arith.constant 0 : index
    %swap3A_11 = vector.load %arg4[%swap3A, %swap3A_10] : memref<1000x128xf32, #tpu.memory_space<vmem>>, vector<1000x128xf32>
    tpu.vector_store %arg4[%swap3A, %swap3A_10], %add3A_9 {strides = array<i32>} : memref<1000x128xf32, #tpu.memory_space<vmem>>, vector<1000x128xf32>,
    return
  }
  func.func @transform_0(%arg0: i32) -> (i32, i32) {
    %c0_i32 = arith.constant 0 : i32
    %c0_i32_0 = arith.constant 0 : i32
    return %arg0, %c0_i32 : i32, i32
  }
  func.func @transform_1(%arg0: i32) -> (i32, i32) {
    %c0_i32 = arith.constant 0 : i32
    %c0_i32_0 = arith.constant 0 : i32
    %c0_i32_1 = arith.constant 0 : i32
    return %c0_i32, %c0_i32_0 : i32, i32
  }
  func.func @transform_2(%arg0: i32) -> (i32, i32) {
    %c0_i32 = arith.constant 0 : i32
    %c0_i32_0 = arith.constant 0 : i32
    %c0_i32_1 = arith.constant 0 : i32
    return %c0_i32, %c0_i32_0 : i32, i32
  }
  func.func @transform_3(%arg0: i32) -> (i32, i32) {
    %c0_i32 = arith.constant 0 : i32
    %c0_i32_0 = arith.constant 0 : i32
    return %arg0, %c0_i32 : i32, i32
  }
}

module attributes {stable_mosaic.version = 14 : i64} {
  func.func @_k4_body(%arg0: i32, %arg1: memref<1000x128xf32, #tpu.memory_space<vmem>>, %arg2: memref<2x1000x128xf32, #tpu.memory_space<vmem>>, %arg3: memref<2x1000x16xf32, #tpu.memory_space<vmem>>, %arg4: memref<128x16xf32, #tpu.memory_space<vmem>>, %arg5: memref<1x16xf32, #tpu.memory_space<vmem>>, %arg6: memref<1000x16xf32, #tpu.memory_space<vmem>>) attributes {dimension_semantics = [#tpu.dimension_semantics<arbitrary>], iteration_bounds = array<i64: 10>, scalar_prefetch = 0 : i64, scratch_operands = 0 : i64, tpu.core_type = #tpu.core_type<tc>, window_params = [{transform_indices = @transform_0, window_bounds = array<i64: 1000, 128>}, {transform_indices = @transform_1, window_bounds = array<i64: 2, 1000, 128>}, {transform_indices = @transform_2, window_bounds = array<i64: 2, 1000, 16>}, {pipeline_mode = #tpu.pipeline_mode<synchronous>, transform_indices = @transform_3, window_bounds = array<i64: 128, 16>}, {pipeline_mode = #tpu.pipeline_mode<synchronous>, transform_indices = @transform_4, window_bounds = array<i64: 1, 16>}, {transform_indices = @transform_5, window_bounds = array<i64: 1000, 16>}]} {
    %get3A = arith.constant 0 : index
    %get3A_0 = arith.constant 0 : index
    %get3A_1 = arith.constant 0 : index
    %get3A_2 = vector.load %arg3[%get3A, %get3A_0, %get3A_1] : memref<2x1000x16xf32, #tpu.memory_space<vmem>>, vector<1x1000x1xf32>
    %get3A_3 = vector.shape_cast %get3A_2 : vector<1x1000x1xf32> to vector<1000x1xf32>
    %get3A_4 = arith.constant 1 : index
    %get3A_5 = arith.constant 0 : index
    %get3A_6 = arith.constant 0 : index
    %get3A_7 = vector.load %arg3[%get3A_4, %get3A_5, %get3A_6] : memref<2x1000x16xf32, #tpu.memory_space<vmem>>, vector<1x1000x1xf32>
    %get3A_8 = vector.shape_cast %get3A_7 : vector<1x1000x1xf32> to vector<1000x1xf32>
    %add3A = arith.addf %get3A_3, %get3A_8 : vector<1000x1xf32>
    %add3A_9 = arith.constant 1.000000e+00 : f32
    %add3A_10 = vector.broadcast %add3A_9 : f32 to vector<1000x1xf32>
    %add3A_11 = arith.addf %add3A, %add3A_10 : vector<1000x1xf32>
    %get3A_12 = arith.constant 0 : index
    %get3A_13 = arith.constant 0 : index
    %get3A_14 = vector.load %arg1[%get3A_12, %get3A_13] : memref<1000x128xf32, #tpu.memory_space<vmem>>, vector<1000x128xf32>
    %get3A_15 = arith.constant 0 : index
    %get3A_16 = arith.constant 0 : index
    %get3A_17 = arith.constant 0 : index
    %get3A_18 = vector.load %arg2[%get3A_15, %get3A_16, %get3A_17] : memref<2x1000x128xf32, #tpu.memory_space<vmem>>, vector<1x1000x128xf32>
    %get3A_19 = vector.shape_cast %get3A_18 : vector<1x1000x128xf32> to vector<1000x128xf32>
    %add3A_20 = arith.addf %get3A_14, %get3A_19 : vector<1000x128xf32>
    %get3A_21 = arith.constant 1 : index
    %get3A_22 = arith.constant 0 : index
    %get3A_23 = arith.constant 0 : index
    %get3A_24 = vector.load %arg2[%get3A_21, %get3A_22, %get3A_23] : memref<2x1000x128xf32, #tpu.memory_space<vmem>>, vector<1x1000x128xf32>
    %get3A_25 = vector.shape_cast %get3A_24 : vector<1x1000x128xf32> to vector<1000x128xf32>
    %add3A_26 = arith.addf %add3A_20, %get3A_25 : vector<1000x128xf32>
    %div3A = vector.broadcast %add3A_11 : vector<1000x1xf32> to vector<1000x128xf32>
    %div3A_27 = arith.divf %add3A_26, %div3A : vector<1000x128xf32>
    %max3A = arith.constant 0.000000e+00 : f32
    %max3A_28 = vector.broadcast %max3A : f32 to vector<1000x128xf32>
    %max3A_29 = arith.maximumf %div3A_27, %max3A_28 : vector<1000x128xf32>
    %get3A_30 = arith.constant 0 : index
    %get3A_31 = arith.constant 0 : index
    %get3A_32 = vector.load %arg4[%get3A_30, %get3A_31] : memref<128x16xf32, #tpu.memory_space<vmem>>, vector<128x16xf32>
    %dot_general3A = arith.constant dense<0.000000e+00> : vector<1000x16xf32>
    %dot_general3A_33 = tpu.matmul %max3A_29, %get3A_32, %dot_general3A {dimension_numbers = #tpu.dot_dimension_numbers<[1], [0], [0], [1], [0, 0, 1, 1], [], []>, transpose_lhs_hint = false} : vector<1000x128xf32>, vector<128x16xf32>, vector<1000x16xf32> -> vector<1000x16xf32>
    %get3A_34 = arith.constant 0 : index
    %get3A_35 = arith.constant 0 : index
    %get3A_36 = vector.load %arg5[%get3A_34, %get3A_35] : memref<1x16xf32, #tpu.memory_space<vmem>>, vector<1x16xf32>
    %add3A_37 = vector.broadcast %get3A_36 : vector<1x16xf32> to vector<1000x16xf32>
    %add3A_38 = arith.addf %dot_general3A_33, %add3A_37 : vector<1000x16xf32>
    %swap3A = arith.constant 0 : index
    %swap3A_39 = arith.constant 0 : index
    %swap3A_40 = vector.load %arg6[%swap3A, %swap3A_39] : memref<1000x16xf32, #tpu.memory_space<vmem>>, vector<1000x16xf32>
    tpu.vector_store %arg6[%swap3A, %swap3A_39], %add3A_38 {strides = array<i32>} : memref<1000x16xf32, #tpu.memory_space<vmem>>, vector<1000x16xf32>,
    return
  }
  func.func @transform_0(%arg0: i32) -> (i32, i32) {
    %c0_i32 = arith.constant 0 : i32
    %c0_i32_0 = arith.constant 0 : i32
    return %arg0, %c0_i32 : i32, i32
  }
  func.func @transform_1(%arg0: i32) -> (i32, i32, i32) {
    %c0_i32 = arith.constant 0 : i32
    %c0_i32_0 = arith.constant 0 : i32
    %c0_i32_1 = arith.constant 0 : i32
    return %c0_i32, %arg0, %c0_i32_0 : i32, i32, i32
  }
  func.func @transform_2(%arg0: i32) -> (i32, i32, i32) {
    %c0_i32 = arith.constant 0 : i32
    %c0_i32_0 = arith.constant 0 : i32
    %c0_i32_1 = arith.constant 0 : i32
    return %c0_i32, %arg0, %c0_i32_0 : i32, i32, i32
  }
  func.func @transform_3(%arg0: i32) -> (i32, i32) {
    %c0_i32 = arith.constant 0 : i32
    %c0_i32_0 = arith.constant 0 : i32
    %c0_i32_1 = arith.constant 0 : i32
    return %c0_i32, %c0_i32_0 : i32, i32
  }
  func.func @transform_4(%arg0: i32) -> (i32, i32) {
    %c0_i32 = arith.constant 0 : i32
    %c0_i32_0 = arith.constant 0 : i32
    %c0_i32_1 = arith.constant 0 : i32
    return %c0_i32, %c0_i32_0 : i32, i32
  }
  func.func @transform_5(%arg0: i32) -> (i32, i32) {
    %c0_i32 = arith.constant 0 : i32
    %c0_i32_0 = arith.constant 0 : i32
    return %arg0, %c0_i32 : i32, i32
  }
}

module attributes {stable_mosaic.version = 14 : i64} {
  func.func @_k6_body(%arg0: memref<10000x16xf32, #tpu.memory_space<vmem>>, %arg1: memref<2x10000x16xf32, #tpu.memory_space<vmem>>, %arg2: memref<2x10000x16xf32, #tpu.memory_space<vmem>>, %arg3: memref<10000x1xf32, #tpu.memory_space<vmem>>, %arg4: memref<16x24xf32, #tpu.memory_space<vmem>>, %arg5: memref<1x24xf32, #tpu.memory_space<vmem>>, %arg6: memref<24x24xf32, #tpu.memory_space<vmem>>, %arg7: memref<1x24xf32, #tpu.memory_space<vmem>>, %arg8: memref<24x1xf32, #tpu.memory_space<vmem>>, %arg9: memref<1x1xf32, #tpu.memory_space<vmem>>, %arg10: memref<10000x1xf32, #tpu.memory_space<vmem>>) attributes {dimension_semantics = [], scalar_prefetch = 0 : i64, scratch_operands = 0 : i64, tpu.core_type = #tpu.core_type<tc>} {
    %get3A = arith.constant 0 : index
    %get3A_0 = arith.constant 0 : index
    %get3A_1 = arith.constant 0 : index
    %get3A_2 = vector.load %arg2[%get3A, %get3A_0, %get3A_1] : memref<2x10000x16xf32, #tpu.memory_space<vmem>>, vector<1x10000x1xf32>
    %get3A_3 = vector.shape_cast %get3A_2 : vector<1x10000x1xf32> to vector<10000x1xf32>
    %get3A_4 = arith.constant 1 : index
    %get3A_5 = arith.constant 0 : index
    %get3A_6 = arith.constant 0 : index
    %get3A_7 = vector.load %arg2[%get3A_4, %get3A_5, %get3A_6] : memref<2x10000x16xf32, #tpu.memory_space<vmem>>, vector<1x10000x1xf32>
    %get3A_8 = vector.shape_cast %get3A_7 : vector<1x10000x1xf32> to vector<10000x1xf32>
    %add3A = arith.addf %get3A_3, %get3A_8 : vector<10000x1xf32>
    %add3A_9 = arith.constant 1.000000e+00 : f32
    %add3A_10 = vector.broadcast %add3A_9 : f32 to vector<10000x1xf32>
    %add3A_11 = arith.addf %add3A, %add3A_10 : vector<10000x1xf32>
    %get3A_12 = arith.constant 0 : index
    %get3A_13 = arith.constant 0 : index
    %get3A_14 = vector.load %arg0[%get3A_12, %get3A_13] : memref<10000x16xf32, #tpu.memory_space<vmem>>, vector<10000x16xf32>
    %get3A_15 = arith.constant 0 : index
    %get3A_16 = arith.constant 0 : index
    %get3A_17 = arith.constant 0 : index
    %get3A_18 = vector.load %arg1[%get3A_15, %get3A_16, %get3A_17] : memref<2x10000x16xf32, #tpu.memory_space<vmem>>, vector<1x10000x16xf32>
    %get3A_19 = vector.shape_cast %get3A_18 : vector<1x10000x16xf32> to vector<10000x16xf32>
    %add3A_20 = arith.addf %get3A_14, %get3A_19 : vector<10000x16xf32>
    %get3A_21 = arith.constant 1 : index
    %get3A_22 = arith.constant 0 : index
    %get3A_23 = arith.constant 0 : index
    %get3A_24 = vector.load %arg1[%get3A_21, %get3A_22, %get3A_23] : memref<2x10000x16xf32, #tpu.memory_space<vmem>>, vector<1x10000x16xf32>
    %get3A_25 = vector.shape_cast %get3A_24 : vector<1x10000x16xf32> to vector<10000x16xf32>
    %add3A_26 = arith.addf %add3A_20, %get3A_25 : vector<10000x16xf32>
    %div3A = vector.broadcast %add3A_11 : vector<10000x1xf32> to vector<10000x16xf32>
    %div3A_27 = arith.divf %add3A_26, %div3A : vector<10000x16xf32>
    %get3A_28 = arith.constant 0 : index
    %get3A_29 = arith.constant 0 : index
    %get3A_30 = vector.load %arg4[%get3A_28, %get3A_29] : memref<16x24xf32, #tpu.memory_space<vmem>>, vector<16x24xf32>
    %dot_general3A = arith.constant dense<0.000000e+00> : vector<10000x24xf32>
    %dot_general3A_31 = tpu.matmul %div3A_27, %get3A_30, %dot_general3A {dimension_numbers = #tpu.dot_dimension_numbers<[1], [0], [0], [1], [0, 0, 1, 1], [], []>, transpose_lhs_hint = false} : vector<10000x16xf32>, vector<16x24xf32>, vector<10000x24xf32> -> vector<10000x24xf32>
    %get3A_32 = arith.constant 0 : index
    %get3A_33 = arith.constant 0 : index
    %get3A_34 = vector.load %arg5[%get3A_32, %get3A_33] : memref<1x24xf32, #tpu.memory_space<vmem>>, vector<1x24xf32>
    %add3A_35 = vector.broadcast %get3A_34 : vector<1x24xf32> to vector<10000x24xf32>
    %add3A_36 = arith.addf %dot_general3A_31, %add3A_35 : vector<10000x24xf32>
    %max3A = arith.constant 0.000000e+00 : f32
    %max3A_37 = vector.broadcast %max3A : f32 to vector<10000x24xf32>
    %max3A_38 = arith.maximumf %add3A_36, %max3A_37 : vector<10000x24xf32>
    %get3A_39 = arith.constant 0 : index
    %get3A_40 = arith.constant 0 : index
    %get3A_41 = vector.load %arg6[%get3A_39, %get3A_40] : memref<24x24xf32, #tpu.memory_space<vmem>>, vector<24x24xf32>
    %dot_general3A_42 = arith.constant dense<0.000000e+00> : vector<10000x24xf32>
    %dot_general3A_43 = tpu.matmul %max3A_38, %get3A_41, %dot_general3A_42 {dimension_numbers = #tpu.dot_dimension_numbers<[1], [0], [0], [1], [0, 0, 1, 1], [], []>, transpose_lhs_hint = false} : vector<10000x24xf32>, vector<24x24xf32>, vector<10000x24xf32> -> vector<10000x24xf32>
    %get3A_44 = arith.constant 0 : index
    %get3A_45 = arith.constant 0 : index
    %get3A_46 = vector.load %arg7[%get3A_44, %get3A_45] : memref<1x24xf32, #tpu.memory_space<vmem>>, vector<1x24xf32>
    %add3A_47 = vector.broadcast %get3A_46 : vector<1x24xf32> to vector<10000x24xf32>
    %add3A_48 = arith.addf %dot_general3A_43, %add3A_47 : vector<10000x24xf32>
    %max3A_49 = arith.constant 0.000000e+00 : f32
    %max3A_50 = vector.broadcast %max3A_49 : f32 to vector<10000x24xf32>
    %max3A_51 = arith.maximumf %add3A_48, %max3A_50 : vector<10000x24xf32>
    %get3A_52 = arith.constant 0 : index
    %get3A_53 = arith.constant 0 : index
    %get3A_54 = vector.load %arg8[%get3A_52, %get3A_53] : memref<24x1xf32, #tpu.memory_space<vmem>>, vector<24x1xf32>
    %dot_general3A_55 = arith.constant dense<0.000000e+00> : vector<10000x1xf32>
    %dot_general3A_56 = tpu.matmul %max3A_51, %get3A_54, %dot_general3A_55 {dimension_numbers = #tpu.dot_dimension_numbers<[1], [0], [0], [1], [0, 0, 1, 1], [], []>, transpose_lhs_hint = false} : vector<10000x24xf32>, vector<24x1xf32>, vector<10000x1xf32> -> vector<10000x1xf32>
    %get3A_57 = arith.constant 0 : index
    %get3A_58 = arith.constant 0 : index
    %get3A_59 = vector.load %arg9[%get3A_57, %get3A_58] : memref<1x1xf32, #tpu.memory_space<vmem>>, vector<1x1xf32>
    %add3A_60 = vector.broadcast %get3A_59 : vector<1x1xf32> to vector<10000x1xf32>
    %add3A_61 = arith.addf %dot_general3A_56, %add3A_60 : vector<10000x1xf32>
    %get3A_62 = arith.constant 0 : index
    %get3A_63 = arith.constant 0 : index
    %get3A_64 = vector.load %arg3[%get3A_62, %get3A_63] : memref<10000x1xf32, #tpu.memory_space<vmem>>, vector<10000x1xf32>
    %gt3A = arith.constant 5.000000e-01 : f32
    %gt3A_65 = vector.broadcast %gt3A : f32 to vector<10000x1xf32>
    %gt3A_66 = arith.cmpf ogt, %get3A_64, %gt3A_65 : vector<10000x1xf32>
    %jit3A = arith.constant 0xFF800000 : f32
    %broadcast_in_dim3A = vector.broadcast %jit3A : f32 to vector<10000x1xf32>
    %select_n3A = arith.select %gt3A_66, %add3A_61, %broadcast_in_dim3A : vector<10000x1xi1>, vector<10000x1xf32>
    %reduce_max3A = vector.shape_cast %select_n3A : vector<10000x1xf32> to vector<1x10000x1xf32>
    %reduce_max3A_67 = arith.constant dense<0xFF800000> : vector<1xf32>
    %reduce_max3A_68 = vector.multi_reduction <maximumf>, %reduce_max3A, %reduce_max3A_67 [1, 2] : vector<1x10000x1xf32> to vector<1xf32>
    %reduce_max3A_69 = vector.shape_cast %reduce_max3A_68 : vector<1xf32> to vector<1x1x1xf32>
    %reduce_max3A_70 = vector.extract %reduce_max3A_69[0, 0, 0] : f32 from vector<1x1x1xf32>
    %sub3A = vector.broadcast %reduce_max3A_70 : f32 to vector<10000x1xf32>
    %sub3A_71 = arith.subf %select_n3A, %sub3A : vector<10000x1xf32>
    %exp3A = math.exp %sub3A_71 : vector<10000x1xf32>
    %reduce_sum3A = vector.shape_cast %exp3A : vector<10000x1xf32> to vector<1x10000x1xf32>
    %reduce_sum3A_72 = arith.constant dense<0.000000e+00> : vector<1xf32>
    %reduce_sum3A_73 = vector.multi_reduction <add>, %reduce_sum3A, %reduce_sum3A_72 [1, 2] : vector<1x10000x1xf32> to vector<1xf32>
    %reduce_sum3A_74 = vector.shape_cast %reduce_sum3A_73 : vector<1xf32> to vector<1x1x1xf32>
    %reduce_sum3A_75 = vector.extract %reduce_sum3A_74[0, 0, 0] : f32 from vector<1x1x1xf32>
    %div3A_76 = vector.broadcast %reduce_sum3A_75 : f32 to vector<10000x1xf32>
    %div3A_77 = arith.divf %exp3A, %div3A_76 : vector<10000x1xf32>
    %swap3A = arith.constant 0 : index
    %swap3A_78 = arith.constant 0 : index
    %swap3A_79 = vector.load %arg10[%swap3A, %swap3A_78] : memref<10000x1xf32, #tpu.memory_space<vmem>>, vector<10000x1xf32>
    tpu.vector_store %arg10[%swap3A, %swap3A_78], %div3A_77 {strides = array<i32>} : memref<10000x1xf32, #tpu.memory_space<vmem>>, vector<10000x1xf32>,
    return
  }
}

</mosaic_0001>

<sc_bundles>
// kernel: kernel.12.cloned.1.call-start
scs
__scs_entry_jumppad:
0x0: {  	(pc) =	sbr.rel $0x88, $3  }
0x1: {  	(tag) =	ssettag $0x0;
	lr =	simm.s32 $0x1  }
0x2: {  	[smem:$0x3F8F] =	sst lr;
	_ =	strace $0xD0000000  }
0x3: {  	_ = 	snop  }
0x4: {  	_ = 	snop  }
0x5: {  	_ = 	snop  }
0x6: {  	_ = 	snop  }
0x7: {  	_ = 	snop  }
__scs_overlays_trampoline_lowered:
0x8: {  	[smem:$0x3F9E] =	sst s0  }
0x9: {  	[smem:$0x3F9F] =	sst s1  }
0xa: {  	[smem:$0x3FA0] =	sst s2  }
0xb: {  	[smem:$0x3FA1] =	sst s3  }
0xc: {  	[smem:$0x3FA2] =	sst s4  }
0xd: {  	[smem:$0x3FA3] =	sst s5  }
0xe: {  	[smem:$0x3FA4] =	sst s6  }
0xf: {  	[smem:$0x3FA5] =	sst s7  }
0x10: {  	[smem:$0x3FA6] =	sst s8  }
0x11: {  	[smem:$0x3FA7] =	sst s9;
	s0 =	simm.s32 @!p0 $0x0  }
0x12: {  	s1 =	sld [smem:$0x3F8D];
	s0 =	simm.s32 @p0 $0x1  }
0x13: {  	[smem:$0x3FA8] =	sst s0;
	s0 =	simm.s32 @!p1 $0x0  }
0x14: {  	s2 =	sld [smem:$0x3F8C];
	s0 =	simm.s32 @p1 $0x1  }
0x15: {  	[smem:$0x3FA9] =	sst s0;
	s0 =	simm.s32 @!p2 $0x0  }
0x16: {  	s3 =	sld [smem:$0x3FDB];
	s0 =	simm.s32 @p2 $0x1  }
0x17: {  	s4 =	simm.s32 $0x1BF5;
	[smem:$0x3FAB] =	sst s0  }
0x18: {  	s0 =	sld [smem:$0x3F8E];
	_ =	swait.ge [sflag:s4], $0x0  }
0x19: {  	s7 =	sld [smem:$0x3F8F]  }
0x1a: {  	s8 =	sadd.s32 $0xFFFFE003, lr  }
0x1b: {  	s9 =	sadd.s32 $0xFFFFFEF7, lr;
	s5 =	simm.s32 $0xFFFFFFFF;
	p2 =	slt.u32 s8, $0xFFFFF086  }
0x1c: {  	p1 =	slt.u32 s9, $0xF7A;
	s5 =	simm.s32 @!p2 $0x0  }
0x1d: {  	s5 =	simm.s32 @p1 $0x1;
	p0 =	seq.s32 s7, s2  }
0x1e: {  	s7 =	smul.u32 @!p0 $0xF7A, s2;
	p2 =	seq.s32 @!p0 s5, $0x0  }
0x1f: {  	s9 =	smul.u32 $0xF7A, s1;
	s8 =	simm.s32 @!p0 $0x1BF5;
	p2 =	por !p2, p0  }
0x20: {  	[sflag:s8] =	ssyncset.s32 @!p0 $0xFFFFF086;
	s6 =	sadd.s32 @!p0 s3, s7;
	s7 =	simm.s32 @!p0 $0x108  }
0x21: {  	s3 =	sadd.s32 s3, s9;
	s6 =	sadd.s32 @!p0 $0x88, s6;
	s7 =	simm.s32 @p2 $0x1082  }
0x22: {  	[simem:s7], [sflag:s8] =	dma.local @!p0 [hbm:s6], $0xF7A  }
0x23: {  	s9 =	sor.u32 $0xD0000000, s2;
	s6 =	simm.s32 $0x108;
	_ =	swait.ge @!p0 [sflag:s8], $0x0  }
0x24: {  	s3 =	sadd.s32 $0x88, s3;
	s6 =	simm.s32 @!p1 $0x1082;
	[sflag:s4] =	ssyncset.s32 $0xFFFFF086  }
0x25: {  	[simem:s6], [sflag:s4] =	dma.local [hbm:s3], $0xF7A  }
0x26: {  	[smem:$0x3F8F] =	sst s1;
	(tag) =	ssettag s2;
	_ =	strace s9  }
0x27: {  	s1 =	sld [smem:$0x3F9F]  }
0x28: {  	s2 =	sld [smem:$0x3FA0]  }
0x29: {  	s4 =	sld [smem:$0x3FA2]  }
0x2a: {  	p0 =	seq.s32 s5, $0x0;
	s5 =	sld [smem:$0x3FA3]  }
0x2b: {  	s6 =	sld [smem:$0x3FA4]  }
0x2c: {  	s7 =	sld [smem:$0x3FA5]  }
0x2d: {  	s3 =	simm.s32 $0x108;
	s8 =	sld [smem:$0x3FA6]  }
0x2e: {  	s3 =	simm.s32 @!p0 $0x1082;
	s9 =	sld [smem:$0x3FA7]  }
0x2f: {  	lr =	sadd.s32 s0, s3;
	s0 =	sld [smem:$0x3F9E]  }
0x30: {  	s3 =	sld [smem:$0x3FA1]  }
0x31: {  	[smem:$0x3FAA] =	sst s10  }
0x32: {  	s10 =	sld [smem:$0x3FA8];
	_ =	sdelay $0x3  }
0x33: {  	p0 =	seq.s32 s10, $0x1;
	s10 =	sld [smem:$0x3FAA];
	_ =	sdelay $0x3  }
0x34: {  	[smem:$0x3FAA] =	sst s10  }
0x35: {  	s10 =	sld [smem:$0x3FA9];
	_ =	sdelay $0x3  }
0x36: {  	p1 =	seq.s32 s10, $0x1;
	s10 =	sld [smem:$0x3FAA];
	_ =	sdelay $0x3  }
0x37: {  	[smem:$0x3FAA] =	sst s10  }
0x38: {  	s10 =	sld [smem:$0x3FAB]  }
0x39: {  	_ = 	snop;
	(pc) =	sbr.ind lr, $3  }
0x3a: {  	_ = 	snop  }
0x3b: {  	_ = 	snop  }
0x3c: {  	p2 =	seq.s32 s10, $0x1;
	s10 =	sld [smem:$0x3FAA]  }
0x3d: {  	_ =	shalt  }
0x3e: {  	_ =	shalt  }
0x3f: {  	_ =	shalt  }
0x40: {  	_ =	shalt  }
0x41: {  	_ =	shalt  }
0x42: {  	_ =	shalt  }
0x43: {  	_ =	shalt  }
0x44: {  	_ =	shalt  }
0x45: {  	_ =	shalt  }
0x46: {  	_ =	shalt  }
0x47: {  	_ =	shalt  }
0x48: {  	_ =	shalt  }
0x49: {  	_ =	shalt  }
0x4a: {  	_ =	shalt  }
0x4b: {  	_ =	shalt  }
0x4c: {  	_ =	shalt  }
0x4d: {  	_ =	shalt  }
0x4e: {  	_ =	shalt  }
0x4f: {  	_ =	shalt  }
0x50: {  	_ =	shalt  }
0x51: {  	_ =	shalt  }
0x52: {  	_ =	shalt  }
0x53: {  	_ =	shalt  }
0x54: {  	_ =	shalt  }
0x55: {  	_ =	shalt  }
0x56: {  	_ =	shalt  }
0x57: {  	_ =	shalt  }
0x58: {  	_ =	shalt  }
0x59: {  	_ =	shalt  }
0x5a: {  	_ =	shalt  }
0x5b: {  	_ =	shalt  }
0x5c: {  	_ =	shalt  }
0x5d: {  	_ =	shalt  }
0x5e: {  	_ =	shalt  }
0x5f: {  	_ =	shalt  }
0x60: {  	_ =	shalt  }
0x61: {  	_ =	shalt  }
0x62: {  	_ =	shalt  }
0x63: {  	_ =	shalt  }
0x64: {  	_ =	shalt  }
0x65: {  	_ =	shalt  }
0x66: {  	_ =	shalt  }
0x67: {  	_ =	shalt  }
0x68: {  	_ =	shalt  }
0x69: {  	_ =	shalt  }
0x6a: {  	_ =	shalt  }
0x6b: {  	_ =	shalt  }
0x6c: {  	_ =	shalt  }
0x6d: {  	_ =	shalt  }
0x6e: {  	_ =	shalt  }
0x6f: {  	_ =	shalt  }
0x70: {  	_ =	shalt  }
0x71: {  	_ =	shalt  }
0x72: {  	_ =	shalt  }
0x73: {  	_ =	shalt  }
0x74: {  	_ =	shalt  }
0x75: {  	_ =	shalt  }
0x76: {  	_ =	shalt  }
0x77: {  	_ =	shalt  }
0x78: {  	_ =	shalt  }
0x79: {  	_ =	shalt  }
0x7a: {  	_ =	shalt  }
0x7b: {  	_ =	shalt  }
0x7c: {  	_ =	shalt  }
0x7d: {  	_ =	shalt  }
0x7e: {  	_ =	shalt  }
0x7f: {  	_ =	shalt  }
0x80: {  	_ =	shalt  }
0x81: {  	_ =	shalt  }
0x82: {  	_ =	shalt  }
0x83: {  	_ =	shalt  }
0x84: {  	_ =	shalt  }
0x85: {  	_ =	shalt  }
0x86: {  	_ =	shalt  }
0x87: {  	_ =	shalt  }
.Lfunc_end0:
.L_simem_size_0:
called_computation.1_lowered:
.L_overlay_start_0:
0x88: {  	s2 =	sld [smem:$0x3FD9]  }
0x89: {  	s3 =	sld [smem:$0x3FFE];
	_ =	sdelay $0x1  }
0x8a: {  	s1 =	srdreg.scid  }
0x8b: {  	s0 =	sand.u32 $0x1, s1  }
0x8c: {  	s16 =	sshll.u32 s0, $0xA;
	s2 =	sadd.s32 s3, s2  }
0x8d: {  	s2 =	sadd.s32 s2, s16  }
0x8e: {  	[smem:$0x3FB6] =	sst s2  }
0x8f: {  	_ = 	snop  }
0x90: {  	(tm) =	ssettm $0x1  }
0x91: {  	s17 =	sld [smem:$0x3FFB];
	_ =	sdelay $0x3  }
0x92: {  	_ =	strace s17  }
0x93: {  	s2 =	sld [smem:$0x3FFC];
	_ =	sdelay $0x3  }
0x94: {  	_ =	strace s2  }
0x95: {  	s2 =	sld [smem:$0x3FFD];
	_ =	sdelay $0x3  }
0x96: {  	_ =	strace s2  }
0x97: {  	_ =	strace $0x8FFFFFFF  }
0x98: {  	s18 =	sld [smem:$0x3FDB];
	_ =	sdelay $0x1  }
0x99: {  	s19 =	simm.s32 $_scs_section_size  }
0x9a: {  	s4 =	simm.s32 $_size__tile_overlayer_lowered;
	s5 =	simm.s32 $_tile_overlayer_lowered  }
0x9b: {  	s22 =	simm.s32 $0x1BFF;
	s21 =	sshll.u32 s5, $0x1;
	s2 =	sadd.s32 s19, s18  }
0x9c: {  	s6 =	simm.s32 $0x0;
	s20 =	sshll.u32 s4, $0x1;
	s4 =	sadd.s32 s21, s2  }
0x9d: {  	[timem:s6], [sflag:s22] =	dma.local [hbm:s4], s20  }
0x9e: {  	_ =	swait.ge [sflag:s22], s20  }
0x9f: {  	s3 =	ssub.s32 $0x0, s20;
	[sflag:s22] =	ssyncset.done $0x0  }
0xa0: {  	[sflag:s22] =	ssyncadd.s32 s3;
	_ =	sdelay $0x1  }
0xa1: {  	s23 =	simm.s32 $0x1B8B  }
0xa2: {  	_ =	swait.ge [sflag:s23], $0x1  }
0xa3: {  	[sflag:s23] =	ssyncset.done $0x0  }
0xa4: {  	s25 =	simm.s32 $0x1B8E;
	s24 =	sld [smem:$0x3FFE];
	[sflag:s23] =	ssyncadd.s32 $0xFFFFFFFF  }
0xa5: {  	s26 =	simm.s32 $execute0_lowered;
	[smem:$0x3FD2] =	sst s25  }
0xa6: {  	s4 =	sshll.u32 s26, $0x1;
	_ =	strace $0x80000049;
	[dreg:$0x1] =	wrdreg $0xFFFFFFFF  }
0xa7: {  	s28 =	simm.s32 $_size_execute0_lowered;
	s2 =	sadd.s32 s2, s4;
	[dreg:$0x0] =	wrdreg $0x0  }
0xa8: {  	s4 =	sshll.u32 s28, $0x1;
	[dreg:$0x2] =	wrdreg s2  }
0xa9: {  	[dreg:$0x3] =	wrdreg s4  }
0xaa: {  	[dreg:$0x4] =	wrdreg $0xC0  }
0xab: {  	_ =	task [dreg:s6], $0x5FFFF  }
0xac: {  	[dreg:$0x1] =	wrdreg $0xFFFFFFFF  }
0xad: {  	[dreg:$0x0] =	wrdreg $0x60  }
0xae: {  	[dreg:$0x2] =	wrdreg s24  }
0xaf: {  	[dreg:$0x3] =	wrdreg $0x5FA00  }
0xb0: {  	[dreg:$0x4] =	wrdreg $0x9  }
0xb1: {  	_ =	task.clear_ibuf [dreg:s6], $0x5FFFF;
	_ =	strace $0x90000049  }
0xb2: {  	s29 =	simm.s32 $0x9;
	_ =	strace $0x8000004B  }
0xb3: {  	_ =	swait.ge [sflag:s29], $0x1  }
0xb4: {  	[sflag:s29] =	ssyncadd.s32 $0xFFFFFFFF  }
0xb5: {  	_ =	strace $0x9000004B  }
0xb6: {  	_ =	sfence  }
0xb7: {  	s30 =	sld [smem:$0x0];
	_ =	sdelay $0x2  }
0xb8: {  	s31 =	sshll.u32 s1, $0xD;
	s1 =	sshrl.u32 s1, $0x2  }
0xb9: {  	s3 =	sand.u32 $0x4000, s31;
	s1 =	sadd.s32 s1, s30  }
0xba: {  	s0 =	sor.u32 s3, s0;
	s1 =	sshll.u32 s1, $0x11  }
0xbb: {  	s0 =	sor.u32 s1, s0  }
0xbc: {  	s0 =	sadd.s32 $0x8F2B, s0  }
0xbd: {  	[sflag:s0] =	ssyncadd.remote.s32 $0x1  }
0xbe: {  	_ =	sfence.sel $0xFFFF  }
0xbf: {  	[dreg:$0x0] =	wrdreg $0xFFFFFFFF;
	(pc) =	sbr.abs _section_cstart, $3  }
0xc0: {  	[dreg:$0x1] =	wrdreg $0xFFFFFFFF  }
0xc1: {  	_ =	task.clear_ibuf [dreg:s6], $0x2FFFF;
	_ =	strace $0x9FFFFFFF  }
0xc2: {  	(tm) =	ssettm $0x7FFFFFFF  }
0xc3: {  	_ =	shalt  }
tec
execute0_lowered:
.L_overlay_start_1:
0x0: {  	(tag) =	ssettag $0x1  }
0x1: {  	s0 =	rddreg [dreg:$0x0]  }
0x2: {  	s1 =	rddreg [dreg:$0x1];
	s2 =	simm.s32 $0x0  }
0x3: {  	s3 =	srdreg.scid;
	s11 =	stileid.u32;
	s28 =	simm.s32 $0x3  }
0x4: {  	s29 =	simm.s32 $0xA0;
	s30 =	simm.s32 $0x2;
	s31 =	simm.s32 $0x820  }
0x5: {  	[smem:$0x7FF] =	sst s2;
	s3 =	sand.u32 $0x1, s3;
	s8 =	smul.u32 $0x50000, s11  }
0x6: {  	s4 =	sadd.s32 $0x6D000, s0;
	s5 =	sadd.s32 $0x3600, s0;
	s6 =	sadd.s32 $0xD400, s0  }
0x7: {  	s10 =	sshll.u32 s11, $0x1;
	s24 =	smul.u32 $0x13800, s11;
	p0 =	sne.s32 s11, $0xF  }
0x8: {  	s7 =	smul.u32 $0x27100, s3;
	_ =	strace $0x8000004A;
	s9 =	ssub.s32 $0x2, s3  }
0x9: {  	s3 =	sor.u32 s3, s10;
	s17 =	sshrl.u32 s8, $0x2;
	s18 =	sshrl.u32 s9, $0x1  }
0xa: {  	s15 =	smul.u32 $0x7D, s3;
	s25 =	sshrl.u32 s24, $0x3;
	s26 =	sadd.s32 s24, s1  }
0xb: {  	s3 =	simm.s32 $0xF50;
	s0 =	sadd.s32 s7, s0;
	s7 =	sadd.s32 s17, s1  }
0xc: {  	s8 =	ssub.s32 s9, s18;
	s9 =	sadd.s32 $0x138000, s1;
	s18 =	simm.s32 $0xFA0  }
0xd: {  	s24 =	sshrl.u32 s26, $0x3;
	s26 =	simm.s32 $0x1;
	s19 =	sadd.s32 $0x2800, s7  }
0xe: {  	s20 =	sadd.s32 $0x5000, s7;
	s21 =	sadd.s32 $0x7800, s7;
	[dreg:$0x3] =	wrdreg s19  }
0xf: {  	s22 =	sadd.s32 $0xA000, s7;
	s23 =	sadd.s32 $0xC800, s7;
	[dreg:$0x4] =	wrdreg s20  }
0x10: {  	s13 =	sadd.s32 $0xF000, s7;
	s14 =	sadd.s32 $0x11800, s7;
	[dreg:$0x5] =	wrdreg s21  }
0x11: {  	s16 =	sadd.s32 $0x94200, s0;
	s17 =	smax.u32 s8, $0x1;
	[dreg:$0x6] =	wrdreg s22  }
0x12: {  	s0 =	simm.s32 $0x4;
	s8 =	simm.s32 $0x0;
	[dreg:$0x7] =	wrdreg s23  }
0x13: {  	s19 =	simm.s32 $0x5;
	s20 =	simm.s32 $0x7D0;
	s21 =	simm.s32 $0x50  }
0x14: {  	v0 =	vimm.f32 $0.0e+00;
	s22 =	simm.s32 $0x37A0;
	s23 =	sadd.s32 s25, s16;
	s25 =	sshrl.u32 @!p0 s9, $0x3  }
.LBB2_1:
0x15: {  	s9 =	simm.s32 $0x0;
	s10 =	simm.s32 $0x200  }
.LBB2_2:
0x16: {  	p1 =	sne.s32 s10, $0x9E00;
	[tilespmem:s9+$0x1010] =	vst v0  }
0x17: {  	[tilespmem:s9+$0xFA0] =	vst v0  }
0x18: {  	[tilespmem:s9+$0xFB0] =	vst v0  }
.Ltmp0:
0x19: {  	[tilespmem:s9+$0xFC0] =	vst v0;
	(pc) =	sbr.rel @p1 .LBB2_2-.Ltmp0, $4  }
0x1a: {  	[tilespmem:s9+$0xFD0] =	vst v0  }
0x1b: {  	[tilespmem:s9+$0xFE0] =	vst v0  }
0x1c: {  	[tilespmem:s9+$0xFF0] =	vst v0  }
0x1d: {  	[tilespmem:s9+$0x1000] =	vst v0;
	s9 =	sshra.s32 s10, $0x2;
	s10 =	sadd.s32 $0x200, s10  }
0x1e: {  	[tilespmem:s9+$0x1010] =	vst v0  }
0x1f: {  	[tilespmem:s9+$0xFA0] =	vst v0  }
0x20: {  	[tilespmem:s9+$0xFB0] =	vst v0  }
0x21: {  	[tilespmem:s9+$0xFC0] =	vst v0  }
0x22: {  	[tilespmem:s9+$0xFD0] =	vst v0  }
0x23: {  	[tilespmem:s9+$0xFE0] =	vst v0  }
0x24: {  	[tilespmem:s9+$0xFF0] =	vst v0  }
0x25: {  	[tilespmem:s9+$0x1000] =	vst v0  }
0x26: {  	[spmem:s7] =	stream.linear.scatter [tilespmem:s18], [sflag:$0x5], $0x2800, $0x38;
	[tilespmem:$0x19FA0] =	vst v63  }
0x27: {  	_ =	swait.ge [sflag:s19], $0x2800  }
0x28: {  	[sflag:s19] =	ssyncset.done $0x0  }
0x29: {  	s11 =	rddreg [dreg:$0x3];
	[sflag:s19] =	ssyncadd.s32 $0xFFFFD800  }
0x2a: {  	[spmem:s11] =	stream.linear.scatter [tilespmem:s18], [sflag:$0x5], $0x2800, $0x38;
	[tilespmem:$0x19FA0] =	vst v63  }
0x2b: {  	_ =	swait.ge [sflag:s19], $0x2800  }
0x2c: {  	[sflag:s19] =	ssyncset.done $0x0  }
0x2d: {  	s12 =	rddreg [dreg:$0x4];
	[sflag:s19] =	ssyncadd.s32 $0xFFFFD800  }
0x2e: {  	[spmem:s12] =	stream.linear.scatter [tilespmem:s18], [sflag:$0x5], $0x2800, $0x38;
	[tilespmem:$0x19FA0] =	vst v63  }
0x2f: {  	_ =	swait.ge [sflag:s19], $0x2800  }
0x30: {  	[sflag:s19] =	ssyncset.done $0x0  }
0x31: {  	s10 =	rddreg [dreg:$0x5];
	[sflag:s19] =	ssyncadd.s32 $0xFFFFD800  }
0x32: {  	[spmem:s10] =	stream.linear.scatter [tilespmem:s18], [sflag:$0x5], $0x2800, $0x38;
	[tilespmem:$0x19FA0] =	vst v63  }
0x33: {  	_ =	swait.ge [sflag:s19], $0x2800  }
0x34: {  	[sflag:s19] =	ssyncset.done $0x0  }
0x35: {  	s11 =	rddreg [dreg:$0x6];
	[sflag:s19] =	ssyncadd.s32 $0xFFFFD800  }
0x36: {  	[spmem:s11] =	stream.linear.scatter [tilespmem:s18], [sflag:$0x5], $0x2800, $0x38;
	[tilespmem:$0x19FA0] =	vst v63  }
0x37: {  	_ =	swait.ge [sflag:s19], $0x2800  }
0x38: {  	[sflag:s19] =	ssyncset.done $0x0  }
0x39: {  	s12 =	rddreg [dreg:$0x7];
	[sflag:s19] =	ssyncadd.s32 $0xFFFFD800  }
0x3a: {  	[spmem:s12] =	stream.linear.scatter [tilespmem:s18], [sflag:$0x5], $0x2800, $0x38;
	[tilespmem:$0x19FA0] =	vst v63  }
0x3b: {  	_ =	swait.ge [sflag:s19], $0x2800  }
0x3c: {  	[sflag:s19] =	ssyncset.done $0x0  }
0x3d: {  	[sflag:s19] =	ssyncadd.s32 $0xFFFFD800  }
0x3e: {  	[spmem:s13] =	stream.linear.scatter [tilespmem:s18], [sflag:$0x5], $0x2800, $0x38;
	[tilespmem:$0x19FA0] =	vst v63  }
0x3f: {  	_ =	swait.ge [sflag:s19], $0x2800  }
0x40: {  	[sflag:s19] =	ssyncset.done $0x0  }
0x41: {  	[sflag:s19] =	ssyncadd.s32 $0xFFFFD800  }
0x42: {  	[spmem:s14] =	stream.linear.scatter [tilespmem:s18], [sflag:$0x5], $0x2800, $0x38;
	[tilespmem:$0x19FA0] =	vst v63  }
0x43: {  	_ =	swait.ge [sflag:s19], $0x2800  }
0x44: {  	[sflag:s19] =	ssyncset.done $0x0  }
0x45: {  	[sflag:s19] =	ssyncadd.s32 $0xFFFFD800  }
0x46: {  	s9 =	simm.s32 $0x0;
	[bflag:$0x0] =	sbarrier.arrive $0xFFFF  }
.LBB2_4:
0x47: {  	s10 =	smul.u32 $0x19, s9;
	_ =	sdelay $0x1  }
0x48: {  	s10 =	sadd.s32 s15, s10  }
0x49: {  	s10 =	smul.u32 $0xA, s10;
	_ =	sdelay $0x1  }
0x4a: {  	s11 =	sadd.s32 s5, s10  }
0x4b: {  	[tilespmem:s2], [sflag:$0x5] =	stream.linear.gather [hbm4b:s11+s2], $0x7D0, $0x38;
	[tilespmem:$0x19FA0] =	vst v63  }
0x4c: {  	_ =	swait.ge [sflag:s19], $0x7D0  }
0x4d: {  	[sflag:s19] =	ssyncset.done $0x0  }
0x4e: {  	s10 =	sadd.s32 s6, s10;
	[sflag:s19] =	ssyncadd.s32 $0xFFFFF830  }
0x4f: {  	[tilespmem:s20], [sflag:$0x5] =	stream.linear.gather [hbm4b:s10+s2], $0x7D0, $0x38;
	[tilespmem:$0x19FA0] =	vst v63  }
0x50: {  	_ =	swait.ge [sflag:s19], $0x7D0  }
0x51: {  	[sflag:s19] =	ssyncset.done $0x0  }
0x52: {  	[sflag:s19] =	ssyncadd.s32 $0xFFFFF830  }
0x53: {  	[tilespmem:s18], [sflag:$0x1] =	stream.indirect.gather [hbm4b:s4+s21], $0x80, s2, s21, $0xb8;
	[tilespmem:$0x19FA0] =	vst v63  }
0x54: {  	_ = 	snop  }
0x55: {  	[tilespmem:s22], [sflag:$0x2] =	stream.indirect.gather [hbm4b:s4+s21], $0x80, s21, s21, $0xb8;
	[tilespmem:$0x19FA0] =	vst v63  }
0x56: {  	_ =	swait.ge [sflag:s26], $0x2800  }
0x57: {  	[sflag:s26] =	ssyncset.done $0x0  }
0x58: {  	[sflag:s26] =	ssyncadd.s32 $0xFFFFD800  }
0x59: {  	[spmem:s1] =	stream.indirect.scatter.add.f32 [tilespmem:s18], [sflag:$0x3], $0x80, s20, s21, $0xb8;
	[tilespmem:$0x19FA0] =	vst v63  }
0x5a: {  	_ =	swait.ge [sflag:s28], $0x2800  }
0x5b: {  	[sflag:s28] =	ssyncset.done $0x0  }
0x5c: {  	[sflag:s28] =	ssyncadd.s32 $0xFFFFD800  }
0x5d: {  	[tilespmem:s18], [sflag:$0x1] =	stream.indirect.gather [hbm4b:s4+s21], $0x80, s29, s21, $0xb8;
	[tilespmem:$0x19FA0] =	vst v63  }
0x5e: {  	_ =	swait.ge [sflag:s30], $0x2800  }
0x5f: {  	[sflag:s30] =	ssyncset.done $0x0  }
0x60: {  	[sflag:s30] =	ssyncadd.s32 $0xFFFFD800  }
0x61: {  	[spmem:s1] =	stream.indirect.scatter.add.f32 [tilespmem:s22], [sflag:$0x4], $0x80, s31, s21, $0xb8;
	[tilespmem:$0x19FA0] =	vst v63  }
0x62: {  	_ =	swait.ge [sflag:s0], $0x2800  }
0x63: {  	[sflag:s0] =	ssyncset.done $0x0  }
0x64: {  	s12 =	simm.s32 $0xF0;
	[sflag:s0] =	ssyncadd.s32 $0xFFFFD800  }
0x65: {  	[tilespmem:s22], [sflag:$0x2] =	stream.indirect.gather [hbm4b:s4+s21], $0x80, s12, s21, $0xb8;
	[tilespmem:$0x19FA0] =	vst v63  }
0x66: {  	_ =	swait.ge [sflag:s26], $0x2800  }
0x67: {  	[sflag:s26] =	ssyncset.done $0x0  }
0x68: {  	s11 =	simm.s32 $0x870;
	[sflag:s26] =	ssyncadd.s32 $0xFFFFD800  }
0x69: {  	[spmem:s1] =	stream.indirect.scatter.add.f32 [tilespmem:s18], [sflag:$0x3], $0x80, s11, s21, $0xb8;
	[tilespmem:$0x19FA0] =	vst v63  }
0x6a: {  	_ =	swait.ge [sflag:s28], $0x2800  }
0x6b: {  	[sflag:s28] =	ssyncset.done $0x0  }
0x6c: {  	s12 =	simm.s32 $0x140;
	[sflag:s28] =	ssyncadd.s32 $0xFFFFD800  }
0x6d: {  	[tilespmem:s18], [sflag:$0x1] =	stream.indirect.gather [hbm4b:s4+s21], $0x80, s12, s21, $0xb8;
	[tilespmem:$0x19FA0] =	vst v63  }
0x6e: {  	_ =	swait.ge [sflag:s30], $0x2800  }
0x6f: {  	[sflag:s30] =	ssyncset.done $0x0  }
0x70: {  	s10 =	simm.s32 $0xFFFFE700;
	s11 =	simm.s32 $0x8C0;
	[sflag:s30] =	ssyncadd.s32 $0xFFFFD800  }
.LBB2_5:
0x71: {  	[spmem:s1] =	stream.indirect.scatter.add.f32 [tilespmem:s22], [sflag:$0x4], $0x80, s11, s21, $0xb8;
	[tilespmem:$0x19FA0] =	vst v63  }
0x72: {  	s11 =	smov.u32 s10  }
0x73: {  	p1 =	sne.s32 s10, $0xFFFFFD80;
	s10 =	sadd.s32 $0x280, s10;
	_ =	swait.ge [sflag:s0], $0x2800  }
0x74: {  	s11 =	sshra.s32 s11, $0x2;
	[sflag:s0] =	ssyncset.done $0x0  }
0x75: {  	s12 =	sadd.s32 $0x7D0, s11;
	[sflag:s0] =	ssyncadd.s32 $0xFFFFD800  }
0x76: {  	[tilespmem:s22], [sflag:$0x2] =	stream.indirect.gather [hbm4b:s4+s21], $0x80, s12, s21, $0xb8;
	[tilespmem:$0x19FA0] =	vst v63  }
0x77: {  	_ =	swait.ge [sflag:s26], $0x2800  }
0x78: {  	[sflag:s26] =	ssyncset.done $0x0  }
0x79: {  	s12 =	sadd.s32 $0xF50, s11;
	[sflag:s26] =	ssyncadd.s32 $0xFFFFD800  }
0x7a: {  	[spmem:s1] =	stream.indirect.scatter.add.f32 [tilespmem:s18], [sflag:$0x3], $0x80, s12, s21, $0xb8;
	[tilespmem:$0x19FA0] =	vst v63  }
0x7b: {  	_ =	swait.ge [sflag:s28], $0x2800  }
0x7c: {  	[sflag:s28] =	ssyncset.done $0x0  }
.Ltmp1:
0x7d: {  	s12 =	sadd.s32 $0x820, s11;
	[sflag:s28] =	ssyncadd.s32 $0xFFFFD800;
	(pc) =	sbr.rel @p1 .LBB2_5-.Ltmp1, $4  }
0x7e: {  	[tilespmem:s18], [sflag:$0x1] =	stream.indirect.gather [hbm4b:s4+s21], $0x80, s12, s21, $0xb8;
	[tilespmem:$0x19FA0] =	vst v63  }
0x7f: {  	_ =	swait.ge [sflag:s30], $0x2800  }
0x80: {  	[sflag:s30] =	ssyncset.done $0x0  }
0x81: {  	s11 =	sadd.s32 $0xFA0, s11;
	[sflag:s30] =	ssyncadd.s32 $0xFFFFD800  }
0x82: {  	[spmem:s1] =	stream.indirect.scatter.add.f32 [tilespmem:s22], [sflag:$0x4], $0x80, s11, s21, $0xb8;
	[tilespmem:$0x19FA0] =	vst v63  }
0x83: {  	_ =	swait.ge [sflag:s0], $0x2800  }
0x84: {  	[sflag:s0] =	ssyncset.done $0x0  }
0x85: {  	[sflag:s0] =	ssyncadd.s32 $0xFFFFD800  }
0x86: {  	s9 =	sadd.s32 $0x1, s9;
	_ =	swait.ge [sflag:s26], $0x2800  }
0x87: {  	p1 =	sne.s32 s9, $0x5;
	[sflag:s26] =	ssyncset.done $0x0  }
.Ltmp2:
0x88: {  	[sflag:s26] =	ssyncadd.s32 $0xFFFFD800;
	(pc) =	sbr.rel @p1 .LBB2_4-.Ltmp2, $4  }
0x89: {  	[spmem:s1] =	stream.indirect.scatter.add.f32 [tilespmem:s18], [sflag:$0x3], $0x80, s3, s21, $0xb8;
	[tilespmem:$0x19FA0] =	vst v63  }
0x8a: {  	_ =	swait.ge [sflag:s28], $0x2800  }
0x8b: {  	[sflag:s28] =	ssyncset.done $0x0  }
0x8c: {  	[sflag:s28] =	ssyncadd.s32 $0xFFFFD800  }
0x8d: {  	s9 =	stileid.u32  }
0x8e: {  	s9 =	sshll.u32 s9, $0x6  }
0x8f: {  	[bflag:$0x0] =	sbarrier.arrive $0xFFFF;
	s9 =	sor.u32 $0x1C05, s9  }
0x90: {  	[hbm:s23], [sflag:s9] =	dma.local [spmem:s24], $0x2700  }
0x91: {  	_ =	swait.ge [sflag:s19], $0x2700  }
0x92: {  	s8 =	sadd.s32 $0x1, s8;
	[sflag:s19] =	ssyncset.done $0x0  }
0x93: {  	s10 =	sadd.s32 @!p0 $0x27000, s16;
	p1 =	sne.s32 s8, s17;
	[sflag:s19] =	ssyncadd.s32 $0xFFFFD900  }
0x94: {  	[hbm:s10], [sflag:s9] =	dma.local @!p0 [spmem:s25], $0x100  }
.Ltmp3:
0x95: {  	_ = 	snop;
	(pc) =	sbr.rel @p1 .LBB2_1-.Ltmp3, $4  }
0x96: {  	s9 =	simm.s32 @!p0 $0x5  }
0x97: {  	_ =	swait.ge @!p0 [sflag:s9], $0x100  }
0x98: {  	[sflag:s9] =	ssyncset.done @!p0 $0x0  }
0x99: {  	[sflag:s9] =	ssyncadd.s32 @!p0 $0xFFFFFF00  }
0x9a: {  	_ =	sfence.sel $0x180000  }
0x9b: {  	[bflag:$0x0] =	sbarrier.arrive $0xFFFF  }
0x9c: {  	_ =	strace $0x9000004A  }
0x9d: {  	s0 =	stileid.u32;
	[bflag:$0x2] =	sbarrier.arrive $0xFFFF  }
0x9e: {  	p0 =	sne.s32 s0, $0x0;
	s0 =	rddreg [dreg:$0x2]  }
0x9f: {  	s0 =	sadd.s32 @!p0 $0x100000, s0  }
0xa0: {  	[sflag:s0] =	ssyncadd.tile.s32 @!p0 $0x1;
	_ =	shalt  }
.Lfunc_end2:
_tile_overlayer_lowered:
.L_overlay_start_2:
0xa1: {  	(tag) =	ssettag $0x2  }
0xa2: {  	s0 =	rddreg [dreg:$0x0];
	s2 =	stileid.u32  }
0xa3: {  	s1 =	rddreg [dreg:$0x1];
	p0 =	sne.s32 s2, $0x0  }
0xa4: {  	s3 =	rddreg [dreg:$0x2];
	[bflag:$0x3] =	sbarrier.arrive $0xFFFF;
	s2 =	simm.s32 @!p0 $0x1C05  }
0xa5: {  	[timem:s3], [sflag:s2] =	dma.local @!p0 [hbm:s0], s1  }
0xa6: {  	s0 =	simm.s32 @!p0 $0x5  }
0xa7: {  	_ =	swait.ge @!p0 [sflag:s0], s1  }
0xa8: {  	s1 =	ssub.s32 @!p0 $0x0, s1;
	[sflag:s0] =	ssyncset.done @!p0 $0x0  }
0xa9: {  	[sflag:s0] =	ssyncadd.s32 @!p0 s1  }
0xaa: {  	[bflag:$0x3] =	sbarrier.arrive $0xFFFF  }
0xab: {  	_ =	shalt  }

// kernel: kernel.15.cloned.1.call-start
scs
__scs_entry_jumppad:
0x0: {  	(pc) =	sbr.rel $0x88, $3  }
0x1: {  	(tag) =	ssettag $0x0;
	lr =	simm.s32 $0x1  }
0x2: {  	[smem:$0x3F8F] =	sst lr;
	_ =	strace $0xD0000000  }
0x3: {  	_ = 	snop  }
0x4: {  	_ = 	snop  }
0x5: {  	_ = 	snop  }
0x6: {  	_ = 	snop  }
0x7: {  	_ = 	snop  }
__scs_overlays_trampoline_lowered:
0x8: {  	[smem:$0x3F9E] =	sst s0  }
0x9: {  	[smem:$0x3F9F] =	sst s1  }
0xa: {  	[smem:$0x3FA0] =	sst s2  }
0xb: {  	[smem:$0x3FA1] =	sst s3  }
0xc: {  	[smem:$0x3FA2] =	sst s4  }
0xd: {  	[smem:$0x3FA3] =	sst s5  }
0xe: {  	[smem:$0x3FA4] =	sst s6  }
0xf: {  	[smem:$0x3FA5] =	sst s7  }
0x10: {  	[smem:$0x3FA6] =	sst s8  }
0x11: {  	[smem:$0x3FA7] =	sst s9;
	s0 =	simm.s32 @!p0 $0x0  }
0x12: {  	s1 =	sld [smem:$0x3F8D];
	s0 =	simm.s32 @p0 $0x1  }
0x13: {  	[smem:$0x3FA8] =	sst s0;
	s0 =	simm.s32 @!p1 $0x0  }
0x14: {  	s2 =	sld [smem:$0x3F8C];
	s0 =	simm.s32 @p1 $0x1  }
0x15: {  	[smem:$0x3FA9] =	sst s0;
	s0 =	simm.s32 @!p2 $0x0  }
0x16: {  	s3 =	sld [smem:$0x3FDB];
	s0 =	simm.s32 @p2 $0x1  }
0x17: {  	s4 =	simm.s32 $0x1BF5;
	[smem:$0x3FAB] =	sst s0  }
0x18: {  	s0 =	sld [smem:$0x3F8E];
	_ =	swait.ge [sflag:s4], $0x0  }
0x19: {  	s7 =	sld [smem:$0x3F8F]  }
0x1a: {  	s8 =	sadd.s32 $0xFFFFE003, lr  }
0x1b: {  	s9 =	sadd.s32 $0xFFFFFEF7, lr;
	s5 =	simm.s32 $0xFFFFFFFF;
	p2 =	slt.u32 s8, $0xFFFFF086  }
0x1c: {  	p1 =	slt.u32 s9, $0xF7A;
	s5 =	simm.s32 @!p2 $0x0  }
0x1d: {  	s5 =	simm.s32 @p1 $0x1;
	p0 =	seq.s32 s7, s2  }
0x1e: {  	s7 =	smul.u32 @!p0 $0xF7A, s2;
	p2 =	seq.s32 @!p0 s5, $0x0  }
0x1f: {  	s9 =	smul.u32 $0xF7A, s1;
	s8 =	simm.s32 @!p0 $0x1BF5;
	p2 =	por !p2, p0  }
0x20: {  	[sflag:s8] =	ssyncset.s32 @!p0 $0xFFFFF086;
	s6 =	sadd.s32 @!p0 s3, s7;
	s7 =	simm.s32 @!p0 $0x108  }
0x21: {  	s3 =	sadd.s32 s3, s9;
	s6 =	sadd.s32 @!p0 $0x88, s6;
	s7 =	simm.s32 @p2 $0x1082  }
0x22: {  	[simem:s7], [sflag:s8] =	dma.local @!p0 [hbm:s6], $0xF7A  }
0x23: {  	s9 =	sor.u32 $0xD0000000, s2;
	s6 =	simm.s32 $0x108;
	_ =	swait.ge @!p0 [sflag:s8], $0x0  }
0x24: {  	s3 =	sadd.s32 $0x88, s3;
	s6 =	simm.s32 @!p1 $0x1082;
	[sflag:s4] =	ssyncset.s32 $0xFFFFF086  }
0x25: {  	[simem:s6], [sflag:s4] =	dma.local [hbm:s3], $0xF7A  }
0x26: {  	[smem:$0x3F8F] =	sst s1;
	(tag) =	ssettag s2;
	_ =	strace s9  }
0x27: {  	s1 =	sld [smem:$0x3F9F]  }
0x28: {  	s2 =	sld [smem:$0x3FA0]  }
0x29: {  	s4 =	sld [smem:$0x3FA2]  }
0x2a: {  	p0 =	seq.s32 s5, $0x0;
	s5 =	sld [smem:$0x3FA3]  }
0x2b: {  	s6 =	sld [smem:$0x3FA4]  }
0x2c: {  	s7 =	sld [smem:$0x3FA5]  }
0x2d: {  	s3 =	simm.s32 $0x108;
	s8 =	sld [smem:$0x3FA6]  }
0x2e: {  	s3 =	simm.s32 @!p0 $0x1082;
	s9 =	sld [smem:$0x3FA7]  }
0x2f: {  	lr =	sadd.s32 s0, s3;
	s0 =	sld [smem:$0x3F9E]  }
0x30: {  	s3 =	sld [smem:$0x3FA1]  }
0x31: {  	[smem:$0x3FAA] =	sst s10  }
0x32: {  	s10 =	sld [smem:$0x3FA8];
	_ =	sdelay $0x3  }
0x33: {  	p0 =	seq.s32 s10, $0x1;
	s10 =	sld [smem:$0x3FAA];
	_ =	sdelay $0x3  }
0x34: {  	[smem:$0x3FAA] =	sst s10  }
0x35: {  	s10 =	sld [smem:$0x3FA9];
	_ =	sdelay $0x3  }
0x36: {  	p1 =	seq.s32 s10, $0x1;
	s10 =	sld [smem:$0x3FAA];
	_ =	sdelay $0x3  }
0x37: {  	[smem:$0x3FAA] =	sst s10  }
0x38: {  	s10 =	sld [smem:$0x3FAB]  }
0x39: {  	_ = 	snop;
	(pc) =	sbr.ind lr, $3  }
0x3a: {  	_ = 	snop  }
0x3b: {  	_ = 	snop  }
0x3c: {  	p2 =	seq.s32 s10, $0x1;
	s10 =	sld [smem:$0x3FAA]  }
0x3d: {  	_ =	shalt  }
0x3e: {  	_ =	shalt  }
0x3f: {  	_ =	shalt  }
0x40: {  	_ =	shalt  }
0x41: {  	_ =	shalt  }
0x42: {  	_ =	shalt  }
0x43: {  	_ =	shalt  }
0x44: {  	_ =	shalt  }
0x45: {  	_ =	shalt  }
0x46: {  	_ =	shalt  }
0x47: {  	_ =	shalt  }
0x48: {  	_ =	shalt  }
0x49: {  	_ =	shalt  }
0x4a: {  	_ =	shalt  }
0x4b: {  	_ =	shalt  }
0x4c: {  	_ =	shalt  }
0x4d: {  	_ =	shalt  }
0x4e: {  	_ =	shalt  }
0x4f: {  	_ =	shalt  }
0x50: {  	_ =	shalt  }
0x51: {  	_ =	shalt  }
0x52: {  	_ =	shalt  }
0x53: {  	_ =	shalt  }
0x54: {  	_ =	shalt  }
0x55: {  	_ =	shalt  }
0x56: {  	_ =	shalt  }
0x57: {  	_ =	shalt  }
0x58: {  	_ =	shalt  }
0x59: {  	_ =	shalt  }
0x5a: {  	_ =	shalt  }
0x5b: {  	_ =	shalt  }
0x5c: {  	_ =	shalt  }
0x5d: {  	_ =	shalt  }
0x5e: {  	_ =	shalt  }
0x5f: {  	_ =	shalt  }
0x60: {  	_ =	shalt  }
0x61: {  	_ =	shalt  }
0x62: {  	_ =	shalt  }
0x63: {  	_ =	shalt  }
0x64: {  	_ =	shalt  }
0x65: {  	_ =	shalt  }
0x66: {  	_ =	shalt  }
0x67: {  	_ =	shalt  }
0x68: {  	_ =	shalt  }
0x69: {  	_ =	shalt  }
0x6a: {  	_ =	shalt  }
0x6b: {  	_ =	shalt  }
0x6c: {  	_ =	shalt  }
0x6d: {  	_ =	shalt  }
0x6e: {  	_ =	shalt  }
0x6f: {  	_ =	shalt  }
0x70: {  	_ =	shalt  }
0x71: {  	_ =	shalt  }
0x72: {  	_ =	shalt  }
0x73: {  	_ =	shalt  }
0x74: {  	_ =	shalt  }
0x75: {  	_ =	shalt  }
0x76: {  	_ =	shalt  }
0x77: {  	_ =	shalt  }
0x78: {  	_ =	shalt  }
0x79: {  	_ =	shalt  }
0x7a: {  	_ =	shalt  }
0x7b: {  	_ =	shalt  }
0x7c: {  	_ =	shalt  }
0x7d: {  	_ =	shalt  }
0x7e: {  	_ =	shalt  }
0x7f: {  	_ =	shalt  }
0x80: {  	_ =	shalt  }
0x81: {  	_ =	shalt  }
0x82: {  	_ =	shalt  }
0x83: {  	_ =	shalt  }
0x84: {  	_ =	shalt  }
0x85: {  	_ =	shalt  }
0x86: {  	_ =	shalt  }
0x87: {  	_ =	shalt  }
.Lfunc_end0:
.L_simem_size_0:
called_computation.2_lowered:
.L_overlay_start_0:
0x88: {  	s2 =	sld [smem:$0x3FD9]  }
0x89: {  	s3 =	sld [smem:$0x3FFE];
	_ =	sdelay $0x1  }
0x8a: {  	s1 =	srdreg.scid  }
0x8b: {  	s0 =	sand.u32 $0x1, s1  }
0x8c: {  	s16 =	sshll.u32 s0, $0xA;
	s2 =	sadd.s32 s3, s2  }
0x8d: {  	s2 =	sadd.s32 s2, s16  }
0x8e: {  	[smem:$0x3FB6] =	sst s2  }
0x8f: {  	_ = 	snop  }
0x90: {  	(tm) =	ssettm $0x1  }
0x91: {  	s17 =	sld [smem:$0x3FFB];
	_ =	sdelay $0x3  }
0x92: {  	_ =	strace s17  }
0x93: {  	s2 =	sld [smem:$0x3FFC];
	_ =	sdelay $0x3  }
0x94: {  	_ =	strace s2  }
0x95: {  	s2 =	sld [smem:$0x3FFD];
	_ =	sdelay $0x3  }
0x96: {  	_ =	strace s2  }
0x97: {  	_ =	strace $0x8FFFFFFF  }
0x98: {  	s18 =	sld [smem:$0x3FDB];
	_ =	sdelay $0x1  }
0x99: {  	s19 =	simm.s32 $_scs_section_size  }
0x9a: {  	s4 =	simm.s32 $_size__tile_overlayer_lowered;
	s5 =	simm.s32 $_tile_overlayer_lowered  }
0x9b: {  	s22 =	simm.s32 $0x1BFF;
	s21 =	sshll.u32 s5, $0x1;
	s2 =	sadd.s32 s19, s18  }
0x9c: {  	s6 =	simm.s32 $0x0;
	s20 =	sshll.u32 s4, $0x1;
	s4 =	sadd.s32 s21, s2  }
0x9d: {  	[timem:s6], [sflag:s22] =	dma.local [hbm:s4], s20  }
0x9e: {  	_ =	swait.ge [sflag:s22], s20  }
0x9f: {  	s3 =	ssub.s32 $0x0, s20;
	[sflag:s22] =	ssyncset.done $0x0  }
0xa0: {  	[sflag:s22] =	ssyncadd.s32 s3;
	_ =	sdelay $0x1  }
0xa1: {  	s23 =	simm.s32 $0x1B8B  }
0xa2: {  	_ =	swait.ge [sflag:s23], $0x1  }
0xa3: {  	[sflag:s23] =	ssyncset.done $0x0  }
0xa4: {  	s25 =	simm.s32 $0x1B8E;
	s24 =	sld [smem:$0x3FFE];
	[sflag:s23] =	ssyncadd.s32 $0xFFFFFFFF  }
0xa5: {  	s26 =	simm.s32 $execute0_lowered;
	[smem:$0x3FD2] =	sst s25  }
0xa6: {  	s4 =	sshll.u32 s26, $0x1;
	_ =	strace $0x8000004C;
	[dreg:$0x1] =	wrdreg $0xFFFFFFFF  }
0xa7: {  	s28 =	simm.s32 $_size_execute0_lowered;
	s2 =	sadd.s32 s2, s4;
	[dreg:$0x0] =	wrdreg $0x0  }
0xa8: {  	s4 =	sshll.u32 s28, $0x1;
	[dreg:$0x2] =	wrdreg s2  }
0xa9: {  	[dreg:$0x3] =	wrdreg s4  }
0xaa: {  	[dreg:$0x4] =	wrdreg $0xC0  }
0xab: {  	_ =	task [dreg:s6], $0x5FFFF  }
0xac: {  	[dreg:$0x1] =	wrdreg $0xFFFFFFFF  }
0xad: {  	[dreg:$0x0] =	wrdreg $0x60  }
0xae: {  	[dreg:$0x2] =	wrdreg s24  }
0xaf: {  	[dreg:$0x3] =	wrdreg $0xBF100  }
0xb0: {  	[dreg:$0x4] =	wrdreg $0x98000  }
0xb1: {  	[dreg:$0x5] =	wrdreg $0x9  }
0xb2: {  	_ =	task.clear_ibuf [dreg:s6], $0x6FFFF;
	_ =	strace $0x9000004C  }
0xb3: {  	s29 =	simm.s32 $0x9;
	_ =	strace $0x8000004E  }
0xb4: {  	_ =	swait.ge [sflag:s29], $0x1  }
0xb5: {  	[sflag:s29] =	ssyncadd.s32 $0xFFFFFFFF  }
0xb6: {  	_ =	strace $0x9000004E  }
0xb7: {  	_ =	sfence  }
0xb8: {  	s30 =	sld [smem:$0x0];
	_ =	sdelay $0x2  }
0xb9: {  	s31 =	sshll.u32 s1, $0xD;
	s1 =	sshrl.u32 s1, $0x2  }
0xba: {  	s3 =	sand.u32 $0x4000, s31;
	s1 =	sadd.s32 s1, s30  }
0xbb: {  	s0 =	sor.u32 s3, s0;
	s1 =	sshll.u32 s1, $0x11  }
0xbc: {  	s0 =	sor.u32 s1, s0  }
0xbd: {  	s0 =	sadd.s32 $0x8F2B, s0  }
0xbe: {  	[sflag:s0] =	ssyncadd.remote.s32 $0x1  }
0xbf: {  	_ =	sfence.sel $0xFFFF  }
0xc0: {  	[dreg:$0x0] =	wrdreg $0xFFFFFFFF;
	(pc) =	sbr.abs _section_cstart, $3  }
0xc1: {  	[dreg:$0x1] =	wrdreg $0xFFFFFFFF  }
0xc2: {  	_ =	task.clear_ibuf [dreg:s6], $0x2FFFF;
	_ =	strace $0x9FFFFFFF  }
0xc3: {  	(tm) =	ssettm $0x7FFFFFFF  }
tec
execute0_lowered:
.L_overlay_start_1:
0x0: {  	(tag) =	ssettag $0x1  }
0x1: {  	s0 =	rddreg [dreg:$0x0]  }
0x2: {  	s2 =	rddreg [dreg:$0x1]  }
0x3: {  	s3 =	rddreg [dreg:$0x2];
	s16 =	stileid.u32  }
0x4: {  	s4 =	simm.s32 $0x0;
	s5 =	srdreg.scid;
	s18 =	simm.s32 $0x2800  }
0x5: {  	s19 =	simm.s32 $0x200;
	s20 =	simm.s32 $0x5000;
	s21 =	simm.s32 $0x7000  }
0x6: {  	s22 =	simm.s32 $0x1;
	s29 =	simm.s32 $0x2;
	s31 =	simm.s32 $0x4  }
0x7: {  	s30 =	simm.s32 $0x0;
	s1 =	smul.u32 $0x2710, s16;
	[smem:$0x7FF] =	sst s4  }
0x8: {  	s5 =	sand.u32 $0x1, s5;
	s6 =	sshll.u32 s16, $0x1;
	s8 =	smul.u32 $0xA000, s16  }
0x9: {  	s15 =	smul.u32 $0x2700, s16;
	p0 =	sne.s32 s16, $0xF;
	s16 =	simm.s32 $0x5  }
0xa: {  	s6 =	sor.u32 s5, s6;
	_ =	strace $0x8000004D;
	s24 =	smul.u32 $0x4E20, s5  }
0xb: {  	s9 =	ssub.s32 $0x2, s5;
	s7 =	sshrl.u32 s1, $0x3;
	s6 =	smul.u32 $0x500, s6  }
0xc: {  	s25 =	sshrl.u32 s8, $0x2;
	s26 =	sshrl.u32 s9, $0x1;
	s1 =	sadd.s32 s1, s3  }
0xd: {  	s28 =	sshrl.u32 s15, $0x3;
	s10 =	sadd.s32 s7, s0;
	s5 =	sadd.s32 s25, s2  }
0xe: {  	s14 =	ssub.s32 s9, s26;
	s25 =	sadd.s32 $0x27000, s2;
	s17 =	sshrl.u32 s1, $0x3  }
0xf: {  	s26 =	simm.s32 $0x3;
	s1 =	simm.s32 $0x4E00;
	s12 =	sadd.s32 s6, s0  }
0x10: {  	s0 =	sadd.s32 s24, s0;
	s6 =	sadd.s32 $0x800, s5;
	s7 =	sadd.s32 $0x1000, s5  }
0x11: {  	s8 =	sadd.s32 $0x1800, s5;
	s9 =	sadd.s32 $0x2000, s5;
	s10 =	sadd.s32 $0x3600, s10  }
0x12: {  	s24 =	sadd.s32 s15, s2;
	s14 =	smax.u32 s14, $0x1;
	s15 =	simm.s32 $0x9000  }
0x13: {  	s25 =	sshrl.u32 @!p0 s25, $0x3;
	s11 =	sadd.s32 $0x59200, s12;
	s13 =	sadd.s32 $0x8600, s0  }
0x14: {  	v0 =	vimm.f32 $0.0e+00;
	s12 =	sadd.s32 $0x4F200, s12;
	s24 =	sshrl.u32 s24, $0x3;
	s23 =	sadd.s32 s28, s13  }
.LBB2_1:
0x15: {  	s0 =	simm.s32 $0x40;
	s28 =	simm.s32 $0x0  }
.LBB2_2:
0x16: {  	p1 =	sne.s32 s0, $0x1FC0;
	[tilespmem:s28+$0x9000] =	vst v0;
	s28 =	smov.u32 s0;
	s0 =	sadd.s32 $0x40, s0  }
.Ltmp0:
0x17: {  	(pc) =	sbr.rel @p1 .LBB2_2-.Ltmp0, $2  }
0x18: {  	_ =	sdelay $0x2  }
0x19: {  	s28 =	sshra.s32 s28, $0x2  }
0x1a: {  	[tilespmem:s28+$0x9000] =	vst v0  }
0x1b: {  	[spmem:s5] =	stream.linear.scatter [tilespmem:s15], [sflag:$0x5], $0x800, $0x38;
	[tilespmem:$0xE710] =	vst v63  }
0x1c: {  	_ =	swait.ge [sflag:s16], $0x800  }
0x1d: {  	[sflag:s16] =	ssyncset.done $0x0  }
0x1e: {  	[sflag:s16] =	ssyncadd.s32 $0xFFFFF800  }
0x1f: {  	[spmem:s6] =	stream.linear.scatter [tilespmem:s15], [sflag:$0x5], $0x800, $0x38;
	[tilespmem:$0xE710] =	vst v63  }
0x20: {  	_ =	swait.ge [sflag:s16], $0x800  }
0x21: {  	[sflag:s16] =	ssyncset.done $0x0  }
0x22: {  	[sflag:s16] =	ssyncadd.s32 $0xFFFFF800  }
0x23: {  	[spmem:s7] =	stream.linear.scatter [tilespmem:s15], [sflag:$0x5], $0x800, $0x38;
	[tilespmem:$0xE710] =	vst v63  }
0x24: {  	_ =	swait.ge [sflag:s16], $0x800  }
0x25: {  	[sflag:s16] =	ssyncset.done $0x0  }
0x26: {  	[sflag:s16] =	ssyncadd.s32 $0xFFFFF800  }
0x27: {  	[spmem:s8] =	stream.linear.scatter [tilespmem:s15], [sflag:$0x5], $0x800, $0x38;
	[tilespmem:$0xE710] =	vst v63  }
0x28: {  	_ =	swait.ge [sflag:s16], $0x800  }
0x29: {  	[sflag:s16] =	ssyncset.done $0x0  }
0x2a: {  	[sflag:s16] =	ssyncadd.s32 $0xFFFFF800  }
0x2b: {  	[spmem:s9] =	stream.linear.scatter [tilespmem:s15], [sflag:$0x5], $0x800, $0x38;
	[tilespmem:$0xE710] =	vst v63  }
0x2c: {  	s0 =	stileid.u32;
	_ =	swait.ge [sflag:s16], $0x800  }
0x2d: {  	s0 =	sshll.u32 s0, $0x6;
	[sflag:s16] =	ssyncset.done $0x0  }
0x2e: {  	s0 =	sor.u32 $0x1C05, s0;
	[sflag:s16] =	ssyncadd.s32 $0xFFFFF800  }
0x2f: {  	[spmem:s17], [sflag:s0] =	dma.local [hbm:s10], $0x4E2  }
0x30: {  	_ =	swait.ge [sflag:s16], $0x4E2  }
0x31: {  	[sflag:s16] =	ssyncset.done $0x0  }
0x32: {  	[sflag:s16] =	ssyncadd.s32 $0xFFFFFB1E  }
0x33: {  	[bflag:$0x0] =	sbarrier.arrive $0xFFFF  }
0x34: {  	[tilespmem:s4], [sflag:$0x5] =	stream.linear.gather [hbm4b:s11+s4], $0x2800, $0x38;
	[tilespmem:$0xE710] =	vst v63  }
0x35: {  	_ =	swait.ge [sflag:s16], $0x2800  }
0x36: {  	[sflag:s16] =	ssyncset.done $0x0  }
0x37: {  	[sflag:s16] =	ssyncadd.s32 $0xFFFFD800  }
0x38: {  	[tilespmem:s18], [sflag:$0x5] =	stream.linear.gather [hbm4b:s12+s4], $0x2800, $0x38;
	[tilespmem:$0xE710] =	vst v63  }
0x39: {  	_ =	swait.ge [sflag:s16], $0x2800  }
0x3a: {  	[sflag:s16] =	ssyncset.done $0x0  }
0x3b: {  	[sflag:s16] =	ssyncadd.s32 $0xFFFFD800  }
0x3c: {  	[tilespmem:s20], [sflag:$0x1] =	stream.indirect.gather [spmem:s3], $0x10, s4, s19, $0xb8;
	[tilespmem:$0xE710] =	vst v63  }
0x3d: {  	_ = 	snop  }
0x3e: {  	[tilespmem:s21], [sflag:$0x2] =	stream.indirect.gather [spmem:s3], $0x10, s19, s19, $0xb8;
	[tilespmem:$0xE710] =	vst v63  }
0x3f: {  	_ =	swait.ge [sflag:s22], $0x2000  }
0x40: {  	[sflag:s22] =	ssyncset.done $0x0  }
0x41: {  	[sflag:s22] =	ssyncadd.s32 $0xFFFFE000  }
0x42: {  	[spmem:s2] =	stream.indirect.scatter.add.f32 [tilespmem:s20], [sflag:$0x3], $0x10, s18, s19, $0xb8;
	[tilespmem:$0xE710] =	vst v63  }
0x43: {  	_ =	swait.ge [sflag:s26], $0x2000  }
0x44: {  	[sflag:s26] =	ssyncset.done $0x0  }
0x45: {  	s28 =	simm.s32 $0x400;
	[sflag:s26] =	ssyncadd.s32 $0xFFFFE000  }
0x46: {  	[tilespmem:s20], [sflag:$0x1] =	stream.indirect.gather [spmem:s3], $0x10, s28, s19, $0xb8;
	[tilespmem:$0xE710] =	vst v63  }
0x47: {  	_ =	swait.ge [sflag:s29], $0x2000  }
0x48: {  	[sflag:s29] =	ssyncset.done $0x0  }
0x49: {  	s28 =	simm.s32 $0x2A00;
	[sflag:s29] =	ssyncadd.s32 $0xFFFFE000  }
0x4a: {  	[spmem:s2] =	stream.indirect.scatter.add.f32 [tilespmem:s21], [sflag:$0x4], $0x10, s28, s19, $0xb8;
	[tilespmem:$0xE710] =	vst v63  }
0x4b: {  	_ =	swait.ge [sflag:s31], $0x2000  }
0x4c: {  	[sflag:s31] =	ssyncset.done $0x0  }
0x4d: {  	s28 =	simm.s32 $0x600;
	[sflag:s31] =	ssyncadd.s32 $0xFFFFE000  }
0x4e: {  	[tilespmem:s21], [sflag:$0x2] =	stream.indirect.gather [spmem:s3], $0x10, s28, s19, $0xb8;
	[tilespmem:$0xE710] =	vst v63  }
0x4f: {  	_ =	swait.ge [sflag:s22], $0x2000  }
0x50: {  	[sflag:s22] =	ssyncset.done $0x0  }
0x51: {  	s28 =	simm.s32 $0x2C00;
	[sflag:s22] =	ssyncadd.s32 $0xFFFFE000  }
0x52: {  	[spmem:s2] =	stream.indirect.scatter.add.f32 [tilespmem:s20], [sflag:$0x3], $0x10, s28, s19, $0xb8;
	[tilespmem:$0xE710] =	vst v63  }
0x53: {  	_ =	swait.ge [sflag:s26], $0x2000  }
0x54: {  	[sflag:s26] =	ssyncset.done $0x0  }
0x55: {  	s28 =	simm.s32 $0x800;
	[sflag:s26] =	ssyncadd.s32 $0xFFFFE000  }
0x56: {  	[tilespmem:s20], [sflag:$0x1] =	stream.indirect.gather [spmem:s3], $0x10, s28, s19, $0xb8;
	[tilespmem:$0xE710] =	vst v63  }
0x57: {  	_ =	swait.ge [sflag:s29], $0x2000  }
0x58: {  	[sflag:s29] =	ssyncset.done $0x0  }
0x59: {  	s28 =	simm.s32 $0x2E00;
	[sflag:s29] =	ssyncadd.s32 $0xFFFFE000  }
0x5a: {  	[spmem:s2] =	stream.indirect.scatter.add.f32 [tilespmem:s21], [sflag:$0x4], $0x10, s28, s19, $0xb8;
	[tilespmem:$0xE710] =	vst v63  }
0x5b: {  	_ =	swait.ge [sflag:s31], $0x2000  }
0x5c: {  	[sflag:s31] =	ssyncset.done $0x0  }
0x5d: {  	s28 =	simm.s32 $0xA00;
	[sflag:s31] =	ssyncadd.s32 $0xFFFFE000  }
0x5e: {  	[tilespmem:s21], [sflag:$0x2] =	stream.indirect.gather [spmem:s3], $0x10, s28, s19, $0xb8;
	[tilespmem:$0xE710] =	vst v63  }
0x5f: {  	_ =	swait.ge [sflag:s22], $0x2000  }
0x60: {  	[sflag:s22] =	ssyncset.done $0x0  }
0x61: {  	s28 =	simm.s32 $0x3000;
	[sflag:s22] =	ssyncadd.s32 $0xFFFFE000  }
0x62: {  	[spmem:s2] =	stream.indirect.scatter.add.f32 [tilespmem:s20], [sflag:$0x3], $0x10, s28, s19, $0xb8;
	[tilespmem:$0xE710] =	vst v63  }
0x63: {  	_ =	swait.ge [sflag:s26], $0x2000  }
0x64: {  	[sflag:s26] =	ssyncset.done $0x0  }
0x65: {  	s28 =	simm.s32 $0xC00;
	[sflag:s26] =	ssyncadd.s32 $0xFFFFE000  }
0x66: {  	[tilespmem:s20], [sflag:$0x1] =	stream.indirect.gather [spmem:s3], $0x10, s28, s19, $0xb8;
	[tilespmem:$0xE710] =	vst v63  }
0x67: {  	_ =	swait.ge [sflag:s29], $0x2000  }
0x68: {  	[sflag:s29] =	ssyncset.done $0x0  }
0x69: {  	s28 =	simm.s32 $0x3200;
	[sflag:s29] =	ssyncadd.s32 $0xFFFFE000  }
0x6a: {  	[spmem:s2] =	stream.indirect.scatter.add.f32 [tilespmem:s21], [sflag:$0x4], $0x10, s28, s19, $0xb8;
	[tilespmem:$0xE710] =	vst v63  }
0x6b: {  	_ =	swait.ge [sflag:s31], $0x2000  }
0x6c: {  	[sflag:s31] =	ssyncset.done $0x0  }
0x6d: {  	s28 =	simm.s32 $0xE00;
	[sflag:s31] =	ssyncadd.s32 $0xFFFFE000  }
0x6e: {  	[tilespmem:s21], [sflag:$0x2] =	stream.indirect.gather [spmem:s3], $0x10, s28, s19, $0xb8;
	[tilespmem:$0xE710] =	vst v63  }
0x6f: {  	_ =	swait.ge [sflag:s22], $0x2000  }
0x70: {  	[sflag:s22] =	ssyncset.done $0x0  }
0x71: {  	s28 =	simm.s32 $0x3400;
	[sflag:s22] =	ssyncadd.s32 $0xFFFFE000  }
0x72: {  	[spmem:s2] =	stream.indirect.scatter.add.f32 [tilespmem:s20], [sflag:$0x3], $0x10, s28, s19, $0xb8;
	[tilespmem:$0xE710] =	vst v63  }
0x73: {  	_ =	swait.ge [sflag:s26], $0x2000  }
0x74: {  	[sflag:s26] =	ssyncset.done $0x0  }
0x75: {  	s28 =	simm.s32 $0x1000;
	[sflag:s26] =	ssyncadd.s32 $0xFFFFE000  }
0x76: {  	[tilespmem:s20], [sflag:$0x1] =	stream.indirect.gather [spmem:s3], $0x10, s28, s19, $0xb8;
	[tilespmem:$0xE710] =	vst v63  }
0x77: {  	_ =	swait.ge [sflag:s29], $0x2000  }
0x78: {  	[sflag:s29] =	ssyncset.done $0x0  }
0x79: {  	s28 =	simm.s32 $0x3600;
	[sflag:s29] =	ssyncadd.s32 $0xFFFFE000  }
0x7a: {  	[spmem:s2] =	stream.indirect.scatter.add.f32 [tilespmem:s21], [sflag:$0x4], $0x10, s28, s19, $0xb8;
	[tilespmem:$0xE710] =	vst v63  }
0x7b: {  	_ =	swait.ge [sflag:s31], $0x2000  }
0x7c: {  	[sflag:s31] =	ssyncset.done $0x0  }
0x7d: {  	s28 =	simm.s32 $0x1200;
	[sflag:s31] =	ssyncadd.s32 $0xFFFFE000  }
0x7e: {  	[tilespmem:s21], [sflag:$0x2] =	stream.indirect.gather [spmem:s3], $0x10, s28, s19, $0xb8;
	[tilespmem:$0xE710] =	vst v63  }
0x7f: {  	_ =	swait.ge [sflag:s22], $0x2000  }
0x80: {  	[sflag:s22] =	ssyncset.done $0x0  }
0x81: {  	s28 =	simm.s32 $0x3800;
	[sflag:s22] =	ssyncadd.s32 $0xFFFFE000  }
0x82: {  	[spmem:s2] =	stream.indirect.scatter.add.f32 [tilespmem:s20], [sflag:$0x3], $0x10, s28, s19, $0xb8;
	[tilespmem:$0xE710] =	vst v63  }
0x83: {  	_ =	swait.ge [sflag:s26], $0x2000  }
0x84: {  	[sflag:s26] =	ssyncset.done $0x0  }
0x85: {  	s28 =	simm.s32 $0x1400;
	[sflag:s26] =	ssyncadd.s32 $0xFFFFE000  }
0x86: {  	[tilespmem:s20], [sflag:$0x1] =	stream.indirect.gather [spmem:s3], $0x10, s28, s19, $0xb8;
	[tilespmem:$0xE710] =	vst v63  }
0x87: {  	_ =	swait.ge [sflag:s29], $0x2000  }
0x88: {  	[sflag:s29] =	ssyncset.done $0x0  }
0x89: {  	s28 =	simm.s32 $0x3A00;
	[sflag:s29] =	ssyncadd.s32 $0xFFFFE000  }
0x8a: {  	[spmem:s2] =	stream.indirect.scatter.add.f32 [tilespmem:s21], [sflag:$0x4], $0x10, s28, s19, $0xb8;
	[tilespmem:$0xE710] =	vst v63  }
0x8b: {  	_ =	swait.ge [sflag:s31], $0x2000  }
0x8c: {  	[sflag:s31] =	ssyncset.done $0x0  }
0x8d: {  	s28 =	simm.s32 $0x1600;
	[sflag:s31] =	ssyncadd.s32 $0xFFFFE000  }
0x8e: {  	[tilespmem:s21], [sflag:$0x2] =	stream.indirect.gather [spmem:s3], $0x10, s28, s19, $0xb8;
	[tilespmem:$0xE710] =	vst v63  }
0x8f: {  	_ =	swait.ge [sflag:s22], $0x2000  }
0x90: {  	[sflag:s22] =	ssyncset.done $0x0  }
0x91: {  	s28 =	simm.s32 $0x3C00;
	[sflag:s22] =	ssyncadd.s32 $0xFFFFE000  }
0x92: {  	[spmem:s2] =	stream.indirect.scatter.add.f32 [tilespmem:s20], [sflag:$0x3], $0x10, s28, s19, $0xb8;
	[tilespmem:$0xE710] =	vst v63  }
0x93: {  	_ =	swait.ge [sflag:s26], $0x2000  }
0x94: {  	[sflag:s26] =	ssyncset.done $0x0  }
0x95: {  	s28 =	simm.s32 $0x1800;
	[sflag:s26] =	ssyncadd.s32 $0xFFFFE000  }
0x96: {  	[tilespmem:s20], [sflag:$0x1] =	stream.indirect.gather [spmem:s3], $0x10, s28, s19, $0xb8;
	[tilespmem:$0xE710] =	vst v63  }
0x97: {  	_ =	swait.ge [sflag:s29], $0x2000  }
0x98: {  	[sflag:s29] =	ssyncset.done $0x0  }
0x99: {  	s28 =	simm.s32 $0x3E00;
	[sflag:s29] =	ssyncadd.s32 $0xFFFFE000  }
0x9a: {  	[spmem:s2] =	stream.indirect.scatter.add.f32 [tilespmem:s21], [sflag:$0x4], $0x10, s28, s19, $0xb8;
	[tilespmem:$0xE710] =	vst v63  }
0x9b: {  	_ =	swait.ge [sflag:s31], $0x2000  }
0x9c: {  	[sflag:s31] =	ssyncset.done $0x0  }
0x9d: {  	s28 =	simm.s32 $0x1A00;
	[sflag:s31] =	ssyncadd.s32 $0xFFFFE000  }
0x9e: {  	[tilespmem:s21], [sflag:$0x2] =	stream.indirect.gather [spmem:s3], $0x10, s28, s19, $0xb8;
	[tilespmem:$0xE710] =	vst v63  }
0x9f: {  	_ =	swait.ge [sflag:s22], $0x2000  }
0xa0: {  	[sflag:s22] =	ssyncset.done $0x0  }
0xa1: {  	s28 =	simm.s32 $0x4000;
	[sflag:s22] =	ssyncadd.s32 $0xFFFFE000  }
0xa2: {  	[spmem:s2] =	stream.indirect.scatter.add.f32 [tilespmem:s20], [sflag:$0x3], $0x10, s28, s19, $0xb8;
	[tilespmem:$0xE710] =	vst v63  }
0xa3: {  	_ =	swait.ge [sflag:s26], $0x2000  }
0xa4: {  	[sflag:s26] =	ssyncset.done $0x0  }
0xa5: {  	s28 =	simm.s32 $0x1C00;
	[sflag:s26] =	ssyncadd.s32 $0xFFFFE000  }
0xa6: {  	[tilespmem:s20], [sflag:$0x1] =	stream.indirect.gather [spmem:s3], $0x10, s28, s19, $0xb8;
	[tilespmem:$0xE710] =	vst v63  }
0xa7: {  	_ =	swait.ge [sflag:s29], $0x2000  }
0xa8: {  	[sflag:s29] =	ssyncset.done $0x0  }
0xa9: {  	s28 =	simm.s32 $0x4200;
	[sflag:s29] =	ssyncadd.s32 $0xFFFFE000  }
0xaa: {  	[spmem:s2] =	stream.indirect.scatter.add.f32 [tilespmem:s21], [sflag:$0x4], $0x10, s28, s19, $0xb8;
	[tilespmem:$0xE710] =	vst v63  }
0xab: {  	_ =	swait.ge [sflag:s31], $0x2000  }
0xac: {  	[sflag:s31] =	ssyncset.done $0x0  }
0xad: {  	s28 =	simm.s32 $0x1E00;
	[sflag:s31] =	ssyncadd.s32 $0xFFFFE000  }
0xae: {  	[tilespmem:s21], [sflag:$0x2] =	stream.indirect.gather [spmem:s3], $0x10, s28, s19, $0xb8;
	[tilespmem:$0xE710] =	vst v63  }
0xaf: {  	_ =	swait.ge [sflag:s22], $0x2000  }
0xb0: {  	[sflag:s22] =	ssyncset.done $0x0  }
0xb1: {  	s28 =	simm.s32 $0x4400;
	[sflag:s22] =	ssyncadd.s32 $0xFFFFE000  }
0xb2: {  	[spmem:s2] =	stream.indirect.scatter.add.f32 [tilespmem:s20], [sflag:$0x3], $0x10, s28, s19, $0xb8;
	[tilespmem:$0xE710] =	vst v63  }
0xb3: {  	_ =	swait.ge [sflag:s26], $0x2000  }
0xb4: {  	[sflag:s26] =	ssyncset.done $0x0  }
0xb5: {  	s28 =	simm.s32 $0x2000;
	[sflag:s26] =	ssyncadd.s32 $0xFFFFE000  }
0xb6: {  	[tilespmem:s20], [sflag:$0x1] =	stream.indirect.gather [spmem:s3], $0x10, s28, s19, $0xb8;
	[tilespmem:$0xE710] =	vst v63  }
0xb7: {  	_ =	swait.ge [sflag:s29], $0x2000  }
0xb8: {  	[sflag:s29] =	ssyncset.done $0x0  }
0xb9: {  	s28 =	simm.s32 $0x4600;
	[sflag:s29] =	ssyncadd.s32 $0xFFFFE000  }
0xba: {  	[spmem:s2] =	stream.indirect.scatter.add.f32 [tilespmem:s21], [sflag:$0x4], $0x10, s28, s19, $0xb8;
	[tilespmem:$0xE710] =	vst v63  }
0xbb: {  	_ =	swait.ge [sflag:s31], $0x2000  }
0xbc: {  	[sflag:s31] =	ssyncset.done $0x0  }
0xbd: {  	s28 =	simm.s32 $0x2200;
	[sflag:s31] =	ssyncadd.s32 $0xFFFFE000  }
0xbe: {  	[tilespmem:s21], [sflag:$0x2] =	stream.indirect.gather [spmem:s3], $0x10, s28, s19, $0xb8;
	[tilespmem:$0xE710] =	vst v63  }
0xbf: {  	_ =	swait.ge [sflag:s22], $0x2000  }
0xc0: {  	[sflag:s22] =	ssyncset.done $0x0  }
0xc1: {  	s28 =	simm.s32 $0x4800;
	[sflag:s22] =	ssyncadd.s32 $0xFFFFE000  }
0xc2: {  	[spmem:s2] =	stream.indirect.scatter.add.f32 [tilespmem:s20], [sflag:$0x3], $0x10, s28, s19, $0xb8;
	[tilespmem:$0xE710] =	vst v63  }
0xc3: {  	_ =	swait.ge [sflag:s26], $0x2000  }
0xc4: {  	[sflag:s26] =	ssyncset.done $0x0  }
0xc5: {  	s28 =	simm.s32 $0x2400;
	[sflag:s26] =	ssyncadd.s32 $0xFFFFE000  }
0xc6: {  	[tilespmem:s20], [sflag:$0x1] =	stream.indirect.gather [spmem:s3], $0x10, s28, s19, $0xb8;
	[tilespmem:$0xE710] =	vst v63  }
0xc7: {  	_ =	swait.ge [sflag:s29], $0x2000  }
0xc8: {  	[sflag:s29] =	ssyncset.done $0x0  }
0xc9: {  	s28 =	simm.s32 $0x4A00;
	[sflag:s29] =	ssyncadd.s32 $0xFFFFE000  }
0xca: {  	[spmem:s2] =	stream.indirect.scatter.add.f32 [tilespmem:s21], [sflag:$0x4], $0x10, s28, s19, $0xb8;
	[tilespmem:$0xE710] =	vst v63  }
0xcb: {  	_ =	swait.ge [sflag:s31], $0x2000  }
0xcc: {  	[sflag:s31] =	ssyncset.done $0x0  }
0xcd: {  	s28 =	simm.s32 $0x2600;
	[sflag:s31] =	ssyncadd.s32 $0xFFFFE000  }
0xce: {  	[tilespmem:s21], [sflag:$0x2] =	stream.indirect.gather [spmem:s3], $0x10, s28, s19, $0xb8;
	[tilespmem:$0xE710] =	vst v63  }
0xcf: {  	_ =	swait.ge [sflag:s22], $0x2000  }
0xd0: {  	[sflag:s22] =	ssyncset.done $0x0  }
0xd1: {  	s28 =	simm.s32 $0x4C00;
	[sflag:s22] =	ssyncadd.s32 $0xFFFFE000  }
0xd2: {  	[spmem:s2] =	stream.indirect.scatter.add.f32 [tilespmem:s20], [sflag:$0x3], $0x10, s28, s19, $0xb8;
	[tilespmem:$0xE710] =	vst v63  }
0xd3: {  	_ =	swait.ge [sflag:s26], $0x2000  }
0xd4: {  	[sflag:s26] =	ssyncset.done $0x0  }
0xd5: {  	[sflag:s26] =	ssyncadd.s32 $0xFFFFE000  }
0xd6: {  	_ =	swait.ge [sflag:s29], $0x2000  }
0xd7: {  	[sflag:s29] =	ssyncset.done $0x0  }
0xd8: {  	[sflag:s29] =	ssyncadd.s32 $0xFFFFE000  }
0xd9: {  	[spmem:s2] =	stream.indirect.scatter.add.f32 [tilespmem:s21], [sflag:$0x4], $0x10, s1, s19, $0xb8;
	[tilespmem:$0xE710] =	vst v63  }
0xda: {  	_ =	swait.ge [sflag:s31], $0x2000  }
0xdb: {  	[sflag:s31] =	ssyncset.done $0x0  }
0xdc: {  	[sflag:s31] =	ssyncadd.s32 $0xFFFFE000  }
0xdd: {  	[bflag:$0x0] =	sbarrier.arrive $0xFFFF  }
0xde: {  	[hbm:s23], [sflag:s0] =	dma.local [spmem:s24], $0x4E0  }
0xdf: {  	_ =	swait.ge [sflag:s16], $0x4E0  }
0xe0: {  	s30 =	sadd.s32 $0x1, s30;
	[sflag:s16] =	ssyncset.done $0x0  }
0xe1: {  	p1 =	sne.s32 s30, s14;
	s28 =	sadd.s32 @!p0 $0x4E00, s13;
	[sflag:s16] =	ssyncadd.s32 $0xFFFFFB20  }
0xe2: {  	[hbm:s28], [sflag:s0] =	dma.local @!p0 [spmem:s25], $0x20  }
.Ltmp1:
0xe3: {  	_ = 	snop;
	(pc) =	sbr.rel @p1 .LBB2_1-.Ltmp1, $4  }
0xe4: {  	s0 =	simm.s32 @!p0 $0x5  }
0xe5: {  	_ =	swait.ge @!p0 [sflag:s0], $0x20  }
0xe6: {  	[sflag:s0] =	ssyncset.done @!p0 $0x0  }
0xe7: {  	[sflag:s0] =	ssyncadd.s32 @!p0 $0xFFFFFFE0  }
0xe8: {  	_ =	sfence.sel $0x180000  }
0xe9: {  	[bflag:$0x0] =	sbarrier.arrive $0xFFFF  }
0xea: {  	_ =	strace $0x9000004D  }
0xeb: {  	s0 =	stileid.u32;
	[bflag:$0x2] =	sbarrier.arrive $0xFFFF  }
0xec: {  	p0 =	sne.s32 s0, $0x0;
	s0 =	rddreg [dreg:$0x3]  }
0xed: {  	s0 =	sadd.s32 @!p0 $0x100000, s0  }
0xee: {  	[sflag:s0] =	ssyncadd.tile.s32 @!p0 $0x1;
	_ =	shalt  }
.Lfunc_end2:
_tile_overlayer_lowered:
.L_overlay_start_2:
0xef: {  	(tag) =	ssettag $0x2  }
0xf0: {  	s0 =	rddreg [dreg:$0x0];
	s2 =	stileid.u32  }
0xf1: {  	s1 =	rddreg [dreg:$0x1];
	p0 =	sne.s32 s2, $0x0  }
0xf2: {  	s3 =	rddreg [dreg:$0x2];
	[bflag:$0x3] =	sbarrier.arrive $0xFFFF;
	s2 =	simm.s32 @!p0 $0x1C05  }
0xf3: {  	[timem:s3], [sflag:s2] =	dma.local @!p0 [hbm:s0], s1  }
0xf4: {  	s0 =	simm.s32 @!p0 $0x5  }
0xf5: {  	_ =	swait.ge @!p0 [sflag:s0], s1  }
0xf6: {  	s1 =	ssub.s32 @!p0 $0x0, s1;
	[sflag:s0] =	ssyncset.done @!p0 $0x0  }
0xf7: {  	[sflag:s0] =	ssyncadd.s32 @!p0 s1  }
0xf8: {  	[bflag:$0x3] =	sbarrier.arrive $0xFFFF  }
0xf9: {  	_ =	shalt  }

// kernel: kernel.9.cloned.1.call-start
scs
__scs_entry_jumppad:
0x0: {  	(pc) =	sbr.rel $0x88, $3  }
0x1: {  	(tag) =	ssettag $0x0;
	lr =	simm.s32 $0x1  }
0x2: {  	[smem:$0x3F8F] =	sst lr;
	_ =	strace $0xD0000000  }
0x3: {  	_ = 	snop  }
0x4: {  	_ = 	snop  }
0x5: {  	_ = 	snop  }
0x6: {  	_ = 	snop  }
0x7: {  	_ = 	snop  }
__scs_overlays_trampoline_lowered:
0x8: {  	[smem:$0x3F9E] =	sst s0  }
0x9: {  	[smem:$0x3F9F] =	sst s1  }
0xa: {  	[smem:$0x3FA0] =	sst s2  }
0xb: {  	[smem:$0x3FA1] =	sst s3  }
0xc: {  	[smem:$0x3FA2] =	sst s4  }
0xd: {  	[smem:$0x3FA3] =	sst s5  }
0xe: {  	[smem:$0x3FA4] =	sst s6  }
0xf: {  	[smem:$0x3FA5] =	sst s7  }
0x10: {  	[smem:$0x3FA6] =	sst s8  }
0x11: {  	[smem:$0x3FA7] =	sst s9;
	s0 =	simm.s32 @!p0 $0x0  }
0x12: {  	s1 =	sld [smem:$0x3F8D];
	s0 =	simm.s32 @p0 $0x1  }
0x13: {  	[smem:$0x3FA8] =	sst s0;
	s0 =	simm.s32 @!p1 $0x0  }
0x14: {  	s2 =	sld [smem:$0x3F8C];
	s0 =	simm.s32 @p1 $0x1  }
0x15: {  	[smem:$0x3FA9] =	sst s0;
	s0 =	simm.s32 @!p2 $0x0  }
0x16: {  	s3 =	sld [smem:$0x3FDB];
	s0 =	simm.s32 @p2 $0x1  }
0x17: {  	s4 =	simm.s32 $0x1BF5;
	[smem:$0x3FAB] =	sst s0  }
0x18: {  	s0 =	sld [smem:$0x3F8E];
	_ =	swait.ge [sflag:s4], $0x0  }
0x19: {  	s7 =	sld [smem:$0x3F8F]  }
0x1a: {  	s8 =	sadd.s32 $0xFFFFE003, lr  }
0x1b: {  	s9 =	sadd.s32 $0xFFFFFEF7, lr;
	s5 =	simm.s32 $0xFFFFFFFF;
	p2 =	slt.u32 s8, $0xFFFFF086  }
0x1c: {  	p1 =	slt.u32 s9, $0xF7A;
	s5 =	simm.s32 @!p2 $0x0  }
0x1d: {  	s5 =	simm.s32 @p1 $0x1;
	p0 =	seq.s32 s7, s2  }
0x1e: {  	s7 =	smul.u32 @!p0 $0xF7A, s2;
	p2 =	seq.s32 @!p0 s5, $0x0  }
0x1f: {  	s9 =	smul.u32 $0xF7A, s1;
	s8 =	simm.s32 @!p0 $0x1BF5;
	p2 =	por !p2, p0  }
0x20: {  	[sflag:s8] =	ssyncset.s32 @!p0 $0xFFFFF086;
	s6 =	sadd.s32 @!p0 s3, s7;
	s7 =	simm.s32 @!p0 $0x108  }
0x21: {  	s3 =	sadd.s32 s3, s9;
	s6 =	sadd.s32 @!p0 $0x88, s6;
	s7 =	simm.s32 @p2 $0x1082  }
0x22: {  	[simem:s7], [sflag:s8] =	dma.local @!p0 [hbm:s6], $0xF7A  }
0x23: {  	s9 =	sor.u32 $0xD0000000, s2;
	s6 =	simm.s32 $0x108;
	_ =	swait.ge @!p0 [sflag:s8], $0x0  }
0x24: {  	s3 =	sadd.s32 $0x88, s3;
	s6 =	simm.s32 @!p1 $0x1082;
	[sflag:s4] =	ssyncset.s32 $0xFFFFF086  }
0x25: {  	[simem:s6], [sflag:s4] =	dma.local [hbm:s3], $0xF7A  }
0x26: {  	[smem:$0x3F8F] =	sst s1;
	(tag) =	ssettag s2;
	_ =	strace s9  }
0x27: {  	s1 =	sld [smem:$0x3F9F]  }
0x28: {  	s2 =	sld [smem:$0x3FA0]  }
0x29: {  	s4 =	sld [smem:$0x3FA2]  }
0x2a: {  	p0 =	seq.s32 s5, $0x0;
	s5 =	sld [smem:$0x3FA3]  }
0x2b: {  	s6 =	sld [smem:$0x3FA4]  }
0x2c: {  	s7 =	sld [smem:$0x3FA5]  }
0x2d: {  	s3 =	simm.s32 $0x108;
	s8 =	sld [smem:$0x3FA6]  }
0x2e: {  	s3 =	simm.s32 @!p0 $0x1082;
	s9 =	sld [smem:$0x3FA7]  }
0x2f: {  	lr =	sadd.s32 s0, s3;
	s0 =	sld [smem:$0x3F9E]  }
0x30: {  	s3 =	sld [smem:$0x3FA1]  }
0x31: {  	[smem:$0x3FAA] =	sst s10  }
0x32: {  	s10 =	sld [smem:$0x3FA8];
	_ =	sdelay $0x3  }
0x33: {  	p0 =	seq.s32 s10, $0x1;
	s10 =	sld [smem:$0x3FAA];
	_ =	sdelay $0x3  }
0x34: {  	[smem:$0x3FAA] =	sst s10  }
0x35: {  	s10 =	sld [smem:$0x3FA9];
	_ =	sdelay $0x3  }
0x36: {  	p1 =	seq.s32 s10, $0x1;
	s10 =	sld [smem:$0x3FAA];
	_ =	sdelay $0x3  }
0x37: {  	[smem:$0x3FAA] =	sst s10  }
0x38: {  	s10 =	sld [smem:$0x3FAB]  }
0x39: {  	_ = 	snop;
	(pc) =	sbr.ind lr, $3  }
0x3a: {  	_ = 	snop  }
0x3b: {  	_ = 	snop  }
0x3c: {  	p2 =	seq.s32 s10, $0x1;
	s10 =	sld [smem:$0x3FAA]  }
0x3d: {  	_ =	shalt  }
0x3e: {  	_ =	shalt  }
0x3f: {  	_ =	shalt  }
0x40: {  	_ =	shalt  }
0x41: {  	_ =	shalt  }
0x42: {  	_ =	shalt  }
0x43: {  	_ =	shalt  }
0x44: {  	_ =	shalt  }
0x45: {  	_ =	shalt  }
0x46: {  	_ =	shalt  }
0x47: {  	_ =	shalt  }
0x48: {  	_ =	shalt  }
0x49: {  	_ =	shalt  }
0x4a: {  	_ =	shalt  }
0x4b: {  	_ =	shalt  }
0x4c: {  	_ =	shalt  }
0x4d: {  	_ =	shalt  }
0x4e: {  	_ =	shalt  }
0x4f: {  	_ =	shalt  }
0x50: {  	_ =	shalt  }
0x51: {  	_ =	shalt  }
0x52: {  	_ =	shalt  }
0x53: {  	_ =	shalt  }
0x54: {  	_ =	shalt  }
0x55: {  	_ =	shalt  }
0x56: {  	_ =	shalt  }
0x57: {  	_ =	shalt  }
0x58: {  	_ =	shalt  }
0x59: {  	_ =	shalt  }
0x5a: {  	_ =	shalt  }
0x5b: {  	_ =	shalt  }
0x5c: {  	_ =	shalt  }
0x5d: {  	_ =	shalt  }
0x5e: {  	_ =	shalt  }
0x5f: {  	_ =	shalt  }
0x60: {  	_ =	shalt  }
0x61: {  	_ =	shalt  }
0x62: {  	_ =	shalt  }
0x63: {  	_ =	shalt  }
0x64: {  	_ =	shalt  }
0x65: {  	_ =	shalt  }
0x66: {  	_ =	shalt  }
0x67: {  	_ =	shalt  }
0x68: {  	_ =	shalt  }
0x69: {  	_ =	shalt  }
0x6a: {  	_ =	shalt  }
0x6b: {  	_ =	shalt  }
0x6c: {  	_ =	shalt  }
0x6d: {  	_ =	shalt  }
0x6e: {  	_ =	shalt  }
0x6f: {  	_ =	shalt  }
0x70: {  	_ =	shalt  }
0x71: {  	_ =	shalt  }
0x72: {  	_ =	shalt  }
0x73: {  	_ =	shalt  }
0x74: {  	_ =	shalt  }
0x75: {  	_ =	shalt  }
0x76: {  	_ =	shalt  }
0x77: {  	_ =	shalt  }
0x78: {  	_ =	shalt  }
0x79: {  	_ =	shalt  }
0x7a: {  	_ =	shalt  }
0x7b: {  	_ =	shalt  }
0x7c: {  	_ =	shalt  }
0x7d: {  	_ =	shalt  }
0x7e: {  	_ =	shalt  }
0x7f: {  	_ =	shalt  }
0x80: {  	_ =	shalt  }
0x81: {  	_ =	shalt  }
0x82: {  	_ =	shalt  }
0x83: {  	_ =	shalt  }
0x84: {  	_ =	shalt  }
0x85: {  	_ =	shalt  }
0x86: {  	_ =	shalt  }
0x87: {  	_ =	shalt  }
.Lfunc_end0:
.L_simem_size_0:
called_computation_lowered:
.L_overlay_start_0:
0x88: {  	s2 =	sld [smem:$0x3FD9]  }
0x89: {  	s3 =	sld [smem:$0x3FFE];
	_ =	sdelay $0x1  }
0x8a: {  	s1 =	srdreg.scid  }
0x8b: {  	s0 =	sand.u32 $0x1, s1  }
0x8c: {  	s16 =	sshll.u32 s0, $0xA;
	s2 =	sadd.s32 s3, s2  }
0x8d: {  	s2 =	sadd.s32 s2, s16  }
0x8e: {  	[smem:$0x3FB6] =	sst s2  }
0x8f: {  	_ = 	snop  }
0x90: {  	(tm) =	ssettm $0x1  }
0x91: {  	s17 =	sld [smem:$0x3FFB];
	_ =	sdelay $0x3  }
0x92: {  	_ =	strace s17  }
0x93: {  	s2 =	sld [smem:$0x3FFC];
	_ =	sdelay $0x3  }
0x94: {  	_ =	strace s2  }
0x95: {  	s2 =	sld [smem:$0x3FFD];
	_ =	sdelay $0x3  }
0x96: {  	_ =	strace s2  }
0x97: {  	_ =	strace $0x8FFFFFFF  }
0x98: {  	s18 =	sld [smem:$0x3FDB];
	_ =	sdelay $0x1  }
0x99: {  	s19 =	simm.s32 $_scs_section_size  }
0x9a: {  	s4 =	simm.s32 $_size__tile_overlayer_lowered;
	s5 =	simm.s32 $_tile_overlayer_lowered  }
0x9b: {  	s22 =	simm.s32 $0x1BFF;
	s21 =	sshll.u32 s5, $0x1;
	s2 =	sadd.s32 s19, s18  }
0x9c: {  	s6 =	simm.s32 $0x0;
	s20 =	sshll.u32 s4, $0x1;
	s4 =	sadd.s32 s21, s2  }
0x9d: {  	[timem:s6], [sflag:s22] =	dma.local [hbm:s4], s20  }
0x9e: {  	_ =	swait.ge [sflag:s22], s20  }
0x9f: {  	s3 =	ssub.s32 $0x0, s20;
	[sflag:s22] =	ssyncset.done $0x0  }
0xa0: {  	[sflag:s22] =	ssyncadd.s32 s3;
	_ =	sdelay $0x1  }
0xa1: {  	s23 =	simm.s32 $0x1B8B  }
0xa2: {  	_ =	swait.ge [sflag:s23], $0x1  }
0xa3: {  	[sflag:s23] =	ssyncset.done $0x0  }
0xa4: {  	s25 =	simm.s32 $0x1B8E;
	s24 =	sld [smem:$0x3FFE];
	[sflag:s23] =	ssyncadd.s32 $0xFFFFFFFF  }
0xa5: {  	s26 =	simm.s32 $execute0_lowered;
	[smem:$0x3FD2] =	sst s25  }
0xa6: {  	s4 =	sshll.u32 s26, $0x1;
	_ =	strace $0x80000046;
	[dreg:$0x1] =	wrdreg $0xFFFFFFFF  }
0xa7: {  	s28 =	simm.s32 $_size_execute0_lowered;
	s2 =	sadd.s32 s2, s4;
	[dreg:$0x0] =	wrdreg $0x0  }
0xa8: {  	s4 =	sshll.u32 s28, $0x1;
	[dreg:$0x2] =	wrdreg s2  }
0xa9: {  	[dreg:$0x3] =	wrdreg s4  }
0xaa: {  	[dreg:$0x4] =	wrdreg $0xC0  }
0xab: {  	_ =	task [dreg:s6], $0x5FFFF  }
0xac: {  	[dreg:$0x1] =	wrdreg $0xFFFFFFFF  }
0xad: {  	[dreg:$0x0] =	wrdreg $0x60  }
0xae: {  	[dreg:$0x2] =	wrdreg s24  }
0xaf: {  	[dreg:$0x3] =	wrdreg $0x11F800  }
0xb0: {  	[dreg:$0x4] =	wrdreg $0xA2800  }
0xb1: {  	[dreg:$0x5] =	wrdreg $0x9  }
0xb2: {  	_ =	task.clear_ibuf [dreg:s6], $0x6FFFF;
	_ =	strace $0x90000046  }
0xb3: {  	s29 =	simm.s32 $0x9;
	_ =	strace $0x80000048  }
0xb4: {  	_ =	swait.ge [sflag:s29], $0x1  }
0xb5: {  	[sflag:s29] =	ssyncadd.s32 $0xFFFFFFFF  }
0xb6: {  	_ =	strace $0x90000048  }
0xb7: {  	_ =	sfence  }
0xb8: {  	s30 =	sld [smem:$0x0];
	_ =	sdelay $0x2  }
0xb9: {  	s31 =	sshll.u32 s1, $0xD;
	s1 =	sshrl.u32 s1, $0x2  }
0xba: {  	s3 =	sand.u32 $0x4000, s31;
	s1 =	sadd.s32 s1, s30  }
0xbb: {  	s0 =	sor.u32 s3, s0;
	s1 =	sshll.u32 s1, $0x11  }
0xbc: {  	s0 =	sor.u32 s1, s0  }
0xbd: {  	s0 =	sadd.s32 $0x8F2B, s0  }
0xbe: {  	[sflag:s0] =	ssyncadd.remote.s32 $0x1  }
0xbf: {  	_ =	sfence.sel $0xFFFF  }
0xc0: {  	[dreg:$0x0] =	wrdreg $0xFFFFFFFF;
	(pc) =	sbr.abs _section_cstart, $3  }
0xc1: {  	[dreg:$0x1] =	wrdreg $0xFFFFFFFF  }
0xc2: {  	_ =	task.clear_ibuf [dreg:s6], $0x2FFFF;
	_ =	strace $0x9FFFFFFF  }
0xc3: {  	(tm) =	ssettm $0x7FFFFFFF  }
tec
execute0_lowered:
.L_overlay_start_1:
0x0: {  	(tag) =	ssettag $0x1  }
0x1: {  	s0 =	rddreg [dreg:$0x0]  }
0x2: {  	s1 =	rddreg [dreg:$0x1]  }
0x3: {  	s3 =	rddreg [dreg:$0x2];
	s4 =	simm.s32 $0x0  }
0x4: {  	s17 =	stileid.u32;
	s2 =	srdreg.scid;
	s31 =	simm.s32 $0x9A80  }
0x5: {  	[smem:$0x7FF] =	sst s4;
	s6 =	smul.u32 $0x7D00, s17;
	s2 =	sand.u32 $0x1, s2  }
0x6: {  	s5 =	sshll.u32 s17, $0x1;
	s8 =	sadd.s32 $0x28000, s0;
	s11 =	sadd.s32 $0x17200, s0  }
0x7: {  	s16 =	smul.u32 $0xA000, s17;
	s13 =	sadd.s32 $0x6D000, s0;
	p1 =	sne.s32 s17, $0xF  }
0x8: {  	_ =	strace $0x80000047;
	s7 =	sor.u32 s2, s5;
	s12 =	smul.u32 $0x4E20, s2  }
0x9: {  	s2 =	ssub.s32 $0x2, s2;
	s15 =	sshrl.u32 s6, $0x3;
	s9 =	smul.u32 $0x500, s7  }
0xa: {  	s5 =	sshrl.u32 s16, $0x2;
	s14 =	smul.u32 $0x3, s7;
	s18 =	sshrl.u32 s2, $0x1  }
0xb: {  	p0 =	slt.u32 s7, $0x1D;
	s6 =	sadd.s32 s6, s3;
	s26 =	sshllo.u32 s7, $0x2  }
0xc: {  	s10 =	sadd.s32 s15, s0;
	s5 =	sadd.s32 s5, s1;
	s15 =	sshll.u32 s7, $0x2  }
0xd: {  	s2 =	ssub.s32 s2, s18;
	s16 =	smul.u32 $0x28, s26;
	s9 =	sadd.s32 s9, s0  }
0xe: {  	s0 =	sadd.s32 s12, s0;
	s19 =	sadd.s32 $0x800, s5;
	[dreg:$0x9] =	wrdreg s5  }
0xf: {  	s14 =	sadd.s32 $0x1D, s14;
	s20 =	sadd.s32 $0x1000, s5;
	[dreg:$0x4] =	wrdreg s19  }
0x10: {  	s21 =	sadd.s32 $0x1800, s5;
	s23 =	sadd.s32 $0x2000, s5;
	[dreg:$0x5] =	wrdreg s20  }
0x11: {  	s10 =	sadd.s32 $0x18600, s10;
	s2 =	smax.u32 s2, $0x1;
	[dreg:$0x6] =	wrdreg s21  }
0x12: {  	s14 =	smov.u32 @p0 s15;
	[dreg:$0x7] =	wrdreg s23;
	s19 =	smul.u32 $0x2700, s17  }
0x13: {  	[dreg:$0x8] =	wrdreg s10;
	s21 =	sadd.s32 $0x4F200, s9;
	s22 =	smul.u32 $0x28, s14  }
0x14: {  	p0 =	sgt.u32 s7, $0x1C;
	s7 =	sadd.s32 $0x27000, s1;
	s24 =	smul.u32 $0x2800, s14  }
0x15: {  	[dreg:$0x12] =	wrdreg s2;
	s2 =	simm.s32 $0x280;
	s25 =	smul.u32 $0x500, s14  }
0x16: {  	s9 =	simm.s32 $0x140;
	s17 =	simm.s32 $0x200;
	s14 =	smul.u32 $0x500, s26  }
0x17: {  	[dreg:$0x10] =	wrdreg s21;
	s21 =	simm.s32 $0x6;
	s23 =	sshrl.u32 s19, $0x3  }
0x18: {  	s12 =	sadd.s32 s11, s22;
	s15 =	sshrl.u32 s24, $0x3;
	s18 =	sadd.s32 s8, s25  }
0x19: {  	s28 =	sadd.s32 s13, s25;
	s14 =	sadd.s32 s8, s14;
	s22 =	sadd.s32 $0x63200, s0  }
0x1a: {  	s8 =	sadd.s32 s19, s1;
	s24 =	sshrl.u32 s6, $0x3;
	[dreg:$0xa] =	wrdreg s28  }
0x1b: {  	s6 =	simm.s32 $0x50;
	s19 =	simm.s32 $0x5;
	[dreg:$0xd] =	wrdreg s14  }
0x1c: {  	s15 =	sadd.s32 s13, s15;
	s13 =	sadd.s32 s11, s16;
	[dreg:$0x13] =	wrdreg s24  }
0x1d: {  	[dreg:$0x11] =	wrdreg s22;
	s0 =	sadd.s32 s23, s22;
	s25 =	sshrl.u32 s8, $0x3  }
0x1e: {  	s26 =	sadd.s32 $0x28, s12;
	s28 =	sadd.s32 $0x500, s18;
	[dreg:$0xc] =	wrdreg s13  }
0x1f: {  	s29 =	sadd.s32 $0x50, s12;
	s5 =	smov.u32 s18;
	[dreg:$0x14] =	wrdreg s0  }
0x20: {  	s30 =	sadd.s32 $0xA00, s18;
	s8 =	simm.s32 $0xF0;
	[dreg:$0x15] =	wrdreg s25  }
0x21: {  	s14 =	simm.s32 $0x3;
	s18 =	simm.s32 $0x7A80;
	[dreg:$0x17] =	wrdreg s26  }
0x22: {  	s22 =	simm.s32 $0x4;
	s10 =	sadd.s32 $0x500, s15;
	[dreg:$0x18] =	wrdreg s28  }
0x23: {  	s11 =	simm.s32 $0x0;
	s16 =	sadd.s32 $0xA00, s15;
	[dreg:$0xb] =	wrdreg s10  }
0x24: {  	s20 =	sadd.s32 $0xF00, s15;
	s0 =	sshrl.u32 @!p1 s7, $0x3;
	[dreg:$0xe] =	wrdreg s16  }
0x25: {  	s26 =	smov.u32 s12;
	s7 =	simm.s32 $0xA0;
	[dreg:$0xf] =	wrdreg s20  }
0x26: {  	s13 =	simm.s32 $0x1;
	s15 =	simm.s32 $0x2;
	[dreg:$0x16] =	wrdreg s0  }
0x27: {  	v0 =	vimm.f32 $1.000000000e+00;
	v1 =	vimm.f32 $0.0e+00;
	s0 =	simm.s32 $0x7;
	s10 =	simm.s32 $0x2A80;
	s16 =	simm.s32 $0x5280  }
.LBB2_1:
0x28: {  	s23 =	simm.s32 $0x0  }
.LBB2_2:
0x29: {  	p2 =	sne.s32 s23, $0x7FC0  }
.Ltmp0:
0x2a: {  	_ = 	snop;
	(pc) =	sbr.rel @p2 .LBB2_2-.Ltmp0, $3  }
0x2b: {  	_ =	sdelay $0x1  }
0x2c: {  	s24 =	sshra.s32 s23, $0x2  }
0x2d: {  	s23 =	sadd.s32 $0x40, s23;
	[tilespmem:s24+$0x7A80] =	vst v0  }
0x2e: {  	s23 =	simm.s32 $0x40;
	s24 =	simm.s32 $0x0  }
.LBB2_4:
0x2f: {  	p2 =	sne.s32 s23, $0x1FC0;
	[tilespmem:s24+$0x9A80] =	vst v1;
	s24 =	smov.u32 s23;
	s23 =	sadd.s32 $0x40, s23  }
.Ltmp1:
0x30: {  	(pc) =	sbr.rel @p2 .LBB2_4-.Ltmp1, $2  }
0x31: {  	_ =	sdelay $0x2  }
0x32: {  	s24 =	sshra.s32 s24, $0x2  }
0x33: {  	[tilespmem:s24+$0x9A80] =	vst v1;
	s12 =	rddreg [dreg:$0x9]  }
0x34: {  	[spmem:s12] =	stream.linear.scatter [tilespmem:s31], [sflag:$0x7], $0x800, $0x38;
	[tilespmem:$0x14780] =	vst v63  }
0x35: {  	_ =	swait.ge [sflag:s0], $0x800  }
0x36: {  	[sflag:s0] =	ssyncset.done $0x0  }
0x37: {  	s28 =	rddreg [dreg:$0x4];
	[sflag:s0] =	ssyncadd.s32 $0xFFFFF800  }
0x38: {  	[spmem:s28] =	stream.linear.scatter [tilespmem:s31], [sflag:$0x7], $0x800, $0x38;
	[tilespmem:$0x14780] =	vst v63  }
0x39: {  	_ =	swait.ge [sflag:s0], $0x800  }
0x3a: {  	[sflag:s0] =	ssyncset.done $0x0  }
0x3b: {  	s20 =	rddreg [dreg:$0x5];
	[sflag:s0] =	ssyncadd.s32 $0xFFFFF800  }
0x3c: {  	[spmem:s20] =	stream.linear.scatter [tilespmem:s31], [sflag:$0x7], $0x800, $0x38;
	[tilespmem:$0x14780] =	vst v63  }
0x3d: {  	_ =	swait.ge [sflag:s0], $0x800  }
0x3e: {  	[sflag:s0] =	ssyncset.done $0x0  }
0x3f: {  	s23 =	rddreg [dreg:$0x6];
	[sflag:s0] =	ssyncadd.s32 $0xFFFFF800  }
0x40: {  	[spmem:s23] =	stream.linear.scatter [tilespmem:s31], [sflag:$0x7], $0x800, $0x38;
	[tilespmem:$0x14780] =	vst v63  }
0x41: {  	_ =	swait.ge [sflag:s0], $0x800  }
0x42: {  	[sflag:s0] =	ssyncset.done $0x0  }
0x43: {  	s24 =	rddreg [dreg:$0x7];
	[sflag:s0] =	ssyncadd.s32 $0xFFFFF800  }
0x44: {  	[spmem:s24] =	stream.linear.scatter [tilespmem:s31], [sflag:$0x7], $0x800, $0x38;
	[tilespmem:$0x14780] =	vst v63  }
0x45: {  	s25 =	stileid.u32;
	_ =	swait.ge [sflag:s0], $0x800  }
0x46: {  	s23 =	sshll.u32 s25, $0x6;
	[sflag:s0] =	ssyncset.done $0x0;
	s28 =	rddreg [dreg:$0x8]  }
0x47: {  	s23 =	sor.u32 $0x1C07, s23;
	s20 =	rddreg [dreg:$0x13];
	[sflag:s0] =	ssyncadd.s32 $0xFFFFF800  }
0x48: {  	[spmem:s20], [sflag:s23] =	dma.local [hbm:s28], $0xFA0  }
0x49: {  	_ =	swait.ge [sflag:s0], $0xFA0  }
0x4a: {  	[sflag:s0] =	ssyncset.done $0x0  }
0x4b: {  	[sflag:s0] =	ssyncadd.s32 $0xFFFFF060  }
0x4c: {  	[bflag:$0x0] =	sbarrier.arrive $0xFFFF  }
0x4d: {  	[tilespmem:s4], [sflag:$0x7] =	stream.linear.gather [hbm4b:s26+s4], $0x140, $0x38;
	[tilespmem:$0x14780] =	vst v63  }
0x4e: {  	_ =	swait.ge [sflag:s0], $0x140  }
0x4f: {  	[sflag:s0] =	ssyncset.done $0x0  }
0x50: {  	[sflag:s0] =	ssyncadd.s32 $0xFFFFFEC0  }
0x51: {  	[tilespmem:s2], [sflag:$0x7] =	stream.linear.gather [hbm4b:s5+s4], $0x2800, $0x38;
	[tilespmem:$0x14780] =	vst v63  }
0x52: {  	_ =	swait.ge [sflag:s0], $0x2800  }
0x53: {  	[sflag:s0] =	ssyncset.done $0x0  }
0x54: {  	[sflag:s0] =	ssyncadd.s32 $0xFFFFD800  }
0x55: {  	[tilespmem:s2], [sflag:$0x1] =	stream.indirect.gather.add.f32 [spmem:s3], $0x80, s4, s6, $0xb8;
	[tilespmem:$0x14780] =	vst v63  }
0x56: {  	_ = 	snop  }
0x57: {  	[tilespmem:s2], [sflag:$0x1] =	stream.indirect.gather.add.f32 [spmem:s3], $0x80, s6, s6, $0xb8;
	[tilespmem:$0x14780] =	vst v63  }
0x58: {  	_ = 	snop  }
0x59: {  	[tilespmem:s2], [sflag:$0x1] =	stream.indirect.gather.add.f32 [spmem:s3], $0x80, s7, s6, $0xb8;
	[tilespmem:$0x14780] =	vst v63  }
0x5a: {  	_ = 	snop  }
0x5b: {  	[tilespmem:s2], [sflag:$0x1] =	stream.indirect.gather.add.f32 [spmem:s3], $0x80, s8, s6, $0xb8;
	[tilespmem:$0x14780] =	vst v63  }
0x5c: {  	s20 =	rddreg [dreg:$0x17]  }
0x5d: {  	[tilespmem:s9], [sflag:$0x7] =	stream.linear.gather [hbm4b:s20+s4], $0x140, $0x38;
	[tilespmem:$0x14780] =	vst v63  }
0x5e: {  	_ =	swait.ge [sflag:s0], $0x140  }
0x5f: {  	[sflag:s0] =	ssyncset.done $0x0  }
0x60: {  	s24 =	rddreg [dreg:$0x18];
	[sflag:s0] =	ssyncadd.s32 $0xFFFFFEC0  }
0x61: {  	[tilespmem:s10], [sflag:$0x7] =	stream.linear.gather [hbm4b:s24+s4], $0x2800, $0x38;
	[tilespmem:$0x14780] =	vst v63  }
0x62: {  	_ =	swait.ge [sflag:s0], $0x2800  }
0x63: {  	[sflag:s0] =	ssyncset.done $0x0  }
0x64: {  	[sflag:s0] =	ssyncadd.s32 $0xFFFFD800  }
0x65: {  	[tilespmem:s10], [sflag:$0x2] =	stream.indirect.gather.add.f32 [spmem:s3], $0x80, s9, s6, $0xb8;
	[tilespmem:$0x14780] =	vst v63  }
0x66: {  	s25 =	simm.s32 $0x190  }
0x67: {  	[tilespmem:s10], [sflag:$0x2] =	stream.indirect.gather.add.f32 [spmem:s3], $0x80, s25, s6, $0xb8;
	[tilespmem:$0x14780] =	vst v63  }
0x68: {  	s28 =	simm.s32 $0x1E0  }
0x69: {  	[tilespmem:s10], [sflag:$0x2] =	stream.indirect.gather.add.f32 [spmem:s3], $0x80, s28, s6, $0xb8;
	[tilespmem:$0x14780] =	vst v63  }
0x6a: {  	s20 =	simm.s32 $0x230  }
0x6b: {  	[tilespmem:s10], [sflag:$0x2] =	stream.indirect.gather.add.f32 [spmem:s3], $0x80, s20, s6, $0xb8;
	[tilespmem:$0x14780] =	vst v63  }
0x6c: {  	_ =	swait.ge [sflag:s13], $0x2800  }
0x6d: {  	[sflag:s13] =	ssyncset.done $0x0  }
0x6e: {  	[sflag:s13] =	ssyncadd.s32 $0xFFFFD800  }
0x6f: {  	_ =	swait.ge [sflag:s13], $0x2800  }
0x70: {  	[sflag:s13] =	ssyncset.done $0x0  }
0x71: {  	[sflag:s13] =	ssyncadd.s32 $0xFFFFD800  }
0x72: {  	_ =	swait.ge [sflag:s13], $0x2800  }
0x73: {  	[sflag:s13] =	ssyncset.done $0x0  }
0x74: {  	[sflag:s13] =	ssyncadd.s32 $0xFFFFD800  }
0x75: {  	_ =	swait.ge [sflag:s13], $0x2800  }
0x76: {  	[sflag:s13] =	ssyncset.done $0x0  }
0x77: {  	s24 =	rddreg [dreg:$0xa];
	[sflag:s13] =	ssyncadd.s32 $0xFFFFD800  }
0x78: {  	[hbm4b:s24+s4] =	stream.linear.scatter [tilespmem:s2], [sflag:$0x3], $0x2800, $0x38;
	[tilespmem:$0x14780] =	vst v63  }
0x79: {  	_ =	swait.ge [sflag:s14], $0x2800  }
0x7a: {  	[sflag:s14] =	ssyncset.done $0x0  }
0x7b: {  	[sflag:s14] =	ssyncadd.s32 $0xFFFFD800  }
0x7c: {  	[tilespmem:s4], [sflag:$0x7] =	stream.linear.gather [hbm4b:s29+s4], $0x140, $0x38;
	[tilespmem:$0x14780] =	vst v63  }
0x7d: {  	_ =	swait.ge [sflag:s0], $0x140  }
0x7e: {  	[sflag:s0] =	ssyncset.done $0x0  }
0x7f: {  	[sflag:s0] =	ssyncadd.s32 $0xFFFFFEC0  }
0x80: {  	[tilespmem:s2], [sflag:$0x7] =	stream.linear.gather [hbm4b:s30+s4], $0x2800, $0x38;
	[tilespmem:$0x14780] =	vst v63  }
0x81: {  	_ =	swait.ge [sflag:s0], $0x2800  }
0x82: {  	[sflag:s0] =	ssyncset.done $0x0  }
0x83: {  	[sflag:s0] =	ssyncadd.s32 $0xFFFFD800  }
0x84: {  	[tilespmem:s2], [sflag:$0x1] =	stream.indirect.gather.add.f32 [spmem:s3], $0x80, s4, s6, $0xb8;
	[tilespmem:$0x14780] =	vst v63  }
0x85: {  	_ = 	snop  }
0x86: {  	[tilespmem:s2], [sflag:$0x1] =	stream.indirect.gather.add.f32 [spmem:s3], $0x80, s6, s6, $0xb8;
	[tilespmem:$0x14780] =	vst v63  }
0x87: {  	_ = 	snop  }
0x88: {  	[tilespmem:s2], [sflag:$0x1] =	stream.indirect.gather.add.f32 [spmem:s3], $0x80, s7, s6, $0xb8;
	[tilespmem:$0x14780] =	vst v63  }
0x89: {  	_ = 	snop  }
0x8a: {  	[tilespmem:s2], [sflag:$0x1] =	stream.indirect.gather.add.f32 [spmem:s3], $0x80, s8, s6, $0xb8;
	[tilespmem:$0x14780] =	vst v63  }
0x8b: {  	_ =	swait.ge [sflag:s15], $0x2800  }
0x8c: {  	[sflag:s15] =	ssyncset.done $0x0  }
0x8d: {  	[sflag:s15] =	ssyncadd.s32 $0xFFFFD800  }
0x8e: {  	_ =	swait.ge [sflag:s15], $0x2800  }
0x8f: {  	[sflag:s15] =	ssyncset.done $0x0  }
0x90: {  	[sflag:s15] =	ssyncadd.s32 $0xFFFFD800  }
0x91: {  	_ =	swait.ge [sflag:s15], $0x2800  }
0x92: {  	[sflag:s15] =	ssyncset.done $0x0  }
0x93: {  	[sflag:s15] =	ssyncadd.s32 $0xFFFFD800  }
0x94: {  	_ =	swait.ge [sflag:s15], $0x2800  }
0x95: {  	[sflag:s15] =	ssyncset.done $0x0  }
0x96: {  	s24 =	simm.s32 @!p0 $0x4;
	s25 =	rddreg [dreg:$0xb];
	[sflag:s15] =	ssyncadd.s32 $0xFFFFD800  }
0x97: {  	[hbm4b:s25+s4] =	stream.linear.scatter [tilespmem:s10], [sflag:$0x4], $0x2800, $0x38;
	[tilespmem:$0x14780] =	vst v63  }
0x98: {  	_ =	swait.ge @!p0 [sflag:s24], $0x2800  }
0x99: {  	s25 =	simm.s32 @!p0 $0x140;
	[sflag:s24] =	ssyncset.done @!p0 $0x0  }
0x9a: {  	s12 =	rddreg [dreg:$0xc];
	[sflag:s24] =	ssyncadd.s32 @!p0 $0xFFFFD800;
	s24 =	simm.s32 @!p0 $0x0  }
0x9b: {  	[tilespmem:s25], [sflag:$0x7] =	stream.linear.gather @!p0 [hbm4b:s12+s24], $0x140, $0x38;
	[tilespmem:$0x14780] =	vst v63  }
0x9c: {  	s12 =	simm.s32 @!p0 $0x7  }
0x9d: {  	_ =	swait.ge @!p0 [sflag:s12], $0x140  }
0x9e: {  	[sflag:s12] =	ssyncset.done @!p0 $0x0  }
0x9f: {  	s20 =	simm.s32 @!p0 $0x2A80;
	s28 =	rddreg [dreg:$0xd];
	[sflag:s12] =	ssyncadd.s32 @!p0 $0xFFFFFEC0  }
0xa0: {  	[tilespmem:s20], [sflag:$0x7] =	stream.linear.gather @!p0 [hbm4b:s28+s24], $0x2800, $0x38;
	[tilespmem:$0x14780] =	vst v63  }
0xa1: {  	_ =	swait.ge @!p0 [sflag:s12], $0x2800  }
0xa2: {  	[sflag:s12] =	ssyncset.done @!p0 $0x0  }
0xa3: {  	[sflag:s12] =	ssyncadd.s32 @!p0 $0xFFFFD800;
	s12 =	simm.s32 @!p0 $0x50  }
0xa4: {  	[tilespmem:s20], [sflag:$0x2] =	stream.indirect.gather.add.f32 @!p0 [spmem:s3], $0x80, s25, s12, $0xb8;
	[tilespmem:$0x14780] =	vst v63  }
0xa5: {  	s25 =	simm.s32 @!p0 $0x190  }
0xa6: {  	[tilespmem:s20], [sflag:$0x2] =	stream.indirect.gather.add.f32 @!p0 [spmem:s3], $0x80, s25, s12, $0xb8;
	[tilespmem:$0x14780] =	vst v63  }
0xa7: {  	s25 =	simm.s32 @!p0 $0x1E0  }
0xa8: {  	[tilespmem:s20], [sflag:$0x2] =	stream.indirect.gather.add.f32 @!p0 [spmem:s3], $0x80, s25, s12, $0xb8;
	[tilespmem:$0x14780] =	vst v63  }
0xa9: {  	s25 =	simm.s32 @!p0 $0x230  }
0xaa: {  	[tilespmem:s20], [sflag:$0x2] =	stream.indirect.gather.add.f32 @!p0 [spmem:s3], $0x80, s25, s12, $0xb8;
	[tilespmem:$0x14780] =	vst v63  }
0xab: {  	_ =	swait.ge [sflag:s13], $0x2800  }
0xac: {  	[sflag:s13] =	ssyncset.done $0x0  }
0xad: {  	[sflag:s13] =	ssyncadd.s32 $0xFFFFD800  }
0xae: {  	_ =	swait.ge [sflag:s13], $0x2800  }
0xaf: {  	[sflag:s13] =	ssyncset.done $0x0  }
0xb0: {  	[sflag:s13] =	ssyncadd.s32 $0xFFFFD800  }
0xb1: {  	_ =	swait.ge [sflag:s13], $0x2800  }
0xb2: {  	[sflag:s13] =	ssyncset.done $0x0  }
0xb3: {  	[sflag:s13] =	ssyncadd.s32 $0xFFFFD800  }
0xb4: {  	_ =	swait.ge [sflag:s13], $0x2800  }
0xb5: {  	[sflag:s13] =	ssyncset.done $0x0  }
0xb6: {  	s12 =	simm.s32 @!p0 $0x2;
	s28 =	rddreg [dreg:$0xe];
	[sflag:s13] =	ssyncadd.s32 $0xFFFFD800  }
0xb7: {  	[hbm4b:s28+s4] =	stream.linear.scatter [tilespmem:s2], [sflag:$0x3], $0x2800, $0x38;
	[tilespmem:$0x14780] =	vst v63  }
0xb8: {  	_ =	swait.ge @!p0 [sflag:s12], $0x2800  }
0xb9: {  	[sflag:s12] =	ssyncset.done @!p0 $0x0  }
0xba: {  	[sflag:s12] =	ssyncadd.s32 @!p0 $0xFFFFD800  }
0xbb: {  	_ =	swait.ge @!p0 [sflag:s12], $0x2800  }
0xbc: {  	[sflag:s12] =	ssyncset.done @!p0 $0x0  }
0xbd: {  	[sflag:s12] =	ssyncadd.s32 @!p0 $0xFFFFD800  }
0xbe: {  	_ =	swait.ge @!p0 [sflag:s12], $0x2800  }
0xbf: {  	[sflag:s12] =	ssyncset.done @!p0 $0x0  }
0xc0: {  	[sflag:s12] =	ssyncadd.s32 @!p0 $0xFFFFD800  }
0xc1: {  	_ =	swait.ge @!p0 [sflag:s12], $0x2800  }
0xc2: {  	[sflag:s12] =	ssyncset.done @!p0 $0x0  }
0xc3: {  	[sflag:s12] =	ssyncadd.s32 @!p0 $0xFFFFD800;
	s12 =	rddreg [dreg:$0xf]  }
0xc4: {  	[hbm4b:s12+s24] =	stream.linear.scatter @!p0 [tilespmem:s20], [sflag:$0x4], $0x2800, $0x38;
	[tilespmem:$0x14780] =	vst v63  }
0xc5: {  	s24 =	rddreg [dreg:$0x10]  }
0xc6: {  	[tilespmem:s16], [sflag:$0x7] =	stream.linear.gather [hbm4b:s24+s4], $0x2800, $0x38;
	[tilespmem:$0x14780] =	vst v63  }
0xc7: {  	_ =	swait.ge [sflag:s0], $0x2800  }
0xc8: {  	[sflag:s0] =	ssyncset.done $0x0  }
0xc9: {  	[sflag:s0] =	ssyncadd.s32 $0xFFFFD800  }
0xca: {  	[spmem:s1] =	stream.indirect.scatter.add.f32 [tilespmem:s18], [sflag:$0x5], $0x10, s16, s17, $0xb8;
	[tilespmem:$0x14780] =	vst v63  }
0xcb: {  	s25 =	simm.s32 $0x5480  }
0xcc: {  	[spmem:s1] =	stream.indirect.scatter.add.f32 [tilespmem:s18], [sflag:$0x6], $0x10, s25, s17, $0xb8;
	[tilespmem:$0x14780] =	vst v63  }
0xcd: {  	_ =	swait.ge [sflag:s19], $0x2000  }
0xce: {  	[sflag:s19] =	ssyncset.done $0x0  }
0xcf: {  	s28 =	simm.s32 $0x5680;
	[sflag:s19] =	ssyncadd.s32 $0xFFFFE000  }
0xd0: {  	[spmem:s1] =	stream.indirect.scatter.add.f32 [tilespmem:s18], [sflag:$0x5], $0x10, s28, s17, $0xb8;
	[tilespmem:$0x14780] =	vst v63  }
0xd1: {  	_ =	swait.ge [sflag:s21], $0x2000  }
0xd2: {  	[sflag:s21] =	ssyncset.done $0x0  }
0xd3: {  	s20 =	simm.s32 $0x5880;
	[sflag:s21] =	ssyncadd.s32 $0xFFFFE000  }
0xd4: {  	[spmem:s1] =	stream.indirect.scatter.add.f32 [tilespmem:s18], [sflag:$0x6], $0x10, s20, s17, $0xb8;
	[tilespmem:$0x14780] =	vst v63  }
0xd5: {  	_ =	swait.ge [sflag:s19], $0x2000  }
0xd6: {  	[sflag:s19] =	ssyncset.done $0x0  }
0xd7: {  	s24 =	simm.s32 $0x5A80;
	[sflag:s19] =	ssyncadd.s32 $0xFFFFE000  }
0xd8: {  	[spmem:s1] =	stream.indirect.scatter.add.f32 [tilespmem:s18], [sflag:$0x5], $0x10, s24, s17, $0xb8;
	[tilespmem:$0x14780] =	vst v63  }
0xd9: {  	_ =	swait.ge [sflag:s21], $0x2000  }
0xda: {  	[sflag:s21] =	ssyncset.done $0x0  }
0xdb: {  	s25 =	simm.s32 $0x5C80;
	[sflag:s21] =	ssyncadd.s32 $0xFFFFE000  }
0xdc: {  	[spmem:s1] =	stream.indirect.scatter.add.f32 [tilespmem:s18], [sflag:$0x6], $0x10, s25, s17, $0xb8;
	[tilespmem:$0x14780] =	vst v63  }
0xdd: {  	_ =	swait.ge [sflag:s19], $0x2000  }
0xde: {  	[sflag:s19] =	ssyncset.done $0x0  }
0xdf: {  	s28 =	simm.s32 $0x5E80;
	[sflag:s19] =	ssyncadd.s32 $0xFFFFE000  }
0xe0: {  	[spmem:s1] =	stream.indirect.scatter.add.f32 [tilespmem:s18], [sflag:$0x5], $0x10, s28, s17, $0xb8;
	[tilespmem:$0x14780] =	vst v63  }
0xe1: {  	_ =	swait.ge [sflag:s21], $0x2000  }
0xe2: {  	[sflag:s21] =	ssyncset.done $0x0  }
0xe3: {  	s20 =	simm.s32 $0x6080;
	[sflag:s21] =	ssyncadd.s32 $0xFFFFE000  }
0xe4: {  	[spmem:s1] =	stream.indirect.scatter.add.f32 [tilespmem:s18], [sflag:$0x6], $0x10, s20, s17, $0xb8;
	[tilespmem:$0x14780] =	vst v63  }
0xe5: {  	_ =	swait.ge [sflag:s19], $0x2000  }
0xe6: {  	[sflag:s19] =	ssyncset.done $0x0  }
0xe7: {  	s24 =	simm.s32 $0x6280;
	[sflag:s19] =	ssyncadd.s32 $0xFFFFE000  }
0xe8: {  	[spmem:s1] =	stream.indirect.scatter.add.f32 [tilespmem:s18], [sflag:$0x5], $0x10, s24, s17, $0xb8;
	[tilespmem:$0x14780] =	vst v63  }
0xe9: {  	_ =	swait.ge [sflag:s21], $0x2000  }
0xea: {  	[sflag:s21] =	ssyncset.done $0x0  }
0xeb: {  	s25 =	simm.s32 $0x6480;
	[sflag:s21] =	ssyncadd.s32 $0xFFFFE000  }
0xec: {  	[spmem:s1] =	stream.indirect.scatter.add.f32 [tilespmem:s18], [sflag:$0x6], $0x10, s25, s17, $0xb8;
	[tilespmem:$0x14780] =	vst v63  }
0xed: {  	_ =	swait.ge [sflag:s19], $0x2000  }
0xee: {  	[sflag:s19] =	ssyncset.done $0x0  }
0xef: {  	s28 =	simm.s32 $0x6680;
	[sflag:s19] =	ssyncadd.s32 $0xFFFFE000  }
0xf0: {  	[spmem:s1] =	stream.indirect.scatter.add.f32 [tilespmem:s18], [sflag:$0x5], $0x10, s28, s17, $0xb8;
	[tilespmem:$0x14780] =	vst v63  }
0xf1: {  	_ =	swait.ge [sflag:s21], $0x2000  }
0xf2: {  	[sflag:s21] =	ssyncset.done $0x0  }
0xf3: {  	s20 =	simm.s32 $0x6880;
	[sflag:s21] =	ssyncadd.s32 $0xFFFFE000  }
0xf4: {  	[spmem:s1] =	stream.indirect.scatter.add.f32 [tilespmem:s18], [sflag:$0x6], $0x10, s20, s17, $0xb8;
	[tilespmem:$0x14780] =	vst v63  }
0xf5: {  	_ =	swait.ge [sflag:s19], $0x2000  }
0xf6: {  	[sflag:s19] =	ssyncset.done $0x0  }
0xf7: {  	s24 =	simm.s32 $0x6A80;
	[sflag:s19] =	ssyncadd.s32 $0xFFFFE000  }
0xf8: {  	[spmem:s1] =	stream.indirect.scatter.add.f32 [tilespmem:s18], [sflag:$0x5], $0x10, s24, s17, $0xb8;
	[tilespmem:$0x14780] =	vst v63  }
0xf9: {  	_ =	swait.ge [sflag:s21], $0x2000  }
0xfa: {  	[sflag:s21] =	ssyncset.done $0x0  }
0xfb: {  	s25 =	simm.s32 $0x6C80;
	[sflag:s21] =	ssyncadd.s32 $0xFFFFE000  }
0xfc: {  	[spmem:s1] =	stream.indirect.scatter.add.f32 [tilespmem:s18], [sflag:$0x6], $0x10, s25, s17, $0xb8;
	[tilespmem:$0x14780] =	vst v63  }
0xfd: {  	_ =	swait.ge [sflag:s19], $0x2000  }
0xfe: {  	[sflag:s19] =	ssyncset.done $0x0  }
0xff: {  	s28 =	simm.s32 $0x6E80;
	[sflag:s19] =	ssyncadd.s32 $0xFFFFE000  }
0x100: {  	[spmem:s1] =	stream.indirect.scatter.add.f32 [tilespmem:s18], [sflag:$0x5], $0x10, s28, s17, $0xb8;
	[tilespmem:$0x14780] =	vst v63  }
0x101: {  	_ =	swait.ge [sflag:s21], $0x2000  }
0x102: {  	[sflag:s21] =	ssyncset.done $0x0  }
0x103: {  	s20 =	simm.s32 $0x7080;
	[sflag:s21] =	ssyncadd.s32 $0xFFFFE000  }
0x104: {  	[spmem:s1] =	stream.indirect.scatter.add.f32 [tilespmem:s18], [sflag:$0x6], $0x10, s20, s17, $0xb8;
	[tilespmem:$0x14780] =	vst v63  }
0x105: {  	_ =	swait.ge [sflag:s19], $0x2000  }
0x106: {  	[sflag:s19] =	ssyncset.done $0x0  }
0x107: {  	s24 =	simm.s32 $0x7280;
	[sflag:s19] =	ssyncadd.s32 $0xFFFFE000  }
0x108: {  	[spmem:s1] =	stream.indirect.scatter.add.f32 [tilespmem:s18], [sflag:$0x5], $0x10, s24, s17, $0xb8;
	[tilespmem:$0x14780] =	vst v63  }
0x109: {  	_ =	swait.ge [sflag:s21], $0x2000  }
0x10a: {  	[sflag:s21] =	ssyncset.done $0x0  }
0x10b: {  	s25 =	simm.s32 $0x7480;
	[sflag:s21] =	ssyncadd.s32 $0xFFFFE000  }
0x10c: {  	[spmem:s1] =	stream.indirect.scatter.add.f32 [tilespmem:s18], [sflag:$0x6], $0x10, s25, s17, $0xb8;
	[tilespmem:$0x14780] =	vst v63  }
0x10d: {  	_ =	swait.ge [sflag:s19], $0x2000  }
0x10e: {  	[sflag:s19] =	ssyncset.done $0x0  }
0x10f: {  	s28 =	simm.s32 $0x7680;
	[sflag:s19] =	ssyncadd.s32 $0xFFFFE000  }
0x110: {  	[spmem:s1] =	stream.indirect.scatter.add.f32 [tilespmem:s18], [sflag:$0x5], $0x10, s28, s17, $0xb8;
	[tilespmem:$0x14780] =	vst v63  }
0x111: {  	_ =	swait.ge [sflag:s21], $0x2000  }
0x112: {  	[sflag:s21] =	ssyncset.done $0x0  }
0x113: {  	s20 =	simm.s32 $0x7880;
	[sflag:s21] =	ssyncadd.s32 $0xFFFFE000  }
0x114: {  	[spmem:s1] =	stream.indirect.scatter.add.f32 [tilespmem:s18], [sflag:$0x6], $0x10, s20, s17, $0xb8;
	[tilespmem:$0x14780] =	vst v63  }
0x115: {  	_ =	swait.ge [sflag:s19], $0x2000  }
0x116: {  	[sflag:s19] =	ssyncset.done $0x0  }
0x117: {  	[sflag:s19] =	ssyncadd.s32 $0xFFFFE000  }
0x118: {  	_ =	swait.ge [sflag:s21], $0x2000  }
0x119: {  	[sflag:s21] =	ssyncset.done $0x0  }
0x11a: {  	[sflag:s21] =	ssyncadd.s32 $0xFFFFE000  }
0x11b: {  	_ =	swait.ge [sflag:s14], $0x2800  }
0x11c: {  	[sflag:s14] =	ssyncset.done $0x0  }
0x11d: {  	[sflag:s14] =	ssyncadd.s32 $0xFFFFD800  }
0x11e: {  	_ =	swait.ge [sflag:s22], $0x2800  }
0x11f: {  	[sflag:s22] =	ssyncset.done $0x0  }
0x120: {  	[sflag:s22] =	ssyncadd.s32 $0xFFFFD800  }
0x121: {  	[bflag:$0x0] =	sbarrier.arrive $0xFFFF  }
0x122: {  	s24 =	rddreg [dreg:$0x14]  }
0x123: {  	s25 =	rddreg [dreg:$0x15]  }
0x124: {  	[hbm:s24], [sflag:s23] =	dma.local [spmem:s25], $0x4E0  }
0x125: {  	_ =	swait.ge [sflag:s0], $0x4E0  }
0x126: {  	[sflag:s0] =	ssyncset.done $0x0;
	s12 =	rddreg [dreg:$0x11]  }
0x127: {  	s20 =	rddreg [dreg:$0x16];
	[sflag:s0] =	ssyncadd.s32 $0xFFFFFB20;
	s12 =	sadd.s32 @!p1 $0x4E00, s12  }
0x128: {  	[hbm:s12], [sflag:s23] =	dma.local @!p1 [spmem:s20], $0x20  }
0x129: {  	s12 =	simm.s32 @!p1 $0x7  }
0x12a: {  	_ =	swait.ge @!p1 [sflag:s12], $0x20  }
0x12b: {  	s11 =	sadd.s32 $0x1, s11;
	s28 =	rddreg [dreg:$0x12]  }
0x12c: {  	p2 =	sne.s32 s11, s28  }
.Ltmp2:
0x12d: {  	_ = 	snop;
	(pc) =	sbr.rel @p2 .LBB2_1-.Ltmp2, $3  }
0x12e: {  	_ =	sdelay $0x1  }
0x12f: {  	[sflag:s12] =	ssyncset.done @!p1 $0x0  }
0x130: {  	[sflag:s12] =	ssyncadd.s32 @!p1 $0xFFFFFFE0  }
0x131: {  	_ =	sfence.sel $0x180000  }
0x132: {  	[bflag:$0x0] =	sbarrier.arrive $0xFFFF  }
0x133: {  	_ =	strace $0x90000047  }
0x134: {  	s0 =	stileid.u32;
	[bflag:$0x2] =	sbarrier.arrive $0xFFFF  }
0x135: {  	p0 =	sne.s32 s0, $0x0;
	s0 =	rddreg [dreg:$0x3]  }
0x136: {  	s0 =	sadd.s32 @!p0 $0x100000, s0  }
0x137: {  	[sflag:s0] =	ssyncadd.tile.s32 @!p0 $0x1;
	_ =	shalt  }
.Lfunc_end2:
_tile_overlayer_lowered:
.L_overlay_start_2:
0x138: {  	(tag) =	ssettag $0x2  }
0x139: {  	s0 =	rddreg [dreg:$0x0];
	s2 =	stileid.u32  }
0x13a: {  	s1 =	rddreg [dreg:$0x1];
	p0 =	sne.s32 s2, $0x0  }
0x13b: {  	s3 =	rddreg [dreg:$0x2];
	[bflag:$0x3] =	sbarrier.arrive $0xFFFF;
	s2 =	simm.s32 @!p0 $0x1C07  }
0x13c: {  	[timem:s3], [sflag:s2] =	dma.local @!p0 [hbm:s0], s1  }
0x13d: {  	s0 =	simm.s32 @!p0 $0x7  }
0x13e: {  	_ =	swait.ge @!p0 [sflag:s0], s1  }
0x13f: {  	s1 =	ssub.s32 @!p0 $0x0, s1;
	[sflag:s0] =	ssyncset.done @!p0 $0x0  }
0x140: {  	[sflag:s0] =	ssyncadd.s32 @!p0 s1  }
0x141: {  	[bflag:$0x3] =	sbarrier.arrive $0xFFFF  }
0x142: {  	_ =	shalt  }

</sc_bundles>
